<compile_context>
chip_gen: v7x
topology: tpu7x:2x2x1
jax: 0.10.2.dev20260603
libtpu: 0.0.44.dev20260713+nightly
codegen_flags: <defaults>
</compile_context>

<pallas_src>
import functools

import jax
import jax.numpy as jnp
import numpy as np
from jax import lax
from jax.experimental import pallas as pl
from jax.experimental.pallas import tpu as pltpu
from jax.experimental.pallas import tpu_sc as plsc

S = 2048
D = 1024
H = 16
KV = 8
HD = 64
FF = 3584
E = 8
TOPK = 2
EPS = 1e-5
THETA = 10000.0

BS = 512
BM = 512
BN = 512
NF = FF // BN
NT = (S * TOPK) // BM

NW = 32
TPB = S // NW


def _preattn_body(pos_cos_ref, pos_sin_ref, hs_ref, ln1_ref, w_ref,
                  q_ref, k_ref, v_ref):
    hs = hs_ref[...]
    var = jnp.mean(hs * hs, axis=1, keepdims=True)
    hsn = hs * lax.rsqrt(var + EPS) * ln1_ref[...]
    qkv = jnp.dot(hsn, w_ref[...], preferred_element_type=jnp.float32)
    cos = pos_cos_ref[...]
    sin = pos_sin_ref[...]

    def rope(x):
        x1 = x[:, : HD // 2]
        x2 = x[:, HD // 2:]
        return jnp.concatenate([x1 * cos - x2 * sin, x2 * cos + x1 * sin],
                               axis=1)

    for h in range(H):
        q_ref[h] = rope(qkv[:, h * HD:(h + 1) * HD])
    for h in range(KV):
        k_ref[h] = rope(qkv[:, H * HD + h * HD: H * HD + (h + 1) * HD])
        v_ref[h] = qkv[:, (H + KV) * HD + h * HD: (H + KV) * HD + (h + 1) * HD]


def _preattn(cos_t, sin_t, hidden_states, ln1_w, Wqkv):
    bsp = 256
    nblk = S // bsp
    return pl.pallas_call(
        _preattn_body,
        grid=(nblk,),
        in_specs=[
            pl.BlockSpec((bsp, HD // 2), lambda i: (i, 0)),
            pl.BlockSpec((bsp, HD // 2), lambda i: (i, 0)),
            pl.BlockSpec((bsp, D), lambda i: (i, 0)),
            pl.BlockSpec((1, D), lambda i: (0, 0)),
            pl.BlockSpec((D, (H + 2 * KV) * HD), lambda i: (0, 0)),
        ],
        out_specs=[
            pl.BlockSpec((H, bsp, HD), lambda i: (0, i, 0)),
            pl.BlockSpec((KV, bsp, HD), lambda i: (0, i, 0)),
            pl.BlockSpec((KV, bsp, HD), lambda i: (0, i, 0)),
        ],
        out_shape=[
            jax.ShapeDtypeStruct((H, S, HD), jnp.float32),
            jax.ShapeDtypeStruct((KV, S, HD), jnp.float32),
            jax.ShapeDtypeStruct((KV, S, HD), jnp.float32),
        ],
    )(cos_t, sin_t, hidden_states, ln1_w.reshape(1, D), Wqkv)


def _attn_body(q_ref, k_ref, v_ref, o_ref):
    i = pl.program_id(1)
    q = q_ref[0]
    k = k_ref[0]
    v = v_ref[0]
    s = lax.dot_general(q, k, (((1,), (1,)), ((), ())),
                        preferred_element_type=jnp.float32) * (1.0 / 8.0)
    row = lax.broadcasted_iota(jnp.int32, (BS, S), 0) + i * BS
    col = lax.broadcasted_iota(jnp.int32, (BS, S), 1)
    s = jnp.where(col <= row, s, -1e30)
    m = jnp.max(s, axis=1, keepdims=True)
    p = jnp.exp(s - m)
    p = p / jnp.sum(p, axis=1, keepdims=True)
    o_ref[0] = jnp.dot(p, v, preferred_element_type=jnp.float32)


def _attention(q, k, v):
    rep = H // KV
    return pl.pallas_call(
        _attn_body,
        grid=(H, S // BS),
        in_specs=[
            pl.BlockSpec((1, BS, HD), lambda h, i: (h, i, 0)),
            pl.BlockSpec((1, S, HD), lambda h, i: (h // rep, 0, 0)),
            pl.BlockSpec((1, S, HD), lambda h, i: (h // rep, 0, 0)),
        ],
        out_specs=pl.BlockSpec((1, BS, HD), lambda h, i: (h, i, 0)),
        out_shape=jax.ShapeDtypeStruct((H, S, HD), jnp.float32),
    )(q, k, v)


def _postattn_body(a_ref, wo_ref, res_ref, ln2_ref, gw_ref,
                   res2_ref, hs2_ref, lg_ref):
    attn = jnp.concatenate([a_ref[h] for h in range(H)], axis=1)
    ao = jnp.dot(attn, wo_ref[...], preferred_element_type=jnp.float32)
    r2 = res_ref[...] + ao
    res2_ref[...] = r2
    var = jnp.mean(r2 * r2, axis=1, keepdims=True)
    hs2 = r2 * lax.rsqrt(var + EPS) * ln2_ref[...]
    hs2_ref[...] = hs2
    lg_ref[...] = jnp.dot(hs2, gw_ref[...], preferred_element_type=jnp.float32)


def _postattn(attn_heads, Wo, residual, ln2_w, gate_w):
    nblk = S // BS
    return pl.pallas_call(
        _postattn_body,
        grid=(nblk,),
        in_specs=[
            pl.BlockSpec((H, BS, HD), lambda i: (0, i, 0)),
            pl.BlockSpec((H * HD, D), lambda i: (0, 0)),
            pl.BlockSpec((BS, D), lambda i: (i, 0)),
            pl.BlockSpec((1, D), lambda i: (0, 0)),
            pl.BlockSpec((D, E), lambda i: (0, 0)),
        ],
        out_specs=[
            pl.BlockSpec((BS, D), lambda i: (i, 0)),
            pl.BlockSpec((BS, D), lambda i: (i, 0)),
            pl.BlockSpec((BS, E), lambda i: (i, 0)),
        ],
        out_shape=[
            jax.ShapeDtypeStruct((S, D), jnp.float32),
            jax.ShapeDtypeStruct((S, D), jnp.float32),
            jax.ShapeDtypeStruct((S, E), jnp.float32),
        ],
    )(attn_heads, Wo, residual, ln2_w.reshape(1, D), gate_w)


_RB = 512
_NP = S * TOPK


def _top2(lg):
    eid = lax.broadcasted_iota(jnp.int32, lg.shape, 1)
    m1 = jnp.max(lg, axis=1, keepdims=True)
    e1 = jnp.min(jnp.where(lg == m1, eid, E), axis=1, keepdims=True)
    lg2 = jnp.where(eid == e1, -jnp.inf, lg)
    m2 = jnp.max(lg2, axis=1, keepdims=True)
    e2 = jnp.min(jnp.where(lg2 == m2, eid, E), axis=1, keepdims=True)
    return eid, e1, e2, m1, m2


def _route_body(lgf_ref, lgb_ref, pos_ref, w_ref, cnt_ref):
    i = pl.program_id(0)
    slot = i // (S // _RB)
    eidf, e1f, e2f, _, _ = _top2(lgf_ref[...])
    ohf = jnp.concatenate(
        [(eidf == e1f), (eidf == e2f)], axis=0).astype(jnp.float32)
    eidb, e1b, e2b, m1b, m2b = _top2(lgb_ref[...])
    ohb = jnp.where(slot == 0, (eidb == e1b).astype(jnp.float32),
                    (eidb == e2b).astype(jnp.float32))
    wtop = 1.0 / (1.0 + jnp.exp(m2b - m1b))
    w_ref[...] = jnp.where(slot == 0, wtop, 1.0 - wtop)
    pairid = lax.broadcasted_iota(jnp.int32, (_RB, _NP), 0) + i * _RB
    colid = lax.broadcasted_iota(jnp.int32, (_RB, _NP), 1)
    m = (colid <= pairid).astype(jnp.float32)
    c = jnp.dot(m, ohf, preferred_element_type=jnp.float32)
    counts = jnp.sum(ohf, axis=0, keepdims=True)
    off = jnp.zeros((1, E), jnp.float32)
    for sh in range(1, E):
        off = off + jnp.concatenate(
            [jnp.zeros((1, sh), jnp.float32), counts[:, : E - sh]], axis=1)
    rank = jnp.sum(ohb * c, axis=1, keepdims=True) - 1.0
    base = jnp.sum(ohb * off, axis=1, keepdims=True)
    pos_ref[...] = (rank + base).astype(jnp.int32)
    cnt_ref[...] = counts.astype(jnp.int32)


def _route(logits):
    nblk = S // _RB
    pos, w, cnt = pl.pallas_call(
        _route_body,
        grid=(_NP // _RB,),
        in_specs=[
            pl.BlockSpec((S, E), lambda i: (0, 0)),
            pl.BlockSpec((_RB, E), lambda i: (i % (S // _RB), 0)),
        ],
        out_specs=[
            pl.BlockSpec((_RB, 1), lambda i: (i, 0)),
            pl.BlockSpec((_RB, 1), lambda i: (i, 0)),
            pl.BlockSpec((1, E), lambda i: (0, 0)),
        ],
        out_shape=[
            jax.ShapeDtypeStruct((_NP, 1), jnp.int32),
            jax.ShapeDtypeStruct((_NP, 1), jnp.float32),
            jax.ShapeDtypeStruct((1, E), jnp.int32),
        ],
    )(logits, logits)
    del nblk
    return w[:S], w[S:], pos[:S], pos[S:], cnt


@functools.cache
def _make_sc_scatter():
    mesh = plsc.VectorSubcoreMesh(core_axis_name="c", subcore_axis_name="s")

    @functools.partial(
        pl.kernel,
        out_type=jax.ShapeDtypeStruct((S * TOPK, D), jnp.float32),
        mesh=mesh,
        scratch_types=[
            pltpu.VMEM((TPB, D), jnp.float32),
            pltpu.VMEM((TPB,), jnp.int32),
            pltpu.VMEM((TPB,), jnp.int32),
            pltpu.SemaphoreType.DMA,
        ],
    )
    def sc_scatter(hs2, p0, p1, xs, rows_v, i0_v, i1_v, sem):
        wid = lax.axis_index("s") * 2 + lax.axis_index("c")
        base = wid * TPB
        pltpu.sync_copy(hs2.at[pl.ds(base, TPB)], rows_v)
        pltpu.sync_copy(p0.at[pl.ds(base, TPB)], i0_v)
        pltpu.sync_copy(p1.at[pl.ds(base, TPB)], i1_v)
        pltpu.async_copy(rows_v, xs.at[i0_v], sem).wait()
        pltpu.async_copy(rows_v, xs.at[i1_v], sem).wait()

    return sc_scatter


def _sc_scatter(hs2, p0, p1):
    return _make_sc_scatter()(hs2, p0, p1)


@functools.cache
def _make_sc_gather():
    mesh = plsc.VectorSubcoreMesh(core_axis_name="c", subcore_axis_name="s")

    @functools.partial(
        pl.kernel,
        out_type=(
            jax.ShapeDtypeStruct((S, D), jnp.float32),
            jax.ShapeDtypeStruct((S, D), jnp.float32),
        ),
        mesh=mesh,
        scratch_types=[
            pltpu.VMEM((TPB, D), jnp.float32),
            pltpu.VMEM((TPB,), jnp.int32),
            pltpu.SemaphoreType.DMA,
        ],
    )
    def sc_gather(osort, p0, p1, a0, a1, rows_v, idx_v, sem):
        wid = lax.axis_index("s") * 2 + lax.axis_index("c")
        base = wid * TPB
        pltpu.sync_copy(p0.at[pl.ds(base, TPB)], idx_v)
        pltpu.async_copy(osort.at[idx_v], rows_v, sem).wait()
        pltpu.sync_copy(rows_v, a0.at[pl.ds(base, TPB)])
        pltpu.sync_copy(p1.at[pl.ds(base, TPB)], idx_v)
        pltpu.async_copy(osort.at[idx_v], rows_v, sem).wait()
        pltpu.sync_copy(rows_v, a1.at[pl.ds(base, TPB)])

    return sc_gather


def _sc_gather(osort, p0, p1):
    return _make_sc_gather()(osort, p0, p1)


def _gmm_body(gs_ref, ge_ref, x_ref, w1_ref, w3_ref, w2_ref, o_ref):
    e = pl.program_id(0)
    f = pl.program_id(1)
    gs = gs_ref[e]
    ge = ge_ref[e]
    w1 = w1_ref[0]
    w3 = w3_ref[0]
    w2 = w2_ref[0]
    for b in range(NT):
        @pl.when((ge > b * BM) & (gs < (b + 1) * BM))
        def _(b=b):
            rowid = lax.broadcasted_iota(jnp.int32, (BM, 1), 0) + b * BM
            msk = (rowid >= gs) & (rowid < ge)
            x = jnp.where(msk, x_ref[pl.ds(b * BM, BM)],
                          0.0).astype(jnp.bfloat16)
            g = jnp.dot(x, w1, preferred_element_type=jnp.float32)
            u = jnp.dot(x, w3, preferred_element_type=jnp.float32)
            h = (g * u / (1.0 + jnp.exp(-g))).astype(jnp.bfloat16)
            partial = jnp.dot(h, w2, preferred_element_type=jnp.float32)
            first = (f == 0) & (gs <= b * BM)

            @pl.when(first)
            def _():
                o_ref[pl.ds(b * BM, BM)] = partial

            @pl.when(jnp.logical_not(first))
            def _():
                o_ref[pl.ds(b * BM, BM)] += partial


def _gmm(gs_e, ge_e, xs, w1, w3, w2):
    grid_spec = pltpu.PrefetchScalarGridSpec(
        num_scalar_prefetch=2,
        grid=(E, NF),
        in_specs=[
            pl.BlockSpec((S * TOPK, D), lambda e, f, gs, ge: (0, 0)),
            pl.BlockSpec((1, D, BN), lambda e, f, gs, ge: (e, 0, f)),
            pl.BlockSpec((1, D, BN), lambda e, f, gs, ge: (e, 0, f)),
            pl.BlockSpec((1, BN, D), lambda e, f, gs, ge: (e, f, 0)),
        ],
        out_specs=pl.BlockSpec((S * TOPK, D), lambda e, f, gs, ge: (0, 0)),
    )
    return pl.pallas_call(
        _gmm_body,
        grid_spec=grid_spec,
        out_shape=jax.ShapeDtypeStruct((S * TOPK, D), jnp.float32),
    )(gs_e, ge_e, xs, w1, w3, w2)


def _combine_body(res2_ref, w0_ref, w1_ref, a0_ref, a1_ref, o_ref):
    o_ref[...] = (res2_ref[...] + w0_ref[...] * a0_ref[...]
                  + w1_ref[...] * a1_ref[...])


def _combine(res2, w0, w1, a0, a1):
    nblk = S // BS
    return pl.pallas_call(
        _combine_body,
        grid=(nblk,),
        in_specs=[
            pl.BlockSpec((BS, D), lambda i: (i, 0)),
            pl.BlockSpec((BS, 1), lambda i: (i, 0)),
            pl.BlockSpec((BS, 1), lambda i: (i, 0)),
            pl.BlockSpec((BS, D), lambda i: (i, 0)),
            pl.BlockSpec((BS, D), lambda i: (i, 0)),
        ],
        out_specs=pl.BlockSpec((BS, D), lambda i: (i, 0)),
        out_shape=jax.ShapeDtypeStruct((S, D), jnp.float32),
    )(res2, w0, w1, a0, a1)


def _group_bounds(counts):
    counts = counts.astype(jnp.int32)
    ge = jnp.cumsum(counts)
    gs = ge - counts
    return gs, ge


def kernel(positions, hidden_states, ln1_w, ln2_w, Wqkv, Wo, gate_w, w1, w2, w3):
    inv_freq = 1.0 / (THETA ** (np.arange(0, HD, 2, dtype=np.float32) / HD))
    ang = positions.astype(jnp.float32)[:, None] * inv_freq[None, :]
    cos_t = jnp.cos(ang)
    sin_t = jnp.sin(ang)

    q, k, v = _preattn(cos_t, sin_t, hidden_states, ln1_w, Wqkv)
    attn_heads = _attention(q, k, v)
    res2, hs2, logits = _postattn(attn_heads, Wo, hidden_states, ln2_w, gate_w)
    w0, w1r, p0, p1, cnt = _route(logits)

    p0f = p0.reshape(S)
    p1f = p1.reshape(S)
    xs = _sc_scatter(hs2, p0f, p1f)

    gs_e, ge_e = _group_bounds(cnt[0])
    osort = _gmm(gs_e, ge_e, xs,
                 w1.astype(jnp.bfloat16), w3.astype(jnp.bfloat16),
                 w2.astype(jnp.bfloat16))

    a0, a1 = _sc_gather(osort, p0f, p1f)
    return _combine(res2, w0, w1r, a0, a1)

# --- scband reference (transcript-rebuilt; emitter-appended) ---
"""Pipeline reference for scband-mixtral-decoder-layer-87462714016324 (READ-ONLY COPY).

The authoritative reference and input builder live on the scoring server;
editing this copy changes nothing except your own understanding.
"""

import jax, jax.numpy as jnp
import numpy as np

S = 2048
D = 1024
H = 16
KV = 8
HD = 64
FF = 3584
E = 8
TOPK = 2
EPS = 1e-5
THETA = 10000.0


def _rmsnorm(x, w, eps=EPS):
    var = jnp.mean(x.astype(jnp.float32) ** 2, axis=-1, keepdims=True)
    return (x * jax.lax.rsqrt(var + eps)) * w


def _rope(x, positions, theta=THETA):
    # x: (S, heads, HD); neox style (rotate halves)
    hd = x.shape[-1]
    inv_freq = 1.0 / (theta ** (jnp.arange(0, hd, 2, dtype=jnp.float32) / hd))
    ang = positions.astype(jnp.float32)[:, None] * inv_freq[None, :]  # (S, hd/2)
    cos = jnp.cos(ang)[:, None, :]
    sin = jnp.sin(ang)[:, None, :]
    x1 = x[..., : hd // 2]
    x2 = x[..., hd // 2 :]
    return jnp.concatenate([x1 * cos - x2 * sin, x2 * cos + x1 * sin], axis=-1)


def setup_inputs(seed: int = 0) -> dict:
    key = jax.random.key(seed)
    ks = jax.random.split(key, 10)
    s = 0.02
    return {
        "positions": jnp.arange(S, dtype=jnp.int32),
        "hidden_states": jax.random.normal(ks[0], (S, D), dtype=jnp.float32),
        "ln1_w": jnp.ones((D,), dtype=jnp.float32),
        "ln2_w": jnp.ones((D,), dtype=jnp.float32),
        "Wqkv": jax.random.normal(ks[1], (D, (H + 2 * KV) * HD), dtype=jnp.float32) * s,
        "Wo": jax.random.normal(ks[2], (H * HD, D), dtype=jnp.float32) * s,
        "gate_w": jax.random.normal(ks[3], (D, E), dtype=jnp.float32) * s,
        "w1": jax.random.normal(ks[4], (E, D, FF), dtype=jnp.float32) * s,
        "w2": jax.random.normal(ks[5], (E, FF, D), dtype=jnp.float32) * s,
        "w3": jax.random.normal(ks[6], (E, D, FF), dtype=jnp.float32) * s,
    }


def reference(positions, hidden_states, ln1_w, ln2_w, Wqkv, Wo, gate_w, w1, w2, w3):
    # --- input_layernorm (residual is None path) ---
    residual = hidden_states
    hs = _rmsnorm(hidden_states, ln1_w)

    # --- self attention (prefill / prompt mode, causal) ---
    qkv = hs @ Wqkv
    q = qkv[:, : H * HD].reshape(S, H, HD)
    k = qkv[:, H * HD : H * HD + KV * HD].reshape(S, KV, HD)
    v = qkv[:, H * HD + KV * HD :].reshape(S, KV, HD)
    q = _rope(q, positions)
    k = _rope(k, positions)
    rep = H // KV
    k_r = jnp.repeat(k, rep, axis=1)
    v_r = jnp.repeat(v, rep, axis=1)
    scale = 1.0 / np.sqrt(HD)
    scores = jnp.einsum("qhd,khd->hqk", q, k_r) * scale
    causal = jnp.tril(jnp.ones((S, S), dtype=bool))
    scores = jnp.where(causal[None, :, :], scores, -1e30)
    probs = jax.nn.softmax(scores, axis=-1)
    attn = jnp.einsum("hqk,khd->qhd", probs, v_r).reshape(S, H * HD)
    attn_out = attn @ Wo

    # --- post_attention_layernorm (fused residual add) ---
    residual = residual + attn_out
    hs = _rmsnorm(residual, ln2_w)

    # --- block sparse MoE (dense expert loop, as in reference torch code) ---
    router_logits = hs @ gate_w
    routing_weights = jax.nn.softmax(router_logits.astype(jnp.float32), axis=1)
    rw_top, selected = jax.lax.top_k(routing_weights, TOPK)
    rw_top = rw_top / jnp.sum(rw_top, axis=-1, keepdims=True)
    final = jnp.zeros_like(hs)
    for e in range(E):
        expert_mask = (selected == e)
        expert_weights = jnp.sum(rw_top * expert_mask, axis=-1, keepdims=True)
        h1 = jax.nn.silu(hs @ w1[e]) * (hs @ w3[e])
        final = final + (h1 @ w2[e]) * expert_weights

    return final + residual

if __name__ == "__main__":
    import jax
    _d = setup_inputs()
    print(jax.jit(kernel)(*tuple(_d.values())))

</pallas_src>

<mosaic_0001>
#map = affine_map<(d0, d1) -> (0, 0)>
#map1 = affine_map<(d0, d1) -> (0)>
module attributes {stable_mosaic.version = 14 : i64} {
  func.func @sc_scatter(%arg0: i32, %arg1: i32, %arg2: memref<2048x1024xf32, #tpu.memory_space<hbm>>, %arg3: memref<2048xi32, #tpu.memory_space<hbm>>, %arg4: memref<2048xi32, #tpu.memory_space<hbm>>, %arg5: memref<4096x1024xf32, #tpu.memory_space<hbm>>, %arg6: memref<64x1024xf32, #tpu.memory_space<vmem>>, %arg7: memref<64xi32, #tpu.memory_space<vmem>>, %arg8: memref<64xi32, #tpu.memory_space<vmem>>, %arg9: memref<!tpu.dma_semaphore, #tpu.memory_space<semaphore_mem>>) attributes {dimension_semantics = [#tpu.dimension_semantics<core_parallel>, #tpu.dimension_semantics<subcore_parallel>], iteration_bounds = array<i64: 2, 16>, scalar_prefetch = 0 : i64, scratch_operands = 4 : i64, tpu.core_type = #tpu.core_type<sc_vector_subcore>, window_params = [{transform_indices = #map}, {transform_indices = #map1}, {transform_indices = #map1}, {transform_indices = #map}]} {
    %mul3A = arith.constant 2 : i32
    %mul3A_0 = arith.muli %arg1, %mul3A : i32
    %add3A = arith.addi %mul3A_0, %arg0 : i32
    %mul3A_1 = arith.constant 64 : i32
    %mul3A_2 = arith.muli %add3A, %mul3A_1 : i32
    "tpu.region"() ({
      %run_scoped3A = tpu.sem_alloc : memref<!tpu.dma_semaphore, #tpu.memory_space<semaphore_mem>>
      %dma_start3A_13 = arith.constant 0 : i32
      %dma_start3A_14 = tpu.memref_slice %arg2[%mul3A_2, %dma_start3A_13] : memref<2048x1024xf32, #tpu.memory_space<hbm>> -> memref<64x1024xf32, #tpu.memory_space<hbm>>
      %dma_start3A_15 = arith.constant 0 : i32
      %dma_start3A_16 = tpu.memref_slice %arg2[%mul3A_2, %dma_start3A_15] : memref<2048x1024xf32, #tpu.memory_space<hbm>> -> memref<64x1024xf32, #tpu.memory_space<hbm>>
      tpu.enqueue_dma source(%dma_start3A_16 : memref<64x1024xf32, #tpu.memory_space<hbm>>) target(%arg6 : memref<64x1024xf32, #tpu.memory_space<vmem>>) target_semaphore(%run_scoped3A : memref<!tpu.dma_semaphore, #tpu.memory_space<semaphore_mem>>)
      %dma_wait3A_17 = arith.constant 0 : i32
      %dma_wait3A_18 = tpu.memref_slice %arg2[%mul3A_2, %dma_wait3A_17] : memref<2048x1024xf32, #tpu.memory_space<hbm>> -> memref<64x1024xf32, #tpu.memory_space<hbm>>
      %dma_wait3A_19 = arith.constant 0 : i32
      %dma_wait3A_20 = tpu.memref_slice %arg2[%mul3A_2, %dma_wait3A_19] : memref<2048x1024xf32, #tpu.memory_space<hbm>> -> memref<64x1024xf32, #tpu.memory_space<hbm>>
      tpu.wait_dma2 semaphore(%run_scoped3A : memref<!tpu.dma_semaphore, #tpu.memory_space<semaphore_mem>>) src(%dma_wait3A_20 : memref<64x1024xf32, #tpu.memory_space<hbm>>) dst(%arg6 : memref<64x1024xf32, #tpu.memory_space<vmem>>)
      tpu.yield
    }) : () -> ()
    "tpu.region"() ({
      %run_scoped3A = tpu.sem_alloc : memref<!tpu.dma_semaphore, #tpu.memory_space<semaphore_mem>>
      %dma_start3A_13 = tpu.memref_slice %arg3[%mul3A_2] : memref<2048xi32, #tpu.memory_space<hbm>> -> memref<64xi32, #tpu.memory_space<hbm>>
      %dma_start3A_14 = tpu.memref_slice %arg3[%mul3A_2] : memref<2048xi32, #tpu.memory_space<hbm>> -> memref<64xi32, #tpu.memory_space<hbm>>
      tpu.enqueue_dma source(%dma_start3A_14 : memref<64xi32, #tpu.memory_space<hbm>>) target(%arg7 : memref<64xi32, #tpu.memory_space<vmem>>) target_semaphore(%run_scoped3A : memref<!tpu.dma_semaphore, #tpu.memory_space<semaphore_mem>>)
      %dma_wait3A_15 = tpu.memref_slice %arg3[%mul3A_2] : memref<2048xi32, #tpu.memory_space<hbm>> -> memref<64xi32, #tpu.memory_space<hbm>>
      %dma_wait3A_16 = tpu.memref_slice %arg3[%mul3A_2] : memref<2048xi32, #tpu.memory_space<hbm>> -> memref<64xi32, #tpu.memory_space<hbm>>
      tpu.wait_dma2 semaphore(%run_scoped3A : memref<!tpu.dma_semaphore, #tpu.memory_space<semaphore_mem>>) src(%dma_wait3A_16 : memref<64xi32, #tpu.memory_space<hbm>>) dst(%arg7 : memref<64xi32, #tpu.memory_space<vmem>>)
      tpu.yield
    }) : () -> ()
    "tpu.region"() ({
      %run_scoped3A = tpu.sem_alloc : memref<!tpu.dma_semaphore, #tpu.memory_space<semaphore_mem>>
      %dma_start3A_13 = tpu.memref_slice %arg4[%mul3A_2] : memref<2048xi32, #tpu.memory_space<hbm>> -> memref<64xi32, #tpu.memory_space<hbm>>
      %dma_start3A_14 = tpu.memref_slice %arg4[%mul3A_2] : memref<2048xi32, #tpu.memory_space<hbm>> -> memref<64xi32, #tpu.memory_space<hbm>>
      tpu.enqueue_dma source(%dma_start3A_14 : memref<64xi32, #tpu.memory_space<hbm>>) target(%arg8 : memref<64xi32, #tpu.memory_space<vmem>>) target_semaphore(%run_scoped3A : memref<!tpu.dma_semaphore, #tpu.memory_space<semaphore_mem>>)
      %dma_wait3A_15 = tpu.memref_slice %arg4[%mul3A_2] : memref<2048xi32, #tpu.memory_space<hbm>> -> memref<64xi32, #tpu.memory_space<hbm>>
      %dma_wait3A_16 = tpu.memref_slice %arg4[%mul3A_2] : memref<2048xi32, #tpu.memory_space<hbm>> -> memref<64xi32, #tpu.memory_space<hbm>>
      tpu.wait_dma2 semaphore(%run_scoped3A : memref<!tpu.dma_semaphore, #tpu.memory_space<semaphore_mem>>) src(%dma_wait3A_16 : memref<64xi32, #tpu.memory_space<hbm>>) dst(%arg8 : memref<64xi32, #tpu.memory_space<vmem>>)
      tpu.yield
    }) : () -> ()
    %dma_start3A = arith.constant 0 : i32
    %dma_start3A_3 = arith.constant 0 : i32
    %dma_start3A_4 = tpu.memref_slice %arg5[%dma_start3A, %dma_start3A_3] : memref<4096x1024xf32, #tpu.memory_space<hbm>> -> memref<4096x1024xf32, #tpu.memory_space<hbm>>
    tpu.enqueue_indirect_dma source(%arg6 : memref<64x1024xf32, #tpu.memory_space<vmem>>) target(%dma_start3A_4 : memref<4096x1024xf32, #tpu.memory_space<hbm>>) offsets(%arg7 : memref<64xi32, #tpu.memory_space<vmem>>) semaphore(%arg9 : memref<!tpu.dma_semaphore, #tpu.memory_space<semaphore_mem>>)
    %dma_wait3A = arith.constant 0 : i32
    %dma_wait3A_5 = arith.constant 0 : i32
    %dma_wait3A_6 = tpu.memref_slice %arg5[%dma_wait3A, %dma_wait3A_5] : memref<4096x1024xf32, #tpu.memory_space<hbm>> -> memref<4096x1024xf32, #tpu.memory_space<hbm>>
    tpu.wait_indirect_dma semaphore(%arg9 : memref<!tpu.dma_semaphore, #tpu.memory_space<semaphore_mem>>) src(%arg6 : memref<64x1024xf32, #tpu.memory_space<vmem>>) dst(%dma_wait3A_6 : memref<4096x1024xf32, #tpu.memory_space<hbm>>)
    %dma_start3A_7 = arith.constant 0 : i32
    %dma_start3A_8 = arith.constant 0 : i32
    %dma_start3A_9 = tpu.memref_slice %arg5[%dma_start3A_7, %dma_start3A_8] : memref<4096x1024xf32, #tpu.memory_space<hbm>> -> memref<4096x1024xf32, #tpu.memory_space<hbm>>
    tpu.enqueue_indirect_dma source(%arg6 : memref<64x1024xf32, #tpu.memory_space<vmem>>) target(%dma_start3A_9 : memref<4096x1024xf32, #tpu.memory_space<hbm>>) offsets(%arg8 : memref<64xi32, #tpu.memory_space<vmem>>) semaphore(%arg9 : memref<!tpu.dma_semaphore, #tpu.memory_space<semaphore_mem>>)
    %dma_wait3A_10 = arith.constant 0 : i32
    %dma_wait3A_11 = arith.constant 0 : i32
    %dma_wait3A_12 = tpu.memref_slice %arg5[%dma_wait3A_10, %dma_wait3A_11] : memref<4096x1024xf32, #tpu.memory_space<hbm>> -> memref<4096x1024xf32, #tpu.memory_space<hbm>>
    tpu.wait_indirect_dma semaphore(%arg9 : memref<!tpu.dma_semaphore, #tpu.memory_space<semaphore_mem>>) src(%arg6 : memref<64x1024xf32, #tpu.memory_space<vmem>>) dst(%dma_wait3A_12 : memref<4096x1024xf32, #tpu.memory_space<hbm>>)
    return
  }
}

#map = affine_map<(d0, d1) -> (0, 0)>
#map1 = affine_map<(d0, d1) -> (0)>
module attributes {stable_mosaic.version = 14 : i64} {
  func.func @sc_gather(%arg0: i32, %arg1: i32, %arg2: memref<4096x1024xf32, #tpu.memory_space<hbm>>, %arg3: memref<2048xi32, #tpu.memory_space<hbm>>, %arg4: memref<2048xi32, #tpu.memory_space<hbm>>, %arg5: memref<2048x1024xf32, #tpu.memory_space<hbm>>, %arg6: memref<2048x1024xf32, #tpu.memory_space<hbm>>, %arg7: memref<64x1024xf32, #tpu.memory_space<vmem>>, %arg8: memref<64xi32, #tpu.memory_space<vmem>>, %arg9: memref<!tpu.dma_semaphore, #tpu.memory_space<semaphore_mem>>) attributes {dimension_semantics = [#tpu.dimension_semantics<core_parallel>, #tpu.dimension_semantics<subcore_parallel>], iteration_bounds = array<i64: 2, 16>, scalar_prefetch = 0 : i64, scratch_operands = 3 : i64, tpu.core_type = #tpu.core_type<sc_vector_subcore>, window_params = [{transform_indices = #map}, {transform_indices = #map1}, {transform_indices = #map1}, {transform_indices = #map}, {transform_indices = #map}]} {
    %mul3A = arith.constant 2 : i32
    %mul3A_0 = arith.muli %arg1, %mul3A : i32
    %add3A = arith.addi %mul3A_0, %arg0 : i32
    %mul3A_1 = arith.constant 64 : i32
    %mul3A_2 = arith.muli %add3A, %mul3A_1 : i32
    "tpu.region"() ({
      %run_scoped3A = tpu.sem_alloc : memref<!tpu.dma_semaphore, #tpu.memory_space<semaphore_mem>>
      %dma_start3A_13 = tpu.memref_slice %arg3[%mul3A_2] : memref<2048xi32, #tpu.memory_space<hbm>> -> memref<64xi32, #tpu.memory_space<hbm>>
      %dma_start3A_14 = tpu.memref_slice %arg3[%mul3A_2] : memref<2048xi32, #tpu.memory_space<hbm>> -> memref<64xi32, #tpu.memory_space<hbm>>
      tpu.enqueue_dma source(%dma_start3A_14 : memref<64xi32, #tpu.memory_space<hbm>>) target(%arg8 : memref<64xi32, #tpu.memory_space<vmem>>) target_semaphore(%run_scoped3A : memref<!tpu.dma_semaphore, #tpu.memory_space<semaphore_mem>>)
      %dma_wait3A_15 = tpu.memref_slice %arg3[%mul3A_2] : memref<2048xi32, #tpu.memory_space<hbm>> -> memref<64xi32, #tpu.memory_space<hbm>>
      %dma_wait3A_16 = tpu.memref_slice %arg3[%mul3A_2] : memref<2048xi32, #tpu.memory_space<hbm>> -> memref<64xi32, #tpu.memory_space<hbm>>
      tpu.wait_dma2 semaphore(%run_scoped3A : memref<!tpu.dma_semaphore, #tpu.memory_space<semaphore_mem>>) src(%dma_wait3A_16 : memref<64xi32, #tpu.memory_space<hbm>>) dst(%arg8 : memref<64xi32, #tpu.memory_space<vmem>>)
      tpu.yield
    }) : () -> ()
    %dma_start3A = arith.constant 0 : i32
    %dma_start3A_3 = arith.constant 0 : i32
    %dma_start3A_4 = tpu.memref_slice %arg2[%dma_start3A, %dma_start3A_3] : memref<4096x1024xf32, #tpu.memory_space<hbm>> -> memref<4096x1024xf32, #tpu.memory_space<hbm>>
    tpu.enqueue_indirect_dma source(%dma_start3A_4 : memref<4096x1024xf32, #tpu.memory_space<hbm>>) target(%arg7 : memref<64x1024xf32, #tpu.memory_space<vmem>>) offsets(%arg8 : memref<64xi32, #tpu.memory_space<vmem>>) semaphore(%arg9 : memref<!tpu.dma_semaphore, #tpu.memory_space<semaphore_mem>>)
    %dma_wait3A = arith.constant 0 : i32
    %dma_wait3A_5 = arith.constant 0 : i32
    %dma_wait3A_6 = tpu.memref_slice %arg2[%dma_wait3A, %dma_wait3A_5] : memref<4096x1024xf32, #tpu.memory_space<hbm>> -> memref<4096x1024xf32, #tpu.memory_space<hbm>>
    tpu.wait_indirect_dma semaphore(%arg9 : memref<!tpu.dma_semaphore, #tpu.memory_space<semaphore_mem>>) src(%dma_wait3A_6 : memref<4096x1024xf32, #tpu.memory_space<hbm>>) dst(%arg7 : memref<64x1024xf32, #tpu.memory_space<vmem>>)
    "tpu.region"() ({
      %run_scoped3A = tpu.sem_alloc : memref<!tpu.dma_semaphore, #tpu.memory_space<semaphore_mem>>
      %dma_start3A_13 = arith.constant 0 : i32
      %dma_start3A_14 = tpu.memref_slice %arg5[%mul3A_2, %dma_start3A_13] : memref<2048x1024xf32, #tpu.memory_space<hbm>> -> memref<64x1024xf32, #tpu.memory_space<hbm>>
      %dma_start3A_15 = arith.constant 0 : i32
      %dma_start3A_16 = tpu.memref_slice %arg5[%mul3A_2, %dma_start3A_15] : memref<2048x1024xf32, #tpu.memory_space<hbm>> -> memref<64x1024xf32, #tpu.memory_space<hbm>>
      tpu.enqueue_dma source(%arg7 : memref<64x1024xf32, #tpu.memory_space<vmem>>) target(%dma_start3A_16 : memref<64x1024xf32, #tpu.memory_space<hbm>>) target_semaphore(%run_scoped3A : memref<!tpu.dma_semaphore, #tpu.memory_space<semaphore_mem>>)
      %dma_wait3A_17 = arith.constant 0 : i32
      %dma_wait3A_18 = tpu.memref_slice %arg5[%mul3A_2, %dma_wait3A_17] : memref<2048x1024xf32, #tpu.memory_space<hbm>> -> memref<64x1024xf32, #tpu.memory_space<hbm>>
      %dma_wait3A_19 = arith.constant 0 : i32
      %dma_wait3A_20 = tpu.memref_slice %arg5[%mul3A_2, %dma_wait3A_19] : memref<2048x1024xf32, #tpu.memory_space<hbm>> -> memref<64x1024xf32, #tpu.memory_space<hbm>>
      tpu.wait_dma2 semaphore(%run_scoped3A : memref<!tpu.dma_semaphore, #tpu.memory_space<semaphore_mem>>) src(%arg7 : memref<64x1024xf32, #tpu.memory_space<vmem>>) dst(%dma_wait3A_20 : memref<64x1024xf32, #tpu.memory_space<hbm>>)
      tpu.yield
    }) : () -> ()
    "tpu.region"() ({
      %run_scoped3A = tpu.sem_alloc : memref<!tpu.dma_semaphore, #tpu.memory_space<semaphore_mem>>
      %dma_start3A_13 = tpu.memref_slice %arg4[%mul3A_2] : memref<2048xi32, #tpu.memory_space<hbm>> -> memref<64xi32, #tpu.memory_space<hbm>>
      %dma_start3A_14 = tpu.memref_slice %arg4[%mul3A_2] : memref<2048xi32, #tpu.memory_space<hbm>> -> memref<64xi32, #tpu.memory_space<hbm>>
      tpu.enqueue_dma source(%dma_start3A_14 : memref<64xi32, #tpu.memory_space<hbm>>) target(%arg8 : memref<64xi32, #tpu.memory_space<vmem>>) target_semaphore(%run_scoped3A : memref<!tpu.dma_semaphore, #tpu.memory_space<semaphore_mem>>)
      %dma_wait3A_15 = tpu.memref_slice %arg4[%mul3A_2] : memref<2048xi32, #tpu.memory_space<hbm>> -> memref<64xi32, #tpu.memory_space<hbm>>
      %dma_wait3A_16 = tpu.memref_slice %arg4[%mul3A_2] : memref<2048xi32, #tpu.memory_space<hbm>> -> memref<64xi32, #tpu.memory_space<hbm>>
      tpu.wait_dma2 semaphore(%run_scoped3A : memref<!tpu.dma_semaphore, #tpu.memory_space<semaphore_mem>>) src(%dma_wait3A_16 : memref<64xi32, #tpu.memory_space<hbm>>) dst(%arg8 : memref<64xi32, #tpu.memory_space<vmem>>)
      tpu.yield
    }) : () -> ()
    %dma_start3A_7 = arith.constant 0 : i32
    %dma_start3A_8 = arith.constant 0 : i32
    %dma_start3A_9 = tpu.memref_slice %arg2[%dma_start3A_7, %dma_start3A_8] : memref<4096x1024xf32, #tpu.memory_space<hbm>> -> memref<4096x1024xf32, #tpu.memory_space<hbm>>
    tpu.enqueue_indirect_dma source(%dma_start3A_9 : memref<4096x1024xf32, #tpu.memory_space<hbm>>) target(%arg7 : memref<64x1024xf32, #tpu.memory_space<vmem>>) offsets(%arg8 : memref<64xi32, #tpu.memory_space<vmem>>) semaphore(%arg9 : memref<!tpu.dma_semaphore, #tpu.memory_space<semaphore_mem>>)
    %dma_wait3A_10 = arith.constant 0 : i32
    %dma_wait3A_11 = arith.constant 0 : i32
    %dma_wait3A_12 = tpu.memref_slice %arg2[%dma_wait3A_10, %dma_wait3A_11] : memref<4096x1024xf32, #tpu.memory_space<hbm>> -> memref<4096x1024xf32, #tpu.memory_space<hbm>>
    tpu.wait_indirect_dma semaphore(%arg9 : memref<!tpu.dma_semaphore, #tpu.memory_space<semaphore_mem>>) src(%dma_wait3A_12 : memref<4096x1024xf32, #tpu.memory_space<hbm>>) dst(%arg7 : memref<64x1024xf32, #tpu.memory_space<vmem>>)
    "tpu.region"() ({
      %run_scoped3A = tpu.sem_alloc : memref<!tpu.dma_semaphore, #tpu.memory_space<semaphore_mem>>
      %dma_start3A_13 = arith.constant 0 : i32
      %dma_start3A_14 = tpu.memref_slice %arg6[%mul3A_2, %dma_start3A_13] : memref<2048x1024xf32, #tpu.memory_space<hbm>> -> memref<64x1024xf32, #tpu.memory_space<hbm>>
      %dma_start3A_15 = arith.constant 0 : i32
      %dma_start3A_16 = tpu.memref_slice %arg6[%mul3A_2, %dma_start3A_15] : memref<2048x1024xf32, #tpu.memory_space<hbm>> -> memref<64x1024xf32, #tpu.memory_space<hbm>>
      tpu.enqueue_dma source(%arg7 : memref<64x1024xf32, #tpu.memory_space<vmem>>) target(%dma_start3A_16 : memref<64x1024xf32, #tpu.memory_space<hbm>>) target_semaphore(%run_scoped3A : memref<!tpu.dma_semaphore, #tpu.memory_space<semaphore_mem>>)
      %dma_wait3A_17 = arith.constant 0 : i32
      %dma_wait3A_18 = tpu.memref_slice %arg6[%mul3A_2, %dma_wait3A_17] : memref<2048x1024xf32, #tpu.memory_space<hbm>> -> memref<64x1024xf32, #tpu.memory_space<hbm>>
      %dma_wait3A_19 = arith.constant 0 : i32
      %dma_wait3A_20 = tpu.memref_slice %arg6[%mul3A_2, %dma_wait3A_19] : memref<2048x1024xf32, #tpu.memory_space<hbm>> -> memref<64x1024xf32, #tpu.memory_space<hbm>>
      tpu.wait_dma2 semaphore(%run_scoped3A : memref<!tpu.dma_semaphore, #tpu.memory_space<semaphore_mem>>) src(%arg7 : memref<64x1024xf32, #tpu.memory_space<vmem>>) dst(%dma_wait3A_20 : memref<64x1024xf32, #tpu.memory_space<hbm>>)
      tpu.yield
    }) : () -> ()
    return
  }
}

module attributes {stable_mosaic.version = 14 : i64} {
  func.func @_preattn_body(%arg0: i32, %arg1: memref<256x32xf32, #tpu.memory_space<vmem>>, %arg2: memref<256x32xf32, #tpu.memory_space<vmem>>, %arg3: memref<256x1024xf32, #tpu.memory_space<vmem>>, %arg4: memref<1x1024xf32, #tpu.memory_space<vmem>>, %arg5: memref<1024x2048xf32, #tpu.memory_space<vmem>>, %arg6: memref<16x256x64xf32, #tpu.memory_space<vmem>>, %arg7: memref<8x256x64xf32, #tpu.memory_space<vmem>>, %arg8: memref<8x256x64xf32, #tpu.memory_space<vmem>>) attributes {dimension_semantics = [#tpu.dimension_semantics<arbitrary>], iteration_bounds = array<i64: 8>, scalar_prefetch = 0 : i64, scratch_operands = 0 : i64, tpu.core_type = #tpu.core_type<tc>, window_params = [{transform_indices = @transform_0, window_bounds = array<i64: 256, 32>}, {transform_indices = @transform_1, window_bounds = array<i64: 256, 32>}, {transform_indices = @transform_2, window_bounds = array<i64: 256, 1024>}, {pipeline_mode = #tpu.pipeline_mode<synchronous>, transform_indices = @transform_3, window_bounds = array<i64: 1, 1024>}, {pipeline_mode = #tpu.pipeline_mode<synchronous>, transform_indices = @transform_4, window_bounds = array<i64: 1024, 2048>}, {transform_indices = @transform_5, window_bounds = array<i64: 16, 256, 64>}, {transform_indices = @transform_6, window_bounds = array<i64: 8, 256, 64>}, {transform_indices = @transform_7, window_bounds = array<i64: 8, 256, 64>}]} {
    %get3A = arith.constant 0 : index
    %get3A_0 = arith.constant 0 : index
    %get3A_1 = vector.load %arg3[%get3A, %get3A_0] : memref<256x1024xf32, #tpu.memory_space<vmem>>, vector<256x1024xf32>
    %mul3A = arith.mulf %get3A_1, %get3A_1 : vector<256x1024xf32>
    %reduce_sum3A = arith.constant dense<0.000000e+00> : vector<256xf32>
    %reduce_sum3A_2 = vector.multi_reduction <add>, %mul3A, %reduce_sum3A [1] : vector<256x1024xf32> to vector<256xf32>
    %broadcast_in_dim3A = vector.shape_cast %reduce_sum3A_2 : vector<256xf32> to vector<256x1xf32>
    %div3A = arith.constant 1.024000e+03 : f32
    %div3A_3 = vector.broadcast %div3A : f32 to vector<256x1xf32>
    %div3A_4 = arith.divf %broadcast_in_dim3A, %div3A_3 : vector<256x1xf32>
    %add3A = arith.constant 9.99999974E-6 : f32
    %add3A_5 = vector.broadcast %add3A : f32 to vector<256x1xf32>
    %add3A_6 = arith.addf %div3A_4, %add3A_5 : vector<256x1xf32>
    %rsqrt3A = math.rsqrt %add3A_6 : vector<256x1xf32>
    %mul3A_7 = vector.broadcast %rsqrt3A : vector<256x1xf32> to vector<256x1024xf32>
    %mul3A_8 = arith.mulf %get3A_1, %mul3A_7 : vector<256x1024xf32>
    %get3A_9 = arith.constant 0 : index
    %get3A_10 = arith.constant 0 : index
    %get3A_11 = vector.load %arg4[%get3A_9, %get3A_10] : memref<1x1024xf32, #tpu.memory_space<vmem>>, vector<1x1024xf32>
    %mul3A_12 = vector.broadcast %get3A_11 : vector<1x1024xf32> to vector<256x1024xf32>
    %mul3A_13 = arith.mulf %mul3A_8, %mul3A_12 : vector<256x1024xf32>
    %get3A_14 = arith.constant 0 : index
    %get3A_15 = arith.constant 0 : index
    %get3A_16 = vector.load %arg5[%get3A_14, %get3A_15] : memref<1024x2048xf32, #tpu.memory_space<vmem>>, vector<1024x2048xf32>
    %dot_general3A = arith.constant dense<0.000000e+00> : vector<256x2048xf32>
    %dot_general3A_17 = tpu.matmul %mul3A_13, %get3A_16, %dot_general3A {dimension_numbers = #tpu.dot_dimension_numbers<[1], [0], [0], [1], [0, 0, 1, 1], [], []>, transpose_lhs_hint = false} : vector<256x1024xf32>, vector<1024x2048xf32>, vector<256x2048xf32> -> vector<256x2048xf32>
    %get3A_18 = arith.constant 0 : index
    %get3A_19 = arith.constant 0 : index
    %get3A_20 = vector.load %arg1[%get3A_18, %get3A_19] : memref<256x32xf32, #tpu.memory_space<vmem>>, vector<256x32xf32>
    %get3A_21 = arith.constant 0 : index
    %get3A_22 = arith.constant 0 : index
    %get3A_23 = vector.load %arg2[%get3A_21, %get3A_22] : memref<256x32xf32, #tpu.memory_space<vmem>>, vector<256x32xf32>
    %slice3A = vector.extract_strided_slice %dot_general3A_17 {offsets = [0, 0], sizes = [256, 64], strides = [1, 1]} : vector<256x2048xf32> to vector<256x64xf32>
    %slice3A_24 = vector.extract_strided_slice %slice3A {offsets = [0, 0], sizes = [256, 32], strides = [1, 1]} : vector<256x64xf32> to vector<256x32xf32>
    %slice3A_25 = vector.extract_strided_slice %slice3A {offsets = [0, 32], sizes = [256, 32], strides = [1, 1]} : vector<256x64xf32> to vector<256x32xf32>
    %mul3A_26 = arith.mulf %slice3A_24, %get3A_20 : vector<256x32xf32>
    %mul3A_27 = arith.mulf %slice3A_25, %get3A_23 : vector<256x32xf32>
    %sub3A = arith.subf %mul3A_26, %mul3A_27 : vector<256x32xf32>
    %mul3A_28 = arith.mulf %slice3A_25, %get3A_20 : vector<256x32xf32>
    %mul3A_29 = arith.mulf %slice3A_24, %get3A_23 : vector<256x32xf32>
    %add3A_30 = arith.addf %mul3A_28, %mul3A_29 : vector<256x32xf32>
    %concatenate3A = tpu.concatenate %sub3A, %add3A_30 in 1 : vector<256x32xf32>, vector<256x32xf32> -> vector<256x64xf32>
    %swap3A = arith.constant 0 : index
    %swap3A_31 = arith.constant 0 : index
    %swap3A_32 = arith.constant 0 : index
    %swap3A_33 = vector.load %arg6[%swap3A, %swap3A_31, %swap3A_32] : memref<16x256x64xf32, #tpu.memory_space<vmem>>, vector<1x256x64xf32>
    %swap3A_34 = vector.shape_cast %swap3A_33 : vector<1x256x64xf32> to vector<256x64xf32>
    %swap3A_35 = vector.shape_cast %concatenate3A : vector<256x64xf32> to vector<1x256x64xf32>
    tpu.vector_store %arg6[%swap3A, %swap3A_31, %swap3A_32], %swap3A_35 {strides = array<i32>} : memref<16x256x64xf32, #tpu.memory_space<vmem>>, vector<1x256x64xf32>,
    %slice3A_36 = vector.extract_strided_slice %dot_general3A_17 {offsets = [0, 64], sizes = [256, 64], strides = [1, 1]} : vector<256x2048xf32> to vector<256x64xf32>
    %slice3A_37 = vector.extract_strided_slice %slice3A_36 {offsets = [0, 0], sizes = [256, 32], strides = [1, 1]} : vector<256x64xf32> to vector<256x32xf32>
    %slice3A_38 = vector.extract_strided_slice %slice3A_36 {offsets = [0, 32], sizes = [256, 32], strides = [1, 1]} : vector<256x64xf32> to vector<256x32xf32>
    %mul3A_39 = arith.mulf %slice3A_37, %get3A_20 : vector<256x32xf32>
    %mul3A_40 = arith.mulf %slice3A_38, %get3A_23 : vector<256x32xf32>
    %sub3A_41 = arith.subf %mul3A_39, %mul3A_40 : vector<256x32xf32>
    %mul3A_42 = arith.mulf %slice3A_38, %get3A_20 : vector<256x32xf32>
    %mul3A_43 = arith.mulf %slice3A_37, %get3A_23 : vector<256x32xf32>
    %add3A_44 = arith.addf %mul3A_42, %mul3A_43 : vector<256x32xf32>
    %concatenate3A_45 = tpu.concatenate %sub3A_41, %add3A_44 in 1 : vector<256x32xf32>, vector<256x32xf32> -> vector<256x64xf32>
    %swap3A_46 = arith.constant 1 : index
    %swap3A_47 = arith.constant 0 : index
    %swap3A_48 = arith.constant 0 : index
    %swap3A_49 = vector.load %arg6[%swap3A_46, %swap3A_47, %swap3A_48] : memref<16x256x64xf32, #tpu.memory_space<vmem>>, vector<1x256x64xf32>
    %swap3A_50 = vector.shape_cast %swap3A_49 : vector<1x256x64xf32> to vector<256x64xf32>
    %swap3A_51 = vector.shape_cast %concatenate3A_45 : vector<256x64xf32> to vector<1x256x64xf32>
    tpu.vector_store %arg6[%swap3A_46, %swap3A_47, %swap3A_48], %swap3A_51 {strides = array<i32>} : memref<16x256x64xf32, #tpu.memory_space<vmem>>, vector<1x256x64xf32>,
    %slice3A_52 = vector.extract_strided_slice %dot_general3A_17 {offsets = [0, 128], sizes = [256, 64], strides = [1, 1]} : vector<256x2048xf32> to vector<256x64xf32>
    %slice3A_53 = vector.extract_strided_slice %slice3A_52 {offsets = [0, 0], sizes = [256, 32], strides = [1, 1]} : vector<256x64xf32> to vector<256x32xf32>
    %slice3A_54 = vector.extract_strided_slice %slice3A_52 {offsets = [0, 32], sizes = [256, 32], strides = [1, 1]} : vector<256x64xf32> to vector<256x32xf32>
    %mul3A_55 = arith.mulf %slice3A_53, %get3A_20 : vector<256x32xf32>
    %mul3A_56 = arith.mulf %slice3A_54, %get3A_23 : vector<256x32xf32>
    %sub3A_57 = arith.subf %mul3A_55, %mul3A_56 : vector<256x32xf32>
    %mul3A_58 = arith.mulf %slice3A_54, %get3A_20 : vector<256x32xf32>
    %mul3A_59 = arith.mulf %slice3A_53, %get3A_23 : vector<256x32xf32>
    %add3A_60 = arith.addf %mul3A_58, %mul3A_59 : vector<256x32xf32>
    %concatenate3A_61 = tpu.concatenate %sub3A_57, %add3A_60 in 1 : vector<256x32xf32>, vector<256x32xf32> -> vector<256x64xf32>
    %swap3A_62 = arith.constant 2 : index
    %swap3A_63 = arith.constant 0 : index
    %swap3A_64 = arith.constant 0 : index
    %swap3A_65 = vector.load %arg6[%swap3A_62, %swap3A_63, %swap3A_64] : memref<16x256x64xf32, #tpu.memory_space<vmem>>, vector<1x256x64xf32>
    %swap3A_66 = vector.shape_cast %swap3A_65 : vector<1x256x64xf32> to vector<256x64xf32>
    %swap3A_67 = vector.shape_cast %concatenate3A_61 : vector<256x64xf32> to vector<1x256x64xf32>
    tpu.vector_store %arg6[%swap3A_62, %swap3A_63, %swap3A_64], %swap3A_67 {strides = array<i32>} : memref<16x256x64xf32, #tpu.memory_space<vmem>>, vector<1x256x64xf32>,
    %slice3A_68 = vector.extract_strided_slice %dot_general3A_17 {offsets = [0, 192], sizes = [256, 64], strides = [1, 1]} : vector<256x2048xf32> to vector<256x64xf32>
    %slice3A_69 = vector.extract_strided_slice %slice3A_68 {offsets = [0, 0], sizes = [256, 32], strides = [1, 1]} : vector<256x64xf32> to vector<256x32xf32>
    %slice3A_70 = vector.extract_strided_slice %slice3A_68 {offsets = [0, 32], sizes = [256, 32], strides = [1, 1]} : vector<256x64xf32> to vector<256x32xf32>
    %mul3A_71 = arith.mulf %slice3A_69, %get3A_20 : vector<256x32xf32>
    %mul3A_72 = arith.mulf %slice3A_70, %get3A_23 : vector<256x32xf32>
    %sub3A_73 = arith.subf %mul3A_71, %mul3A_72 : vector<256x32xf32>
    %mul3A_74 = arith.mulf %slice3A_70, %get3A_20 : vector<256x32xf32>
    %mul3A_75 = arith.mulf %slice3A_69, %get3A_23 : vector<256x32xf32>
    %add3A_76 = arith.addf %mul3A_74, %mul3A_75 : vector<256x32xf32>
    %concatenate3A_77 = tpu.concatenate %sub3A_73, %add3A_76 in 1 : vector<256x32xf32>, vector<256x32xf32> -> vector<256x64xf32>
    %swap3A_78 = arith.constant 3 : index
    %swap3A_79 = arith.constant 0 : index
    %swap3A_80 = arith.constant 0 : index
    %swap3A_81 = vector.load %arg6[%swap3A_78, %swap3A_79, %swap3A_80] : memref<16x256x64xf32, #tpu.memory_space<vmem>>, vector<1x256x64xf32>
    %swap3A_82 = vector.shape_cast %swap3A_81 : vector<1x256x64xf32> to vector<256x64xf32>
    %swap3A_83 = vector.shape_cast %concatenate3A_77 : vector<256x64xf32> to vector<1x256x64xf32>
    tpu.vector_store %arg6[%swap3A_78, %swap3A_79, %swap3A_80], %swap3A_83 {strides = array<i32>} : memref<16x256x64xf32, #tpu.memory_space<vmem>>, vector<1x256x64xf32>,
    %slice3A_84 = vector.extract_strided_slice %dot_general3A_17 {offsets = [0, 256], sizes = [256, 64], strides = [1, 1]} : vector<256x2048xf32> to vector<256x64xf32>
    %slice3A_85 = vector.extract_strided_slice %slice3A_84 {offsets = [0, 0], sizes = [256, 32], strides = [1, 1]} : vector<256x64xf32> to vector<256x32xf32>
    %slice3A_86 = vector.extract_strided_slice %slice3A_84 {offsets = [0, 32], sizes = [256, 32], strides = [1, 1]} : vector<256x64xf32> to vector<256x32xf32>
    %mul3A_87 = arith.mulf %slice3A_85, %get3A_20 : vector<256x32xf32>
    %mul3A_88 = arith.mulf %slice3A_86, %get3A_23 : vector<256x32xf32>
    %sub3A_89 = arith.subf %mul3A_87, %mul3A_88 : vector<256x32xf32>
    %mul3A_90 = arith.mulf %slice3A_86, %get3A_20 : vector<256x32xf32>
    %mul3A_91 = arith.mulf %slice3A_85, %get3A_23 : vector<256x32xf32>
    %add3A_92 = arith.addf %mul3A_90, %mul3A_91 : vector<256x32xf32>
    %concatenate3A_93 = tpu.concatenate %sub3A_89, %add3A_92 in 1 : vector<256x32xf32>, vector<256x32xf32> -> vector<256x64xf32>
    %swap3A_94 = arith.constant 4 : index
    %swap3A_95 = arith.constant 0 : index
    %swap3A_96 = arith.constant 0 : index
    %swap3A_97 = vector.load %arg6[%swap3A_94, %swap3A_95, %swap3A_96] : memref<16x256x64xf32, #tpu.memory_space<vmem>>, vector<1x256x64xf32>
    %swap3A_98 = vector.shape_cast %swap3A_97 : vector<1x256x64xf32> to vector<256x64xf32>
    %swap3A_99 = vector.shape_cast %concatenate3A_93 : vector<256x64xf32> to vector<1x256x64xf32>
    tpu.vector_store %arg6[%swap3A_94, %swap3A_95, %swap3A_96], %swap3A_99 {strides = array<i32>} : memref<16x256x64xf32, #tpu.memory_space<vmem>>, vector<1x256x64xf32>,
    %slice3A_100 = vector.extract_strided_slice %dot_general3A_17 {offsets = [0, 320], sizes = [256, 64], strides = [1, 1]} : vector<256x2048xf32> to vector<256x64xf32>
    %slice3A_101 = vector.extract_strided_slice %slice3A_100 {offsets = [0, 0], sizes = [256, 32], strides = [1, 1]} : vector<256x64xf32> to vector<256x32xf32>
    %slice3A_102 = vector.extract_strided_slice %slice3A_100 {offsets = [0, 32], sizes = [256, 32], strides = [1, 1]} : vector<256x64xf32> to vector<256x32xf32>
    %mul3A_103 = arith.mulf %slice3A_101, %get3A_20 : vector<256x32xf32>
    %mul3A_104 = arith.mulf %slice3A_102, %get3A_23 : vector<256x32xf32>
    %sub3A_105 = arith.subf %mul3A_103, %mul3A_104 : vector<256x32xf32>
    %mul3A_106 = arith.mulf %slice3A_102, %get3A_20 : vector<256x32xf32>
    %mul3A_107 = arith.mulf %slice3A_101, %get3A_23 : vector<256x32xf32>
    %add3A_108 = arith.addf %mul3A_106, %mul3A_107 : vector<256x32xf32>
    %concatenate3A_109 = tpu.concatenate %sub3A_105, %add3A_108 in 1 : vector<256x32xf32>, vector<256x32xf32> -> vector<256x64xf32>
    %swap3A_110 = arith.constant 5 : index
    %swap3A_111 = arith.constant 0 : index
    %swap3A_112 = arith.constant 0 : index
    %swap3A_113 = vector.load %arg6[%swap3A_110, %swap3A_111, %swap3A_112] : memref<16x256x64xf32, #tpu.memory_space<vmem>>, vector<1x256x64xf32>
    %swap3A_114 = vector.shape_cast %swap3A_113 : vector<1x256x64xf32> to vector<256x64xf32>
    %swap3A_115 = vector.shape_cast %concatenate3A_109 : vector<256x64xf32> to vector<1x256x64xf32>
    tpu.vector_store %arg6[%swap3A_110, %swap3A_111, %swap3A_112], %swap3A_115 {strides = array<i32>} : memref<16x256x64xf32, #tpu.memory_space<vmem>>, vector<1x256x64xf32>,
    %slice3A_116 = vector.extract_strided_slice %dot_general3A_17 {offsets = [0, 384], sizes = [256, 64], strides = [1, 1]} : vector<256x2048xf32> to vector<256x64xf32>
    %slice3A_117 = vector.extract_strided_slice %slice3A_116 {offsets = [0, 0], sizes = [256, 32], strides = [1, 1]} : vector<256x64xf32> to vector<256x32xf32>
    %slice3A_118 = vector.extract_strided_slice %slice3A_116 {offsets = [0, 32], sizes = [256, 32], strides = [1, 1]} : vector<256x64xf32> to vector<256x32xf32>
    %mul3A_119 = arith.mulf %slice3A_117, %get3A_20 : vector<256x32xf32>
    %mul3A_120 = arith.mulf %slice3A_118, %get3A_23 : vector<256x32xf32>
    %sub3A_121 = arith.subf %mul3A_119, %mul3A_120 : vector<256x32xf32>
    %mul3A_122 = arith.mulf %slice3A_118, %get3A_20 : vector<256x32xf32>
    %mul3A_123 = arith.mulf %slice3A_117, %get3A_23 : vector<256x32xf32>
    %add3A_124 = arith.addf %mul3A_122, %mul3A_123 : vector<256x32xf32>
    %concatenate3A_125 = tpu.concatenate %sub3A_121, %add3A_124 in 1 : vector<256x32xf32>, vector<256x32xf32> -> vector<256x64xf32>
    %swap3A_126 = arith.constant 6 : index
    %swap3A_127 = arith.constant 0 : index
    %swap3A_128 = arith.constant 0 : index
    %swap3A_129 = vector.load %arg6[%swap3A_126, %swap3A_127, %swap3A_128] : memref<16x256x64xf32, #tpu.memory_space<vmem>>, vector<1x256x64xf32>
    %swap3A_130 = vector.shape_cast %swap3A_129 : vector<1x256x64xf32> to vector<256x64xf32>
    %swap3A_131 = vector.shape_cast %concatenate3A_125 : vector<256x64xf32> to vector<1x256x64xf32>
    tpu.vector_store %arg6[%swap3A_126, %swap3A_127, %swap3A_128], %swap3A_131 {strides = array<i32>} : memref<16x256x64xf32, #tpu.memory_space<vmem>>, vector<1x256x64xf32>,
    %slice3A_132 = vector.extract_strided_slice %dot_general3A_17 {offsets = [0, 448], sizes = [256, 64], strides = [1, 1]} : vector<256x2048xf32> to vector<256x64xf32>
    %slice3A_133 = vector.extract_strided_slice %slice3A_132 {offsets = [0, 0], sizes = [256, 32], strides = [1, 1]} : vector<256x64xf32> to vector<256x32xf32>
    %slice3A_134 = vector.extract_strided_slice %slice3A_132 {offsets = [0, 32], sizes = [256, 32], strides = [1, 1]} : vector<256x64xf32> to vector<256x32xf32>
    %mul3A_135 = arith.mulf %slice3A_133, %get3A_20 : vector<256x32xf32>
    %mul3A_136 = arith.mulf %slice3A_134, %get3A_23 : vector<256x32xf32>
    %sub3A_137 = arith.subf %mul3A_135, %mul3A_136 : vector<256x32xf32>
    %mul3A_138 = arith.mulf %slice3A_134, %get3A_20 : vector<256x32xf32>
    %mul3A_139 = arith.mulf %slice3A_133, %get3A_23 : vector<256x32xf32>
    %add3A_140 = arith.addf %mul3A_138, %mul3A_139 : vector<256x32xf32>
    %concatenate3A_141 = tpu.concatenate %sub3A_137, %add3A_140 in 1 : vector<256x32xf32>, vector<256x32xf32> -> vector<256x64xf32>
    %swap3A_142 = arith.constant 7 : index
    %swap3A_143 = arith.constant 0 : index
    %swap3A_144 = arith.constant 0 : index
    %swap3A_145 = vector.load %arg6[%swap3A_142, %swap3A_143, %swap3A_144] : memref<16x256x64xf32, #tpu.memory_space<vmem>>, vector<1x256x64xf32>
    %swap3A_146 = vector.shape_cast %swap3A_145 : vector<1x256x64xf32> to vector<256x64xf32>
    %swap3A_147 = vector.shape_cast %concatenate3A_141 : vector<256x64xf32> to vector<1x256x64xf32>
    tpu.vector_store %arg6[%swap3A_142, %swap3A_143, %swap3A_144], %swap3A_147 {strides = array<i32>} : memref<16x256x64xf32, #tpu.memory_space<vmem>>, vector<1x256x64xf32>,
    %slice3A_148 = vector.extract_strided_slice %dot_general3A_17 {offsets = [0, 512], sizes = [256, 64], strides = [1, 1]} : vector<256x2048xf32> to vector<256x64xf32>
    %slice3A_149 = vector.extract_strided_slice %slice3A_148 {offsets = [0, 0], sizes = [256, 32], strides = [1, 1]} : vector<256x64xf32> to vector<256x32xf32>
    %slice3A_150 = vector.extract_strided_slice %slice3A_148 {offsets = [0, 32], sizes = [256, 32], strides = [1, 1]} : vector<256x64xf32> to vector<256x32xf32>
    %mul3A_151 = arith.mulf %slice3A_149, %get3A_20 : vector<256x32xf32>
    %mul3A_152 = arith.mulf %slice3A_150, %get3A_23 : vector<256x32xf32>
    %sub3A_153 = arith.subf %mul3A_151, %mul3A_152 : vector<256x32xf32>
    %mul3A_154 = arith.mulf %slice3A_150, %get3A_20 : vector<256x32xf32>
    %mul3A_155 = arith.mulf %slice3A_149, %get3A_23 : vector<256x32xf32>
    %add3A_156 = arith.addf %mul3A_154, %mul3A_155 : vector<256x32xf32>
    %concatenate3A_157 = tpu.concatenate %sub3A_153, %add3A_156 in 1 : vector<256x32xf32>, vector<256x32xf32> -> vector<256x64xf32>
    %swap3A_158 = arith.constant 8 : index
    %swap3A_159 = arith.constant 0 : index
    %swap3A_160 = arith.constant 0 : index
    %swap3A_161 = vector.load %arg6[%swap3A_158, %swap3A_159, %swap3A_160] : memref<16x256x64xf32, #tpu.memory_space<vmem>>, vector<1x256x64xf32>
    %swap3A_162 = vector.shape_cast %swap3A_161 : vector<1x256x64xf32> to vector<256x64xf32>
    %swap3A_163 = vector.shape_cast %concatenate3A_157 : vector<256x64xf32> to vector<1x256x64xf32>
    tpu.vector_store %arg6[%swap3A_158, %swap3A_159, %swap3A_160], %swap3A_163 {strides = array<i32>} : memref<16x256x64xf32, #tpu.memory_space<vmem>>, vector<1x256x64xf32>,
    %slice3A_164 = vector.extract_strided_slice %dot_general3A_17 {offsets = [0, 576], sizes = [256, 64], strides = [1, 1]} : vector<256x2048xf32> to vector<256x64xf32>
    %slice3A_165 = vector.extract_strided_slice %slice3A_164 {offsets = [0, 0], sizes = [256, 32], strides = [1, 1]} : vector<256x64xf32> to vector<256x32xf32>
    %slice3A_166 = vector.extract_strided_slice %slice3A_164 {offsets = [0, 32], sizes = [256, 32], strides = [1, 1]} : vector<256x64xf32> to vector<256x32xf32>
    %mul3A_167 = arith.mulf %slice3A_165, %get3A_20 : vector<256x32xf32>
    %mul3A_168 = arith.mulf %slice3A_166, %get3A_23 : vector<256x32xf32>
    %sub3A_169 = arith.subf %mul3A_167, %mul3A_168 : vector<256x32xf32>
    %mul3A_170 = arith.mulf %slice3A_166, %get3A_20 : vector<256x32xf32>
    %mul3A_171 = arith.mulf %slice3A_165, %get3A_23 : vector<256x32xf32>
    %add3A_172 = arith.addf %mul3A_170, %mul3A_171 : vector<256x32xf32>
    %concatenate3A_173 = tpu.concatenate %sub3A_169, %add3A_172 in 1 : vector<256x32xf32>, vector<256x32xf32> -> vector<256x64xf32>
    %swap3A_174 = arith.constant 9 : index
    %swap3A_175 = arith.constant 0 : index
    %swap3A_176 = arith.constant 0 : index
    %swap3A_177 = vector.load %arg6[%swap3A_174, %swap3A_175, %swap3A_176] : memref<16x256x64xf32, #tpu.memory_space<vmem>>, vector<1x256x64xf32>
    %swap3A_178 = vector.shape_cast %swap3A_177 : vector<1x256x64xf32> to vector<256x64xf32>
    %swap3A_179 = vector.shape_cast %concatenate3A_173 : vector<256x64xf32> to vector<1x256x64xf32>
    tpu.vector_store %arg6[%swap3A_174, %swap3A_175, %swap3A_176], %swap3A_179 {strides = array<i32>} : memref<16x256x64xf32, #tpu.memory_space<vmem>>, vector<1x256x64xf32>,
    %slice3A_180 = vector.extract_strided_slice %dot_general3A_17 {offsets = [0, 640], sizes = [256, 64], strides = [1, 1]} : vector<256x2048xf32> to vector<256x64xf32>
    %slice3A_181 = vector.extract_strided_slice %slice3A_180 {offsets = [0, 0], sizes = [256, 32], strides = [1, 1]} : vector<256x64xf32> to vector<256x32xf32>
    %slice3A_182 = vector.extract_strided_slice %slice3A_180 {offsets = [0, 32], sizes = [256, 32], strides = [1, 1]} : vector<256x64xf32> to vector<256x32xf32>
    %mul3A_183 = arith.mulf %slice3A_181, %get3A_20 : vector<256x32xf32>
    %mul3A_184 = arith.mulf %slice3A_182, %get3A_23 : vector<256x32xf32>
    %sub3A_185 = arith.subf %mul3A_183, %mul3A_184 : vector<256x32xf32>
    %mul3A_186 = arith.mulf %slice3A_182, %get3A_20 : vector<256x32xf32>
    %mul3A_187 = arith.mulf %slice3A_181, %get3A_23 : vector<256x32xf32>
    %add3A_188 = arith.addf %mul3A_186, %mul3A_187 : vector<256x32xf32>
    %concatenate3A_189 = tpu.concatenate %sub3A_185, %add3A_188 in 1 : vector<256x32xf32>, vector<256x32xf32> -> vector<256x64xf32>
    %swap3A_190 = arith.constant 10 : index
    %swap3A_191 = arith.constant 0 : index
    %swap3A_192 = arith.constant 0 : index
    %swap3A_193 = vector.load %arg6[%swap3A_190, %swap3A_191, %swap3A_192] : memref<16x256x64xf32, #tpu.memory_space<vmem>>, vector<1x256x64xf32>
    %swap3A_194 = vector.shape_cast %swap3A_193 : vector<1x256x64xf32> to vector<256x64xf32>
    %swap3A_195 = vector.shape_cast %concatenate3A_189 : vector<256x64xf32> to vector<1x256x64xf32>
    tpu.vector_store %arg6[%swap3A_190, %swap3A_191, %swap3A_192], %swap3A_195 {strides = array<i32>} : memref<16x256x64xf32, #tpu.memory_space<vmem>>, vector<1x256x64xf32>,
    %slice3A_196 = vector.extract_strided_slice %dot_general3A_17 {offsets = [0, 704], sizes = [256, 64], strides = [1, 1]} : vector<256x2048xf32> to vector<256x64xf32>
    %slice3A_197 = vector.extract_strided_slice %slice3A_196 {offsets = [0, 0], sizes = [256, 32], strides = [1, 1]} : vector<256x64xf32> to vector<256x32xf32>
    %slice3A_198 = vector.extract_strided_slice %slice3A_196 {offsets = [0, 32], sizes = [256, 32], strides = [1, 1]} : vector<256x64xf32> to vector<256x32xf32>
    %mul3A_199 = arith.mulf %slice3A_197, %get3A_20 : vector<256x32xf32>
    %mul3A_200 = arith.mulf %slice3A_198, %get3A_23 : vector<256x32xf32>
    %sub3A_201 = arith.subf %mul3A_199, %mul3A_200 : vector<256x32xf32>
    %mul3A_202 = arith.mulf %slice3A_198, %get3A_20 : vector<256x32xf32>
    %mul3A_203 = arith.mulf %slice3A_197, %get3A_23 : vector<256x32xf32>
    %add3A_204 = arith.addf %mul3A_202, %mul3A_203 : vector<256x32xf32>
    %concatenate3A_205 = tpu.concatenate %sub3A_201, %add3A_204 in 1 : vector<256x32xf32>, vector<256x32xf32> -> vector<256x64xf32>
    %swap3A_206 = arith.constant 11 : index
    %swap3A_207 = arith.constant 0 : index
    %swap3A_208 = arith.constant 0 : index
    %swap3A_209 = vector.load %arg6[%swap3A_206, %swap3A_207, %swap3A_208] : memref<16x256x64xf32, #tpu.memory_space<vmem>>, vector<1x256x64xf32>
    %swap3A_210 = vector.shape_cast %swap3A_209 : vector<1x256x64xf32> to vector<256x64xf32>
    %swap3A_211 = vector.shape_cast %concatenate3A_205 : vector<256x64xf32> to vector<1x256x64xf32>
    tpu.vector_store %arg6[%swap3A_206, %swap3A_207, %swap3A_208], %swap3A_211 {strides = array<i32>} : memref<16x256x64xf32, #tpu.memory_space<vmem>>, vector<1x256x64xf32>,
    %slice3A_212 = vector.extract_strided_slice %dot_general3A_17 {offsets = [0, 768], sizes = [256, 64], strides = [1, 1]} : vector<256x2048xf32> to vector<256x64xf32>
    %slice3A_213 = vector.extract_strided_slice %slice3A_212 {offsets = [0, 0], sizes = [256, 32], strides = [1, 1]} : vector<256x64xf32> to vector<256x32xf32>
    %slice3A_214 = vector.extract_strided_slice %slice3A_212 {offsets = [0, 32], sizes = [256, 32], strides = [1, 1]} : vector<256x64xf32> to vector<256x32xf32>
    %mul3A_215 = arith.mulf %slice3A_213, %get3A_20 : vector<256x32xf32>
    %mul3A_216 = arith.mulf %slice3A_214, %get3A_23 : vector<256x32xf32>
    %sub3A_217 = arith.subf %mul3A_215, %mul3A_216 : vector<256x32xf32>
    %mul3A_218 = arith.mulf %slice3A_214, %get3A_20 : vector<256x32xf32>
    %mul3A_219 = arith.mulf %slice3A_213, %get3A_23 : vector<256x32xf32>
    %add3A_220 = arith.addf %mul3A_218, %mul3A_219 : vector<256x32xf32>
    %concatenate3A_221 = tpu.concatenate %sub3A_217, %add3A_220 in 1 : vector<256x32xf32>, vector<256x32xf32> -> vector<256x64xf32>
    %swap3A_222 = arith.constant 12 : index
    %swap3A_223 = arith.constant 0 : index
    %swap3A_224 = arith.constant 0 : index
    %swap3A_225 = vector.load %arg6[%swap3A_222, %swap3A_223, %swap3A_224] : memref<16x256x64xf32, #tpu.memory_space<vmem>>, vector<1x256x64xf32>
    %swap3A_226 = vector.shape_cast %swap3A_225 : vector<1x256x64xf32> to vector<256x64xf32>
    %swap3A_227 = vector.shape_cast %concatenate3A_221 : vector<256x64xf32> to vector<1x256x64xf32>
    tpu.vector_store %arg6[%swap3A_222, %swap3A_223, %swap3A_224], %swap3A_227 {strides = array<i32>} : memref<16x256x64xf32, #tpu.memory_space<vmem>>, vector<1x256x64xf32>,
    %slice3A_228 = vector.extract_strided_slice %dot_general3A_17 {offsets = [0, 832], sizes = [256, 64], strides = [1, 1]} : vector<256x2048xf32> to vector<256x64xf32>
    %slice3A_229 = vector.extract_strided_slice %slice3A_228 {offsets = [0, 0], sizes = [256, 32], strides = [1, 1]} : vector<256x64xf32> to vector<256x32xf32>
    %slice3A_230 = vector.extract_strided_slice %slice3A_228 {offsets = [0, 32], sizes = [256, 32], strides = [1, 1]} : vector<256x64xf32> to vector<256x32xf32>
    %mul3A_231 = arith.mulf %slice3A_229, %get3A_20 : vector<256x32xf32>
    %mul3A_232 = arith.mulf %slice3A_230, %get3A_23 : vector<256x32xf32>
    %sub3A_233 = arith.subf %mul3A_231, %mul3A_232 : vector<256x32xf32>
    %mul3A_234 = arith.mulf %slice3A_230, %get3A_20 : vector<256x32xf32>
    %mul3A_235 = arith.mulf %slice3A_229, %get3A_23 : vector<256x32xf32>
    %add3A_236 = arith.addf %mul3A_234, %mul3A_235 : vector<256x32xf32>
    %concatenate3A_237 = tpu.concatenate %sub3A_233, %add3A_236 in 1 : vector<256x32xf32>, vector<256x32xf32> -> vector<256x64xf32>
    %swap3A_238 = arith.constant 13 : index
    %swap3A_239 = arith.constant 0 : index
    %swap3A_240 = arith.constant 0 : index
    %swap3A_241 = vector.load %arg6[%swap3A_238, %swap3A_239, %swap3A_240] : memref<16x256x64xf32, #tpu.memory_space<vmem>>, vector<1x256x64xf32>
    %swap3A_242 = vector.shape_cast %swap3A_241 : vector<1x256x64xf32> to vector<256x64xf32>
    %swap3A_243 = vector.shape_cast %concatenate3A_237 : vector<256x64xf32> to vector<1x256x64xf32>
    tpu.vector_store %arg6[%swap3A_238, %swap3A_239, %swap3A_240], %swap3A_243 {strides = array<i32>} : memref<16x256x64xf32, #tpu.memory_space<vmem>>, vector<1x256x64xf32>,
    %slice3A_244 = vector.extract_strided_slice %dot_general3A_17 {offsets = [0, 896], sizes = [256, 64], strides = [1, 1]} : vector<256x2048xf32> to vector<256x64xf32>
    %slice3A_245 = vector.extract_strided_slice %slice3A_244 {offsets = [0, 0], sizes = [256, 32], strides = [1, 1]} : vector<256x64xf32> to vector<256x32xf32>
    %slice3A_246 = vector.extract_strided_slice %slice3A_244 {offsets = [0, 32], sizes = [256, 32], strides = [1, 1]} : vector<256x64xf32> to vector<256x32xf32>
    %mul3A_247 = arith.mulf %slice3A_245, %get3A_20 : vector<256x32xf32>
    %mul3A_248 = arith.mulf %slice3A_246, %get3A_23 : vector<256x32xf32>
    %sub3A_249 = arith.subf %mul3A_247, %mul3A_248 : vector<256x32xf32>
    %mul3A_250 = arith.mulf %slice3A_246, %get3A_20 : vector<256x32xf32>
    %mul3A_251 = arith.mulf %slice3A_245, %get3A_23 : vector<256x32xf32>
    %add3A_252 = arith.addf %mul3A_250, %mul3A_251 : vector<256x32xf32>
    %concatenate3A_253 = tpu.concatenate %sub3A_249, %add3A_252 in 1 : vector<256x32xf32>, vector<256x32xf32> -> vector<256x64xf32>
    %swap3A_254 = arith.constant 14 : index
    %swap3A_255 = arith.constant 0 : index
    %swap3A_256 = arith.constant 0 : index
    %swap3A_257 = vector.load %arg6[%swap3A_254, %swap3A_255, %swap3A_256] : memref<16x256x64xf32, #tpu.memory_space<vmem>>, vector<1x256x64xf32>
    %swap3A_258 = vector.shape_cast %swap3A_257 : vector<1x256x64xf32> to vector<256x64xf32>
    %swap3A_259 = vector.shape_cast %concatenate3A_253 : vector<256x64xf32> to vector<1x256x64xf32>
    tpu.vector_store %arg6[%swap3A_254, %swap3A_255, %swap3A_256], %swap3A_259 {strides = array<i32>} : memref<16x256x64xf32, #tpu.memory_space<vmem>>, vector<1x256x64xf32>,
    %slice3A_260 = vector.extract_strided_slice %dot_general3A_17 {offsets = [0, 960], sizes = [256, 64], strides = [1, 1]} : vector<256x2048xf32> to vector<256x64xf32>
    %slice3A_261 = vector.extract_strided_slice %slice3A_260 {offsets = [0, 0], sizes = [256, 32], strides = [1, 1]} : vector<256x64xf32> to vector<256x32xf32>
    %slice3A_262 = vector.extract_strided_slice %slice3A_260 {offsets = [0, 32], sizes = [256, 32], strides = [1, 1]} : vector<256x64xf32> to vector<256x32xf32>
    %mul3A_263 = arith.mulf %slice3A_261, %get3A_20 : vector<256x32xf32>
    %mul3A_264 = arith.mulf %slice3A_262, %get3A_23 : vector<256x32xf32>
    %sub3A_265 = arith.subf %mul3A_263, %mul3A_264 : vector<256x32xf32>
    %mul3A_266 = arith.mulf %slice3A_262, %get3A_20 : vector<256x32xf32>
    %mul3A_267 = arith.mulf %slice3A_261, %get3A_23 : vector<256x32xf32>
    %add3A_268 = arith.addf %mul3A_266, %mul3A_267 : vector<256x32xf32>
    %concatenate3A_269 = tpu.concatenate %sub3A_265, %add3A_268 in 1 : vector<256x32xf32>, vector<256x32xf32> -> vector<256x64xf32>
    %swap3A_270 = arith.constant 15 : index
    %swap3A_271 = arith.constant 0 : index
    %swap3A_272 = arith.constant 0 : index
    %swap3A_273 = vector.load %arg6[%swap3A_270, %swap3A_271, %swap3A_272] : memref<16x256x64xf32, #tpu.memory_space<vmem>>, vector<1x256x64xf32>
    %swap3A_274 = vector.shape_cast %swap3A_273 : vector<1x256x64xf32> to vector<256x64xf32>
    %swap3A_275 = vector.shape_cast %concatenate3A_269 : vector<256x64xf32> to vector<1x256x64xf32>
    tpu.vector_store %arg6[%swap3A_270, %swap3A_271, %swap3A_272], %swap3A_275 {strides = array<i32>} : memref<16x256x64xf32, #tpu.memory_space<vmem>>, vector<1x256x64xf32>,
    %slice3A_276 = vector.extract_strided_slice %dot_general3A_17 {offsets = [0, 1024], sizes = [256, 64], strides = [1, 1]} : vector<256x2048xf32> to vector<256x64xf32>
    %slice3A_277 = vector.extract_strided_slice %slice3A_276 {offsets = [0, 0], sizes = [256, 32], strides = [1, 1]} : vector<256x64xf32> to vector<256x32xf32>
    %slice3A_278 = vector.extract_strided_slice %slice3A_276 {offsets = [0, 32], sizes = [256, 32], strides = [1, 1]} : vector<256x64xf32> to vector<256x32xf32>
    %mul3A_279 = arith.mulf %slice3A_277, %get3A_20 : vector<256x32xf32>
    %mul3A_280 = arith.mulf %slice3A_278, %get3A_23 : vector<256x32xf32>
    %sub3A_281 = arith.subf %mul3A_279, %mul3A_280 : vector<256x32xf32>
    %mul3A_282 = arith.mulf %slice3A_278, %get3A_20 : vector<256x32xf32>
    %mul3A_283 = arith.mulf %slice3A_277, %get3A_23 : vector<256x32xf32>
    %add3A_284 = arith.addf %mul3A_282, %mul3A_283 : vector<256x32xf32>
    %concatenate3A_285 = tpu.concatenate %sub3A_281, %add3A_284 in 1 : vector<256x32xf32>, vector<256x32xf32> -> vector<256x64xf32>
    %swap3A_286 = arith.constant 0 : index
    %swap3A_287 = arith.constant 0 : index
    %swap3A_288 = arith.constant 0 : index
    %swap3A_289 = vector.load %arg7[%swap3A_286, %swap3A_287, %swap3A_288] : memref<8x256x64xf32, #tpu.memory_space<vmem>>, vector<1x256x64xf32>
    %swap3A_290 = vector.shape_cast %swap3A_289 : vector<1x256x64xf32> to vector<256x64xf32>
    %swap3A_291 = vector.shape_cast %concatenate3A_285 : vector<256x64xf32> to vector<1x256x64xf32>
    tpu.vector_store %arg7[%swap3A_286, %swap3A_287, %swap3A_288], %swap3A_291 {strides = array<i32>} : memref<8x256x64xf32, #tpu.memory_space<vmem>>, vector<1x256x64xf32>,
    %slice3A_292 = vector.extract_strided_slice %dot_general3A_17 {offsets = [0, 1536], sizes = [256, 64], strides = [1, 1]} : vector<256x2048xf32> to vector<256x64xf32>
    %swap3A_293 = arith.constant 0 : index
    %swap3A_294 = arith.constant 0 : index
    %swap3A_295 = arith.constant 0 : index
    %swap3A_296 = vector.load %arg8[%swap3A_293, %swap3A_294, %swap3A_295] : memref<8x256x64xf32, #tpu.memory_space<vmem>>, vector<1x256x64xf32>
    %swap3A_297 = vector.shape_cast %swap3A_296 : vector<1x256x64xf32> to vector<256x64xf32>
    %swap3A_298 = vector.shape_cast %slice3A_292 : vector<256x64xf32> to vector<1x256x64xf32>
    tpu.vector_store %arg8[%swap3A_293, %swap3A_294, %swap3A_295], %swap3A_298 {strides = array<i32>} : memref<8x256x64xf32, #tpu.memory_space<vmem>>, vector<1x256x64xf32>,
    %slice3A_299 = vector.extract_strided_slice %dot_general3A_17 {offsets = [0, 1088], sizes = [256, 64], strides = [1, 1]} : vector<256x2048xf32> to vector<256x64xf32>
    %slice3A_300 = vector.extract_strided_slice %slice3A_299 {offsets = [0, 0], sizes = [256, 32], strides = [1, 1]} : vector<256x64xf32> to vector<256x32xf32>
    %slice3A_301 = vector.extract_strided_slice %slice3A_299 {offsets = [0, 32], sizes = [256, 32], strides = [1, 1]} : vector<256x64xf32> to vector<256x32xf32>
    %mul3A_302 = arith.mulf %slice3A_300, %get3A_20 : vector<256x32xf32>
    %mul3A_303 = arith.mulf %slice3A_301, %get3A_23 : vector<256x32xf32>
    %sub3A_304 = arith.subf %mul3A_302, %mul3A_303 : vector<256x32xf32>
    %mul3A_305 = arith.mulf %slice3A_301, %get3A_20 : vector<256x32xf32>
    %mul3A_306 = arith.mulf %slice3A_300, %get3A_23 : vector<256x32xf32>
    %add3A_307 = arith.addf %mul3A_305, %mul3A_306 : vector<256x32xf32>
    %concatenate3A_308 = tpu.concatenate %sub3A_304, %add3A_307 in 1 : vector<256x32xf32>, vector<256x32xf32> -> vector<256x64xf32>
    %swap3A_309 = arith.constant 1 : index
    %swap3A_310 = arith.constant 0 : index
    %swap3A_311 = arith.constant 0 : index
    %swap3A_312 = vector.load %arg7[%swap3A_309, %swap3A_310, %swap3A_311] : memref<8x256x64xf32, #tpu.memory_space<vmem>>, vector<1x256x64xf32>
    %swap3A_313 = vector.shape_cast %swap3A_312 : vector<1x256x64xf32> to vector<256x64xf32>
    %swap3A_314 = vector.shape_cast %concatenate3A_308 : vector<256x64xf32> to vector<1x256x64xf32>
    tpu.vector_store %arg7[%swap3A_309, %swap3A_310, %swap3A_311], %swap3A_314 {strides = array<i32>} : memref<8x256x64xf32, #tpu.memory_space<vmem>>, vector<1x256x64xf32>,
    %slice3A_315 = vector.extract_strided_slice %dot_general3A_17 {offsets = [0, 1600], sizes = [256, 64], strides = [1, 1]} : vector<256x2048xf32> to vector<256x64xf32>
    %swap3A_316 = arith.constant 1 : index
    %swap3A_317 = arith.constant 0 : index
    %swap3A_318 = arith.constant 0 : index
    %swap3A_319 = vector.load %arg8[%swap3A_316, %swap3A_317, %swap3A_318] : memref<8x256x64xf32, #tpu.memory_space<vmem>>, vector<1x256x64xf32>
    %swap3A_320 = vector.shape_cast %swap3A_319 : vector<1x256x64xf32> to vector<256x64xf32>
    %swap3A_321 = vector.shape_cast %slice3A_315 : vector<256x64xf32> to vector<1x256x64xf32>
    tpu.vector_store %arg8[%swap3A_316, %swap3A_317, %swap3A_318], %swap3A_321 {strides = array<i32>} : memref<8x256x64xf32, #tpu.memory_space<vmem>>, vector<1x256x64xf32>,
    %slice3A_322 = vector.extract_strided_slice %dot_general3A_17 {offsets = [0, 1152], sizes = [256, 64], strides = [1, 1]} : vector<256x2048xf32> to vector<256x64xf32>
    %slice3A_323 = vector.extract_strided_slice %slice3A_322 {offsets = [0, 0], sizes = [256, 32], strides = [1, 1]} : vector<256x64xf32> to vector<256x32xf32>
    %slice3A_324 = vector.extract_strided_slice %slice3A_322 {offsets = [0, 32], sizes = [256, 32], strides = [1, 1]} : vector<256x64xf32> to vector<256x32xf32>
    %mul3A_325 = arith.mulf %slice3A_323, %get3A_20 : vector<256x32xf32>
    %mul3A_326 = arith.mulf %slice3A_324, %get3A_23 : vector<256x32xf32>
    %sub3A_327 = arith.subf %mul3A_325, %mul3A_326 : vector<256x32xf32>
    %mul3A_328 = arith.mulf %slice3A_324, %get3A_20 : vector<256x32xf32>
    %mul3A_329 = arith.mulf %slice3A_323, %get3A_23 : vector<256x32xf32>
    %add3A_330 = arith.addf %mul3A_328, %mul3A_329 : vector<256x32xf32>
    %concatenate3A_331 = tpu.concatenate %sub3A_327, %add3A_330 in 1 : vector<256x32xf32>, vector<256x32xf32> -> vector<256x64xf32>
    %swap3A_332 = arith.constant 2 : index
    %swap3A_333 = arith.constant 0 : index
    %swap3A_334 = arith.constant 0 : index
    %swap3A_335 = vector.load %arg7[%swap3A_332, %swap3A_333, %swap3A_334] : memref<8x256x64xf32, #tpu.memory_space<vmem>>, vector<1x256x64xf32>
    %swap3A_336 = vector.shape_cast %swap3A_335 : vector<1x256x64xf32> to vector<256x64xf32>
    %swap3A_337 = vector.shape_cast %concatenate3A_331 : vector<256x64xf32> to vector<1x256x64xf32>
    tpu.vector_store %arg7[%swap3A_332, %swap3A_333, %swap3A_334], %swap3A_337 {strides = array<i32>} : memref<8x256x64xf32, #tpu.memory_space<vmem>>, vector<1x256x64xf32>,
    %slice3A_338 = vector.extract_strided_slice %dot_general3A_17 {offsets = [0, 1664], sizes = [256, 64], strides = [1, 1]} : vector<256x2048xf32> to vector<256x64xf32>
    %swap3A_339 = arith.constant 2 : index
    %swap3A_340 = arith.constant 0 : index
    %swap3A_341 = arith.constant 0 : index
    %swap3A_342 = vector.load %arg8[%swap3A_339, %swap3A_340, %swap3A_341] : memref<8x256x64xf32, #tpu.memory_space<vmem>>, vector<1x256x64xf32>
    %swap3A_343 = vector.shape_cast %swap3A_342 : vector<1x256x64xf32> to vector<256x64xf32>
    %swap3A_344 = vector.shape_cast %slice3A_338 : vector<256x64xf32> to vector<1x256x64xf32>
    tpu.vector_store %arg8[%swap3A_339, %swap3A_340, %swap3A_341], %swap3A_344 {strides = array<i32>} : memref<8x256x64xf32, #tpu.memory_space<vmem>>, vector<1x256x64xf32>,
    %slice3A_345 = vector.extract_strided_slice %dot_general3A_17 {offsets = [0, 1216], sizes = [256, 64], strides = [1, 1]} : vector<256x2048xf32> to vector<256x64xf32>
    %slice3A_346 = vector.extract_strided_slice %slice3A_345 {offsets = [0, 0], sizes = [256, 32], strides = [1, 1]} : vector<256x64xf32> to vector<256x32xf32>
    %slice3A_347 = vector.extract_strided_slice %slice3A_345 {offsets = [0, 32], sizes = [256, 32], strides = [1, 1]} : vector<256x64xf32> to vector<256x32xf32>
    %mul3A_348 = arith.mulf %slice3A_346, %get3A_20 : vector<256x32xf32>
    %mul3A_349 = arith.mulf %slice3A_347, %get3A_23 : vector<256x32xf32>
    %sub3A_350 = arith.subf %mul3A_348, %mul3A_349 : vector<256x32xf32>
    %mul3A_351 = arith.mulf %slice3A_347, %get3A_20 : vector<256x32xf32>
    %mul3A_352 = arith.mulf %slice3A_346, %get3A_23 : vector<256x32xf32>
    %add3A_353 = arith.addf %mul3A_351, %mul3A_352 : vector<256x32xf32>
    %concatenate3A_354 = tpu.concatenate %sub3A_350, %add3A_353 in 1 : vector<256x32xf32>, vector<256x32xf32> -> vector<256x64xf32>
    %swap3A_355 = arith.constant 3 : index
    %swap3A_356 = arith.constant 0 : index
    %swap3A_357 = arith.constant 0 : index
    %swap3A_358 = vector.load %arg7[%swap3A_355, %swap3A_356, %swap3A_357] : memref<8x256x64xf32, #tpu.memory_space<vmem>>, vector<1x256x64xf32>
    %swap3A_359 = vector.shape_cast %swap3A_358 : vector<1x256x64xf32> to vector<256x64xf32>
    %swap3A_360 = vector.shape_cast %concatenate3A_354 : vector<256x64xf32> to vector<1x256x64xf32>
    tpu.vector_store %arg7[%swap3A_355, %swap3A_356, %swap3A_357], %swap3A_360 {strides = array<i32>} : memref<8x256x64xf32, #tpu.memory_space<vmem>>, vector<1x256x64xf32>,
    %slice3A_361 = vector.extract_strided_slice %dot_general3A_17 {offsets = [0, 1728], sizes = [256, 64], strides = [1, 1]} : vector<256x2048xf32> to vector<256x64xf32>
    %swap3A_362 = arith.constant 3 : index
    %swap3A_363 = arith.constant 0 : index
    %swap3A_364 = arith.constant 0 : index
    %swap3A_365 = vector.load %arg8[%swap3A_362, %swap3A_363, %swap3A_364] : memref<8x256x64xf32, #tpu.memory_space<vmem>>, vector<1x256x64xf32>
    %swap3A_366 = vector.shape_cast %swap3A_365 : vector<1x256x64xf32> to vector<256x64xf32>
    %swap3A_367 = vector.shape_cast %slice3A_361 : vector<256x64xf32> to vector<1x256x64xf32>
    tpu.vector_store %arg8[%swap3A_362, %swap3A_363, %swap3A_364], %swap3A_367 {strides = array<i32>} : memref<8x256x64xf32, #tpu.memory_space<vmem>>, vector<1x256x64xf32>,
    %slice3A_368 = vector.extract_strided_slice %dot_general3A_17 {offsets = [0, 1280], sizes = [256, 64], strides = [1, 1]} : vector<256x2048xf32> to vector<256x64xf32>
    %slice3A_369 = vector.extract_strided_slice %slice3A_368 {offsets = [0, 0], sizes = [256, 32], strides = [1, 1]} : vector<256x64xf32> to vector<256x32xf32>
    %slice3A_370 = vector.extract_strided_slice %slice3A_368 {offsets = [0, 32], sizes = [256, 32], strides = [1, 1]} : vector<256x64xf32> to vector<256x32xf32>
    %mul3A_371 = arith.mulf %slice3A_369, %get3A_20 : vector<256x32xf32>
    %mul3A_372 = arith.mulf %slice3A_370, %get3A_23 : vector<256x32xf32>
    %sub3A_373 = arith.subf %mul3A_371, %mul3A_372 : vector<256x32xf32>
    %mul3A_374 = arith.mulf %slice3A_370, %get3A_20 : vector<256x32xf32>
    %mul3A_375 = arith.mulf %slice3A_369, %get3A_23 : vector<256x32xf32>
    %add3A_376 = arith.addf %mul3A_374, %mul3A_375 : vector<256x32xf32>
    %concatenate3A_377 = tpu.concatenate %sub3A_373, %add3A_376 in 1 : vector<256x32xf32>, vector<256x32xf32> -> vector<256x64xf32>
    %swap3A_378 = arith.constant 4 : index
    %swap3A_379 = arith.constant 0 : index
    %swap3A_380 = arith.constant 0 : index
    %swap3A_381 = vector.load %arg7[%swap3A_378, %swap3A_379, %swap3A_380] : memref<8x256x64xf32, #tpu.memory_space<vmem>>, vector<1x256x64xf32>
    %swap3A_382 = vector.shape_cast %swap3A_381 : vector<1x256x64xf32> to vector<256x64xf32>
    %swap3A_383 = vector.shape_cast %concatenate3A_377 : vector<256x64xf32> to vector<1x256x64xf32>
    tpu.vector_store %arg7[%swap3A_378, %swap3A_379, %swap3A_380], %swap3A_383 {strides = array<i32>} : memref<8x256x64xf32, #tpu.memory_space<vmem>>, vector<1x256x64xf32>,
    %slice3A_384 = vector.extract_strided_slice %dot_general3A_17 {offsets = [0, 1792], sizes = [256, 64], strides = [1, 1]} : vector<256x2048xf32> to vector<256x64xf32>
    %swap3A_385 = arith.constant 4 : index
    %swap3A_386 = arith.constant 0 : index
    %swap3A_387 = arith.constant 0 : index
    %swap3A_388 = vector.load %arg8[%swap3A_385, %swap3A_386, %swap3A_387] : memref<8x256x64xf32, #tpu.memory_space<vmem>>, vector<1x256x64xf32>
    %swap3A_389 = vector.shape_cast %swap3A_388 : vector<1x256x64xf32> to vector<256x64xf32>
    %swap3A_390 = vector.shape_cast %slice3A_384 : vector<256x64xf32> to vector<1x256x64xf32>
    tpu.vector_store %arg8[%swap3A_385, %swap3A_386, %swap3A_387], %swap3A_390 {strides = array<i32>} : memref<8x256x64xf32, #tpu.memory_space<vmem>>, vector<1x256x64xf32>,
    %slice3A_391 = vector.extract_strided_slice %dot_general3A_17 {offsets = [0, 1344], sizes = [256, 64], strides = [1, 1]} : vector<256x2048xf32> to vector<256x64xf32>
    %slice3A_392 = vector.extract_strided_slice %slice3A_391 {offsets = [0, 0], sizes = [256, 32], strides = [1, 1]} : vector<256x64xf32> to vector<256x32xf32>
    %slice3A_393 = vector.extract_strided_slice %slice3A_391 {offsets = [0, 32], sizes = [256, 32], strides = [1, 1]} : vector<256x64xf32> to vector<256x32xf32>
    %mul3A_394 = arith.mulf %slice3A_392, %get3A_20 : vector<256x32xf32>
    %mul3A_395 = arith.mulf %slice3A_393, %get3A_23 : vector<256x32xf32>
    %sub3A_396 = arith.subf %mul3A_394, %mul3A_395 : vector<256x32xf32>
    %mul3A_397 = arith.mulf %slice3A_393, %get3A_20 : vector<256x32xf32>
    %mul3A_398 = arith.mulf %slice3A_392, %get3A_23 : vector<256x32xf32>
    %add3A_399 = arith.addf %mul3A_397, %mul3A_398 : vector<256x32xf32>
    %concatenate3A_400 = tpu.concatenate %sub3A_396, %add3A_399 in 1 : vector<256x32xf32>, vector<256x32xf32> -> vector<256x64xf32>
    %swap3A_401 = arith.constant 5 : index
    %swap3A_402 = arith.constant 0 : index
    %swap3A_403 = arith.constant 0 : index
    %swap3A_404 = vector.load %arg7[%swap3A_401, %swap3A_402, %swap3A_403] : memref<8x256x64xf32, #tpu.memory_space<vmem>>, vector<1x256x64xf32>
    %swap3A_405 = vector.shape_cast %swap3A_404 : vector<1x256x64xf32> to vector<256x64xf32>
    %swap3A_406 = vector.shape_cast %concatenate3A_400 : vector<256x64xf32> to vector<1x256x64xf32>
    tpu.vector_store %arg7[%swap3A_401, %swap3A_402, %swap3A_403], %swap3A_406 {strides = array<i32>} : memref<8x256x64xf32, #tpu.memory_space<vmem>>, vector<1x256x64xf32>,
    %slice3A_407 = vector.extract_strided_slice %dot_general3A_17 {offsets = [0, 1856], sizes = [256, 64], strides = [1, 1]} : vector<256x2048xf32> to vector<256x64xf32>
    %swap3A_408 = arith.constant 5 : index
    %swap3A_409 = arith.constant 0 : index
    %swap3A_410 = arith.constant 0 : index
    %swap3A_411 = vector.load %arg8[%swap3A_408, %swap3A_409, %swap3A_410] : memref<8x256x64xf32, #tpu.memory_space<vmem>>, vector<1x256x64xf32>
    %swap3A_412 = vector.shape_cast %swap3A_411 : vector<1x256x64xf32> to vector<256x64xf32>
    %swap3A_413 = vector.shape_cast %slice3A_407 : vector<256x64xf32> to vector<1x256x64xf32>
    tpu.vector_store %arg8[%swap3A_408, %swap3A_409, %swap3A_410], %swap3A_413 {strides = array<i32>} : memref<8x256x64xf32, #tpu.memory_space<vmem>>, vector<1x256x64xf32>,
    %slice3A_414 = vector.extract_strided_slice %dot_general3A_17 {offsets = [0, 1408], sizes = [256, 64], strides = [1, 1]} : vector<256x2048xf32> to vector<256x64xf32>
    %slice3A_415 = vector.extract_strided_slice %slice3A_414 {offsets = [0, 0], sizes = [256, 32], strides = [1, 1]} : vector<256x64xf32> to vector<256x32xf32>
    %slice3A_416 = vector.extract_strided_slice %slice3A_414 {offsets = [0, 32], sizes = [256, 32], strides = [1, 1]} : vector<256x64xf32> to vector<256x32xf32>
    %mul3A_417 = arith.mulf %slice3A_415, %get3A_20 : vector<256x32xf32>
    %mul3A_418 = arith.mulf %slice3A_416, %get3A_23 : vector<256x32xf32>
    %sub3A_419 = arith.subf %mul3A_417, %mul3A_418 : vector<256x32xf32>
    %mul3A_420 = arith.mulf %slice3A_416, %get3A_20 : vector<256x32xf32>
    %mul3A_421 = arith.mulf %slice3A_415, %get3A_23 : vector<256x32xf32>
    %add3A_422 = arith.addf %mul3A_420, %mul3A_421 : vector<256x32xf32>
    %concatenate3A_423 = tpu.concatenate %sub3A_419, %add3A_422 in 1 : vector<256x32xf32>, vector<256x32xf32> -> vector<256x64xf32>
    %swap3A_424 = arith.constant 6 : index
    %swap3A_425 = arith.constant 0 : index
    %swap3A_426 = arith.constant 0 : index
    %swap3A_427 = vector.load %arg7[%swap3A_424, %swap3A_425, %swap3A_426] : memref<8x256x64xf32, #tpu.memory_space<vmem>>, vector<1x256x64xf32>
    %swap3A_428 = vector.shape_cast %swap3A_427 : vector<1x256x64xf32> to vector<256x64xf32>
    %swap3A_429 = vector.shape_cast %concatenate3A_423 : vector<256x64xf32> to vector<1x256x64xf32>
    tpu.vector_store %arg7[%swap3A_424, %swap3A_425, %swap3A_426], %swap3A_429 {strides = array<i32>} : memref<8x256x64xf32, #tpu.memory_space<vmem>>, vector<1x256x64xf32>,
    %slice3A_430 = vector.extract_strided_slice %dot_general3A_17 {offsets = [0, 1920], sizes = [256, 64], strides = [1, 1]} : vector<256x2048xf32> to vector<256x64xf32>
    %swap3A_431 = arith.constant 6 : index
    %swap3A_432 = arith.constant 0 : index
    %swap3A_433 = arith.constant 0 : index
    %swap3A_434 = vector.load %arg8[%swap3A_431, %swap3A_432, %swap3A_433] : memref<8x256x64xf32, #tpu.memory_space<vmem>>, vector<1x256x64xf32>
    %swap3A_435 = vector.shape_cast %swap3A_434 : vector<1x256x64xf32> to vector<256x64xf32>
    %swap3A_436 = vector.shape_cast %slice3A_430 : vector<256x64xf32> to vector<1x256x64xf32>
    tpu.vector_store %arg8[%swap3A_431, %swap3A_432, %swap3A_433], %swap3A_436 {strides = array<i32>} : memref<8x256x64xf32, #tpu.memory_space<vmem>>, vector<1x256x64xf32>,
    %slice3A_437 = vector.extract_strided_slice %dot_general3A_17 {offsets = [0, 1472], sizes = [256, 64], strides = [1, 1]} : vector<256x2048xf32> to vector<256x64xf32>
    %slice3A_438 = vector.extract_strided_slice %slice3A_437 {offsets = [0, 0], sizes = [256, 32], strides = [1, 1]} : vector<256x64xf32> to vector<256x32xf32>
    %slice3A_439 = vector.extract_strided_slice %slice3A_437 {offsets = [0, 32], sizes = [256, 32], strides = [1, 1]} : vector<256x64xf32> to vector<256x32xf32>
    %mul3A_440 = arith.mulf %slice3A_438, %get3A_20 : vector<256x32xf32>
    %mul3A_441 = arith.mulf %slice3A_439, %get3A_23 : vector<256x32xf32>
    %sub3A_442 = arith.subf %mul3A_440, %mul3A_441 : vector<256x32xf32>
    %mul3A_443 = arith.mulf %slice3A_439, %get3A_20 : vector<256x32xf32>
    %mul3A_444 = arith.mulf %slice3A_438, %get3A_23 : vector<256x32xf32>
    %add3A_445 = arith.addf %mul3A_443, %mul3A_444 : vector<256x32xf32>
    %concatenate3A_446 = tpu.concatenate %sub3A_442, %add3A_445 in 1 : vector<256x32xf32>, vector<256x32xf32> -> vector<256x64xf32>
    %swap3A_447 = arith.constant 7 : index
    %swap3A_448 = arith.constant 0 : index
    %swap3A_449 = arith.constant 0 : index
    %swap3A_450 = vector.load %arg7[%swap3A_447, %swap3A_448, %swap3A_449] : memref<8x256x64xf32, #tpu.memory_space<vmem>>, vector<1x256x64xf32>
    %swap3A_451 = vector.shape_cast %swap3A_450 : vector<1x256x64xf32> to vector<256x64xf32>
    %swap3A_452 = vector.shape_cast %concatenate3A_446 : vector<256x64xf32> to vector<1x256x64xf32>
    tpu.vector_store %arg7[%swap3A_447, %swap3A_448, %swap3A_449], %swap3A_452 {strides = array<i32>} : memref<8x256x64xf32, #tpu.memory_space<vmem>>, vector<1x256x64xf32>,
    %slice3A_453 = vector.extract_strided_slice %dot_general3A_17 {offsets = [0, 1984], sizes = [256, 64], strides = [1, 1]} : vector<256x2048xf32> to vector<256x64xf32>
    %swap3A_454 = arith.constant 7 : index
    %swap3A_455 = arith.constant 0 : index
    %swap3A_456 = arith.constant 0 : index
    %swap3A_457 = vector.load %arg8[%swap3A_454, %swap3A_455, %swap3A_456] : memref<8x256x64xf32, #tpu.memory_space<vmem>>, vector<1x256x64xf32>
    %swap3A_458 = vector.shape_cast %swap3A_457 : vector<1x256x64xf32> to vector<256x64xf32>
    %swap3A_459 = vector.shape_cast %slice3A_453 : vector<256x64xf32> to vector<1x256x64xf32>
    tpu.vector_store %arg8[%swap3A_454, %swap3A_455, %swap3A_456], %swap3A_459 {strides = array<i32>} : memref<8x256x64xf32, #tpu.memory_space<vmem>>, vector<1x256x64xf32>,
    return
  }
  func.func @transform_0(%arg0: i32) -> (i32, i32) {
    %c0_i32 = arith.constant 0 : i32
    %c0_i32_0 = arith.constant 0 : i32
    return %arg0, %c0_i32 : i32, i32
  }
  func.func @transform_1(%arg0: i32) -> (i32, i32) {
    %c0_i32 = arith.constant 0 : i32
    %c0_i32_0 = arith.constant 0 : i32
    return %arg0, %c0_i32 : i32, i32
  }
  func.func @transform_2(%arg0: i32) -> (i32, i32) {
    %c0_i32 = arith.constant 0 : i32
    %c0_i32_0 = arith.constant 0 : i32
    return %arg0, %c0_i32 : i32, i32
  }
  func.func @transform_3(%arg0: i32) -> (i32, i32) {
    %c0_i32 = arith.constant 0 : i32
    %c0_i32_0 = arith.constant 0 : i32
    %c0_i32_1 = arith.constant 0 : i32
    return %c0_i32, %c0_i32_0 : i32, i32
  }
  func.func @transform_4(%arg0: i32) -> (i32, i32) {
    %c0_i32 = arith.constant 0 : i32
    %c0_i32_0 = arith.constant 0 : i32
    %c0_i32_1 = arith.constant 0 : i32
    return %c0_i32, %c0_i32_0 : i32, i32
  }
  func.func @transform_5(%arg0: i32) -> (i32, i32, i32) {
    %c0_i32 = arith.constant 0 : i32
    %c0_i32_0 = arith.constant 0 : i32
    %c0_i32_1 = arith.constant 0 : i32
    return %c0_i32, %arg0, %c0_i32_0 : i32, i32, i32
  }
  func.func @transform_6(%arg0: i32) -> (i32, i32, i32) {
    %c0_i32 = arith.constant 0 : i32
    %c0_i32_0 = arith.constant 0 : i32
    %c0_i32_1 = arith.constant 0 : i32
    return %c0_i32, %arg0, %c0_i32_0 : i32, i32, i32
  }
  func.func @transform_7(%arg0: i32) -> (i32, i32, i32) {
    %c0_i32 = arith.constant 0 : i32
    %c0_i32_0 = arith.constant 0 : i32
    %c0_i32_1 = arith.constant 0 : i32
    return %c0_i32, %arg0, %c0_i32_0 : i32, i32, i32
  }
}

module attributes {stable_mosaic.version = 14 : i64} {
  func.func @_attn_body(%arg0: i32, %arg1: i32, %arg2: memref<1x512x64xf32, #tpu.memory_space<vmem>>, %arg3: memref<1x2048x64xf32, #tpu.memory_space<vmem>>, %arg4: memref<1x2048x64xf32, #tpu.memory_space<vmem>>, %arg5: memref<1x512x64xf32, #tpu.memory_space<vmem>>) attributes {dimension_semantics = [#tpu.dimension_semantics<arbitrary>, #tpu.dimension_semantics<arbitrary>], iteration_bounds = array<i64: 16, 4>, scalar_prefetch = 0 : i64, scratch_operands = 0 : i64, tpu.core_type = #tpu.core_type<tc>, window_params = [{transform_indices = @transform_0, window_bounds = array<i64: 1, 512, 64>}, {transform_indices = @transform_1, window_bounds = array<i64: 1, 2048, 64>}, {transform_indices = @transform_2, window_bounds = array<i64: 1, 2048, 64>}, {transform_indices = @transform_3, window_bounds = array<i64: 1, 512, 64>}]} {
    %get3A = arith.constant 0 : index
    %get3A_0 = arith.constant 0 : index
    %get3A_1 = arith.constant 0 : index
    %get3A_2 = vector.load %arg2[%get3A, %get3A_0, %get3A_1] : memref<1x512x64xf32, #tpu.memory_space<vmem>>, vector<1x512x64xf32>
    %get3A_3 = vector.shape_cast %get3A_2 : vector<1x512x64xf32> to vector<512x64xf32>
    %get3A_4 = arith.constant 0 : index
    %get3A_5 = arith.constant 0 : index
    %get3A_6 = arith.constant 0 : index
    %get3A_7 = vector.load %arg3[%get3A_4, %get3A_5, %get3A_6] : memref<1x2048x64xf32, #tpu.memory_space<vmem>>, vector<1x2048x64xf32>
    %get3A_8 = vector.shape_cast %get3A_7 : vector<1x2048x64xf32> to vector<2048x64xf32>
    %get3A_9 = arith.constant 0 : index
    %get3A_10 = arith.constant 0 : index
    %get3A_11 = arith.constant 0 : index
    %get3A_12 = vector.load %arg4[%get3A_9, %get3A_10, %get3A_11] : memref<1x2048x64xf32, #tpu.memory_space<vmem>>, vector<1x2048x64xf32>
    %get3A_13 = vector.shape_cast %get3A_12 : vector<1x2048x64xf32> to vector<2048x64xf32>
    %dot_general3A = arith.constant dense<0.000000e+00> : vector<512x2048xf32>
    %dot_general3A_14 = tpu.matmul %get3A_3, %get3A_8, %dot_general3A {dimension_numbers = #tpu.dot_dimension_numbers<[1], [1], [0], [0], [0, 0, 1, 0], [], []>, transpose_lhs_hint = false} : vector<512x64xf32>, vector<2048x64xf32>, vector<512x2048xf32> -> vector<512x2048xf32>
    %mul3A = arith.constant 1.250000e-01 : f32
    %mul3A_15 = vector.broadcast %mul3A : f32 to vector<512x2048xf32>
    %mul3A_16 = arith.mulf %dot_general3A_14, %mul3A_15 : vector<512x2048xf32>
    %iota3A = tpu.iota {dimensions = array<i32: 0>} : vector<512x2048xi32>
    %mul3A_17 = arith.constant 512 : i32
    %mul3A_18 = arith.muli %arg1, %mul3A_17 : i32
    %add3A = vector.broadcast %mul3A_18 : i32 to vector<512x2048xi32>
    %add3A_19 = arith.addi %iota3A, %add3A : vector<512x2048xi32>
    %iota3A_20 = tpu.iota {dimensions = array<i32: 1>} : vector<512x2048xi32>
    %le3A = arith.cmpi sle, %iota3A_20, %add3A_19 : vector<512x2048xi32>
    %jit3A = arith.constant -1.000000e+30 : f32
    %broadcast_in_dim3A = vector.broadcast %jit3A : f32 to vector<512x2048xf32>
    %select_n3A = arith.select %le3A, %mul3A_16, %broadcast_in_dim3A : vector<512x2048xi1>, vector<512x2048xf32>
    %reduce_max3A = arith.constant dense<0xFF800000> : vector<512xf32>
    %reduce_max3A_21 = vector.multi_reduction <maximumf>, %select_n3A, %reduce_max3A [1] : vector<512x2048xf32> to vector<512xf32>
    %broadcast_in_dim3A_22 = vector.shape_cast %reduce_max3A_21 : vector<512xf32> to vector<512x1xf32>
    %sub3A = vector.broadcast %broadcast_in_dim3A_22 : vector<512x1xf32> to vector<512x2048xf32>
    %sub3A_23 = arith.subf %select_n3A, %sub3A : vector<512x2048xf32>
    %exp3A = math.exp %sub3A_23 : vector<512x2048xf32>
    %reduce_sum3A = arith.constant dense<0.000000e+00> : vector<512xf32>
    %reduce_sum3A_24 = vector.multi_reduction <add>, %exp3A, %reduce_sum3A [1] : vector<512x2048xf32> to vector<512xf32>
    %broadcast_in_dim3A_25 = vector.shape_cast %reduce_sum3A_24 : vector<512xf32> to vector<512x1xf32>
    %div3A = vector.broadcast %broadcast_in_dim3A_25 : vector<512x1xf32> to vector<512x2048xf32>
    %div3A_26 = arith.divf %exp3A, %div3A : vector<512x2048xf32>
    %dot_general3A_27 = arith.constant dense<0.000000e+00> : vector<512x64xf32>
    %dot_general3A_28 = tpu.matmul %div3A_26, %get3A_13, %dot_general3A_27 {dimension_numbers = #tpu.dot_dimension_numbers<[1], [0], [0], [1], [0, 0, 1, 1], [], []>, transpose_lhs_hint = false} : vector<512x2048xf32>, vector<2048x64xf32>, vector<512x64xf32> -> vector<512x64xf32>
    %swap3A = arith.constant 0 : index
    %swap3A_29 = arith.constant 0 : index
    %swap3A_30 = arith.constant 0 : index
    %swap3A_31 = vector.load %arg5[%swap3A, %swap3A_29, %swap3A_30] : memref<1x512x64xf32, #tpu.memory_space<vmem>>, vector<1x512x64xf32>
    %swap3A_32 = vector.shape_cast %swap3A_31 : vector<1x512x64xf32> to vector<512x64xf32>
    %swap3A_33 = vector.shape_cast %dot_general3A_28 : vector<512x64xf32> to vector<1x512x64xf32>
    tpu.vector_store %arg5[%swap3A, %swap3A_29, %swap3A_30], %swap3A_33 {strides = array<i32>} : memref<1x512x64xf32, #tpu.memory_space<vmem>>, vector<1x512x64xf32>,
    return
  }
  func.func @transform_0(%arg0: i32, %arg1: i32) -> (i32, i32, i32) {
    %c0_i32 = arith.constant 0 : i32
    %c0_i32_0 = arith.constant 0 : i32
    return %arg0, %arg1, %c0_i32 : i32, i32, i32
  }
  func.func @transform_1(%arg0: i32, %arg1: i32) -> (i32, i32, i32) {
    %jit3A = arith.constant 2 : i32
    %div3A = arith.divsi %arg0, %jit3A : i32
    %sign3A = arith.constant 0 : i32
    %sign3A_0 = arith.cmpi sgt, %arg0, %sign3A : i32
    %sign3A_1 = arith.extui %sign3A_0 : i1 to i32
    %sign3A_2 = arith.constant 0 : i32
    %sign3A_3 = arith.cmpi slt, %arg0, %sign3A_2 : i32
    %sign3A_4 = arith.extui %sign3A_3 : i1 to i32
    %sign3A_5 = arith.subi %sign3A_1, %sign3A_4 : i32
    %sign3A_6 = arith.constant 0 : i32
    %sign3A_7 = arith.cmpi sgt, %jit3A, %sign3A_6 : i32
    %sign3A_8 = arith.extui %sign3A_7 : i1 to i32
    %sign3A_9 = arith.constant 0 : i32
    %sign3A_10 = arith.cmpi slt, %jit3A, %sign3A_9 : i32
    %sign3A_11 = arith.extui %sign3A_10 : i1 to i32
    %sign3A_12 = arith.subi %sign3A_8, %sign3A_11 : i32
    %ne3A = arith.cmpi ne, %sign3A_5, %sign3A_12 : i32
    %rem3A = arith.remsi %arg0, %jit3A : i32
    %ne3A_13 = arith.constant 0 : i32
    %ne3A_14 = arith.cmpi ne, %rem3A, %ne3A_13 : i32
    %and3A = arith.andi %ne3A, %ne3A_14 : i1
    %sub3A = arith.constant 1 : i32
    %sub3A_15 = arith.subi %div3A, %sub3A : i32
    %select_n3A = arith.select %and3A, %sub3A_15, %div3A : i32
    %c0_i32 = arith.constant 0 : i32
    %c0_i32_16 = arith.constant 0 : i32
    %c0_i32_17 = arith.constant 0 : i32
    return %select_n3A, %c0_i32, %c0_i32_16 : i32, i32, i32
  }
  func.func @transform_2(%arg0: i32, %arg1: i32) -> (i32, i32, i32) {
    %jit3A = arith.constant 2 : i32
    %div3A = arith.divsi %arg0, %jit3A : i32
    %sign3A = arith.constant 0 : i32
    %sign3A_0 = arith.cmpi sgt, %arg0, %sign3A : i32
    %sign3A_1 = arith.extui %sign3A_0 : i1 to i32
    %sign3A_2 = arith.constant 0 : i32
    %sign3A_3 = arith.cmpi slt, %arg0, %sign3A_2 : i32
    %sign3A_4 = arith.extui %sign3A_3 : i1 to i32
    %sign3A_5 = arith.subi %sign3A_1, %sign3A_4 : i32
    %sign3A_6 = arith.constant 0 : i32
    %sign3A_7 = arith.cmpi sgt, %jit3A, %sign3A_6 : i32
    %sign3A_8 = arith.extui %sign3A_7 : i1 to i32
    %sign3A_9 = arith.constant 0 : i32
    %sign3A_10 = arith.cmpi slt, %jit3A, %sign3A_9 : i32
    %sign3A_11 = arith.extui %sign3A_10 : i1 to i32
    %sign3A_12 = arith.subi %sign3A_8, %sign3A_11 : i32
    %ne3A = arith.cmpi ne, %sign3A_5, %sign3A_12 : i32
    %rem3A = arith.remsi %arg0, %jit3A : i32
    %ne3A_13 = arith.constant 0 : i32
    %ne3A_14 = arith.cmpi ne, %rem3A, %ne3A_13 : i32
    %and3A = arith.andi %ne3A, %ne3A_14 : i1
    %sub3A = arith.constant 1 : i32
    %sub3A_15 = arith.subi %div3A, %sub3A : i32
    %select_n3A = arith.select %and3A, %sub3A_15, %div3A : i32
    %c0_i32 = arith.constant 0 : i32
    %c0_i32_16 = arith.constant 0 : i32
    %c0_i32_17 = arith.constant 0 : i32
    return %select_n3A, %c0_i32, %c0_i32_16 : i32, i32, i32
  }
  func.func @transform_3(%arg0: i32, %arg1: i32) -> (i32, i32, i32) {
    %c0_i32 = arith.constant 0 : i32
    %c0_i32_0 = arith.constant 0 : i32
    return %arg0, %arg1, %c0_i32 : i32, i32, i32
  }
}

module attributes {stable_mosaic.version = 14 : i64} {
  func.func @_postattn_body(%arg0: i32, %arg1: memref<16x512x64xf32, #tpu.memory_space<vmem>>, %arg2: memref<1024x1024xf32, #tpu.memory_space<vmem>>, %arg3: memref<512x1024xf32, #tpu.memory_space<vmem>>, %arg4: memref<1x1024xf32, #tpu.memory_space<vmem>>, %arg5: memref<1024x8xf32, #tpu.memory_space<vmem>>, %arg6: memref<512x1024xf32, #tpu.memory_space<vmem>>, %arg7: memref<512x1024xf32, #tpu.memory_space<vmem>>, %arg8: memref<512x8xf32, #tpu.memory_space<vmem>>) attributes {dimension_semantics = [#tpu.dimension_semantics<arbitrary>], iteration_bounds = array<i64: 4>, scalar_prefetch = 0 : i64, scratch_operands = 0 : i64, tpu.core_type = #tpu.core_type<tc>, window_params = [{transform_indices = @transform_0, window_bounds = array<i64: 16, 512, 64>}, {pipeline_mode = #tpu.pipeline_mode<synchronous>, transform_indices = @transform_1, window_bounds = array<i64: 1024, 1024>}, {transform_indices = @transform_2, window_bounds = array<i64: 512, 1024>}, {pipeline_mode = #tpu.pipeline_mode<synchronous>, transform_indices = @transform_3, window_bounds = array<i64: 1, 1024>}, {pipeline_mode = #tpu.pipeline_mode<synchronous>, transform_indices = @transform_4, window_bounds = array<i64: 1024, 8>}, {transform_indices = @transform_5, window_bounds = array<i64: 512, 1024>}, {transform_indices = @transform_6, window_bounds = array<i64: 512, 1024>}, {transform_indices = @transform_7, window_bounds = array<i64: 512, 8>}]} {
    %get3A = arith.constant 0 : index
    %get3A_0 = arith.constant 0 : index
    %get3A_1 = arith.constant 0 : index
    %get3A_2 = vector.load %arg1[%get3A, %get3A_0, %get3A_1] : memref<16x512x64xf32, #tpu.memory_space<vmem>>, vector<1x512x64xf32>
    %get3A_3 = vector.shape_cast %get3A_2 : vector<1x512x64xf32> to vector<512x64xf32>
    %get3A_4 = arith.constant 1 : index
    %get3A_5 = arith.constant 0 : index
    %get3A_6 = arith.constant 0 : index
    %get3A_7 = vector.load %arg1[%get3A_4, %get3A_5, %get3A_6] : memref<16x512x64xf32, #tpu.memory_space<vmem>>, vector<1x512x64xf32>
    %get3A_8 = vector.shape_cast %get3A_7 : vector<1x512x64xf32> to vector<512x64xf32>
    %get3A_9 = arith.constant 2 : index
    %get3A_10 = arith.constant 0 : index
    %get3A_11 = arith.constant 0 : index
    %get3A_12 = vector.load %arg1[%get3A_9, %get3A_10, %get3A_11] : memref<16x512x64xf32, #tpu.memory_space<vmem>>, vector<1x512x64xf32>
    %get3A_13 = vector.shape_cast %get3A_12 : vector<1x512x64xf32> to vector<512x64xf32>
    %get3A_14 = arith.constant 3 : index
    %get3A_15 = arith.constant 0 : index
    %get3A_16 = arith.constant 0 : index
    %get3A_17 = vector.load %arg1[%get3A_14, %get3A_15, %get3A_16] : memref<16x512x64xf32, #tpu.memory_space<vmem>>, vector<1x512x64xf32>
    %get3A_18 = vector.shape_cast %get3A_17 : vector<1x512x64xf32> to vector<512x64xf32>
    %get3A_19 = arith.constant 4 : index
    %get3A_20 = arith.constant 0 : index
    %get3A_21 = arith.constant 0 : index
    %get3A_22 = vector.load %arg1[%get3A_19, %get3A_20, %get3A_21] : memref<16x512x64xf32, #tpu.memory_space<vmem>>, vector<1x512x64xf32>
    %get3A_23 = vector.shape_cast %get3A_22 : vector<1x512x64xf32> to vector<512x64xf32>
    %get3A_24 = arith.constant 5 : index
    %get3A_25 = arith.constant 0 : index
    %get3A_26 = arith.constant 0 : index
    %get3A_27 = vector.load %arg1[%get3A_24, %get3A_25, %get3A_26] : memref<16x512x64xf32, #tpu.memory_space<vmem>>, vector<1x512x64xf32>
    %get3A_28 = vector.shape_cast %get3A_27 : vector<1x512x64xf32> to vector<512x64xf32>
    %get3A_29 = arith.constant 6 : index
    %get3A_30 = arith.constant 0 : index
    %get3A_31 = arith.constant 0 : index
    %get3A_32 = vector.load %arg1[%get3A_29, %get3A_30, %get3A_31] : memref<16x512x64xf32, #tpu.memory_space<vmem>>, vector<1x512x64xf32>
    %get3A_33 = vector.shape_cast %get3A_32 : vector<1x512x64xf32> to vector<512x64xf32>
    %get3A_34 = arith.constant 7 : index
    %get3A_35 = arith.constant 0 : index
    %get3A_36 = arith.constant 0 : index
    %get3A_37 = vector.load %arg1[%get3A_34, %get3A_35, %get3A_36] : memref<16x512x64xf32, #tpu.memory_space<vmem>>, vector<1x512x64xf32>
    %get3A_38 = vector.shape_cast %get3A_37 : vector<1x512x64xf32> to vector<512x64xf32>
    %get3A_39 = arith.constant 8 : index
    %get3A_40 = arith.constant 0 : index
    %get3A_41 = arith.constant 0 : index
    %get3A_42 = vector.load %arg1[%get3A_39, %get3A_40, %get3A_41] : memref<16x512x64xf32, #tpu.memory_space<vmem>>, vector<1x512x64xf32>
    %get3A_43 = vector.shape_cast %get3A_42 : vector<1x512x64xf32> to vector<512x64xf32>
    %get3A_44 = arith.constant 9 : index
    %get3A_45 = arith.constant 0 : index
    %get3A_46 = arith.constant 0 : index
    %get3A_47 = vector.load %arg1[%get3A_44, %get3A_45, %get3A_46] : memref<16x512x64xf32, #tpu.memory_space<vmem>>, vector<1x512x64xf32>
    %get3A_48 = vector.shape_cast %get3A_47 : vector<1x512x64xf32> to vector<512x64xf32>
    %get3A_49 = arith.constant 10 : index
    %get3A_50 = arith.constant 0 : index
    %get3A_51 = arith.constant 0 : index
    %get3A_52 = vector.load %arg1[%get3A_49, %get3A_50, %get3A_51] : memref<16x512x64xf32, #tpu.memory_space<vmem>>, vector<1x512x64xf32>
    %get3A_53 = vector.shape_cast %get3A_52 : vector<1x512x64xf32> to vector<512x64xf32>
    %get3A_54 = arith.constant 11 : index
    %get3A_55 = arith.constant 0 : index
    %get3A_56 = arith.constant 0 : index
    %get3A_57 = vector.load %arg1[%get3A_54, %get3A_55, %get3A_56] : memref<16x512x64xf32, #tpu.memory_space<vmem>>, vector<1x512x64xf32>
    %get3A_58 = vector.shape_cast %get3A_57 : vector<1x512x64xf32> to vector<512x64xf32>
    %get3A_59 = arith.constant 12 : index
    %get3A_60 = arith.constant 0 : index
    %get3A_61 = arith.constant 0 : index
    %get3A_62 = vector.load %arg1[%get3A_59, %get3A_60, %get3A_61] : memref<16x512x64xf32, #tpu.memory_space<vmem>>, vector<1x512x64xf32>
    %get3A_63 = vector.shape_cast %get3A_62 : vector<1x512x64xf32> to vector<512x64xf32>
    %get3A_64 = arith.constant 13 : index
    %get3A_65 = arith.constant 0 : index
    %get3A_66 = arith.constant 0 : index
    %get3A_67 = vector.load %arg1[%get3A_64, %get3A_65, %get3A_66] : memref<16x512x64xf32, #tpu.memory_space<vmem>>, vector<1x512x64xf32>
    %get3A_68 = vector.shape_cast %get3A_67 : vector<1x512x64xf32> to vector<512x64xf32>
    %get3A_69 = arith.constant 14 : index
    %get3A_70 = arith.constant 0 : index
    %get3A_71 = arith.constant 0 : index
    %get3A_72 = vector.load %arg1[%get3A_69, %get3A_70, %get3A_71] : memref<16x512x64xf32, #tpu.memory_space<vmem>>, vector<1x512x64xf32>
    %get3A_73 = vector.shape_cast %get3A_72 : vector<1x512x64xf32> to vector<512x64xf32>
    %get3A_74 = arith.constant 15 : index
    %get3A_75 = arith.constant 0 : index
    %get3A_76 = arith.constant 0 : index
    %get3A_77 = vector.load %arg1[%get3A_74, %get3A_75, %get3A_76] : memref<16x512x64xf32, #tpu.memory_space<vmem>>, vector<1x512x64xf32>
    %get3A_78 = vector.shape_cast %get3A_77 : vector<1x512x64xf32> to vector<512x64xf32>
    %concatenate3A = tpu.concatenate %get3A_3, %get3A_8, %get3A_13, %get3A_18, %get3A_23, %get3A_28, %get3A_33, %get3A_38, %get3A_43, %get3A_48, %get3A_53, %get3A_58, %get3A_63, %get3A_68, %get3A_73, %get3A_78 in 1 : vector<512x64xf32>, vector<512x64xf32>, vector<512x64xf32>, vector<512x64xf32>, vector<512x64xf32>, vector<512x64xf32>, vector<512x64xf32>, vector<512x64xf32>, vector<512x64xf32>, vector<512x64xf32>, vector<512x64xf32>, vector<512x64xf32>, vector<512x64xf32>, vector<512x64xf32>, vector<512x64xf32>, vector<512x64xf32> -> vector<512x1024xf32>
    %get3A_79 = arith.constant 0 : index
    %get3A_80 = arith.constant 0 : index
    %get3A_81 = vector.load %arg2[%get3A_79, %get3A_80] : memref<1024x1024xf32, #tpu.memory_space<vmem>>, vector<1024x1024xf32>
    %dot_general3A = arith.constant dense<0.000000e+00> : vector<512x1024xf32>
    %dot_general3A_82 = tpu.matmul %concatenate3A, %get3A_81, %dot_general3A {dimension_numbers = #tpu.dot_dimension_numbers<[1], [0], [0], [1], [0, 0, 1, 1], [], []>, transpose_lhs_hint = false} : vector<512x1024xf32>, vector<1024x1024xf32>, vector<512x1024xf32> -> vector<512x1024xf32>
    %get3A_83 = arith.constant 0 : index
    %get3A_84 = arith.constant 0 : index
    %get3A_85 = vector.load %arg3[%get3A_83, %get3A_84] : memref<512x1024xf32, #tpu.memory_space<vmem>>, vector<512x1024xf32>
    %add3A = arith.addf %get3A_85, %dot_general3A_82 : vector<512x1024xf32>
    %swap3A = arith.constant 0 : index
    %swap3A_86 = arith.constant 0 : index
    %swap3A_87 = vector.load %arg6[%swap3A, %swap3A_86] : memref<512x1024xf32, #tpu.memory_space<vmem>>, vector<512x1024xf32>
    tpu.vector_store %arg6[%swap3A, %swap3A_86], %add3A {strides = array<i32>} : memref<512x1024xf32, #tpu.memory_space<vmem>>, vector<512x1024xf32>,
    %mul3A = arith.mulf %add3A, %add3A : vector<512x1024xf32>
    %reduce_sum3A = arith.constant dense<0.000000e+00> : vector<512xf32>
    %reduce_sum3A_88 = vector.multi_reduction <add>, %mul3A, %reduce_sum3A [1] : vector<512x1024xf32> to vector<512xf32>
    %broadcast_in_dim3A = vector.shape_cast %reduce_sum3A_88 : vector<512xf32> to vector<512x1xf32>
    %div3A = arith.constant 1.024000e+03 : f32
    %div3A_89 = vector.broadcast %div3A : f32 to vector<512x1xf32>
    %div3A_90 = arith.divf %broadcast_in_dim3A, %div3A_89 : vector<512x1xf32>
    %add3A_91 = arith.constant 9.99999974E-6 : f32
    %add3A_92 = vector.broadcast %add3A_91 : f32 to vector<512x1xf32>
    %add3A_93 = arith.addf %div3A_90, %add3A_92 : vector<512x1xf32>
    %rsqrt3A = math.rsqrt %add3A_93 : vector<512x1xf32>
    %mul3A_94 = vector.broadcast %rsqrt3A : vector<512x1xf32> to vector<512x1024xf32>
    %mul3A_95 = arith.mulf %add3A, %mul3A_94 : vector<512x1024xf32>
    %get3A_96 = arith.constant 0 : index
    %get3A_97 = arith.constant 0 : index
    %get3A_98 = vector.load %arg4[%get3A_96, %get3A_97] : memref<1x1024xf32, #tpu.memory_space<vmem>>, vector<1x1024xf32>
    %mul3A_99 = vector.broadcast %get3A_98 : vector<1x1024xf32> to vector<512x1024xf32>
    %mul3A_100 = arith.mulf %mul3A_95, %mul3A_99 : vector<512x1024xf32>
    %swap3A_101 = arith.constant 0 : index
    %swap3A_102 = arith.constant 0 : index
    %swap3A_103 = vector.load %arg7[%swap3A_101, %swap3A_102] : memref<512x1024xf32, #tpu.memory_space<vmem>>, vector<512x1024xf32>
    tpu.vector_store %arg7[%swap3A_101, %swap3A_102], %mul3A_100 {strides = array<i32>} : memref<512x1024xf32, #tpu.memory_space<vmem>>, vector<512x1024xf32>,
    %get3A_104 = arith.constant 0 : index
    %get3A_105 = arith.constant 0 : index
    %get3A_106 = vector.load %arg5[%get3A_104, %get3A_105] : memref<1024x8xf32, #tpu.memory_space<vmem>>, vector<1024x8xf32>
    %dot_general3A_107 = arith.constant dense<0.000000e+00> : vector<512x8xf32>
    %dot_general3A_108 = tpu.matmul %mul3A_100, %get3A_106, %dot_general3A_107 {dimension_numbers = #tpu.dot_dimension_numbers<[1], [0], [0], [1], [0, 0, 1, 1], [], []>, transpose_lhs_hint = false} : vector<512x1024xf32>, vector<1024x8xf32>, vector<512x8xf32> -> vector<512x8xf32>
    %swap3A_109 = arith.constant 0 : index
    %swap3A_110 = arith.constant 0 : index
    %swap3A_111 = vector.load %arg8[%swap3A_109, %swap3A_110] : memref<512x8xf32, #tpu.memory_space<vmem>>, vector<512x8xf32>
    tpu.vector_store %arg8[%swap3A_109, %swap3A_110], %dot_general3A_108 {strides = array<i32>} : memref<512x8xf32, #tpu.memory_space<vmem>>, vector<512x8xf32>,
    return
  }
  func.func @transform_0(%arg0: i32) -> (i32, i32, i32) {
    %c0_i32 = arith.constant 0 : i32
    %c0_i32_0 = arith.constant 0 : i32
    %c0_i32_1 = arith.constant 0 : i32
    return %c0_i32, %arg0, %c0_i32_0 : i32, i32, i32
  }
  func.func @transform_1(%arg0: i32) -> (i32, i32) {
    %c0_i32 = arith.constant 0 : i32
    %c0_i32_0 = arith.constant 0 : i32
    %c0_i32_1 = arith.constant 0 : i32
    return %c0_i32, %c0_i32_0 : i32, i32
  }
  func.func @transform_2(%arg0: i32) -> (i32, i32) {
    %c0_i32 = arith.constant 0 : i32
    %c0_i32_0 = arith.constant 0 : i32
    return %arg0, %c0_i32 : i32, i32
  }
  func.func @transform_3(%arg0: i32) -> (i32, i32) {
    %c0_i32 = arith.constant 0 : i32
    %c0_i32_0 = arith.constant 0 : i32
    %c0_i32_1 = arith.constant 0 : i32
    return %c0_i32, %c0_i32_0 : i32, i32
  }
  func.func @transform_4(%arg0: i32) -> (i32, i32) {
    %c0_i32 = arith.constant 0 : i32
    %c0_i32_0 = arith.constant 0 : i32
    %c0_i32_1 = arith.constant 0 : i32
    return %c0_i32, %c0_i32_0 : i32, i32
  }
  func.func @transform_5(%arg0: i32) -> (i32, i32) {
    %c0_i32 = arith.constant 0 : i32
    %c0_i32_0 = arith.constant 0 : i32
    return %arg0, %c0_i32 : i32, i32
  }
  func.func @transform_6(%arg0: i32) -> (i32, i32) {
    %c0_i32 = arith.constant 0 : i32
    %c0_i32_0 = arith.constant 0 : i32
    return %arg0, %c0_i32 : i32, i32
  }
  func.func @transform_7(%arg0: i32) -> (i32, i32) {
    %c0_i32 = arith.constant 0 : i32
    %c0_i32_0 = arith.constant 0 : i32
    return %arg0, %c0_i32 : i32, i32
  }
}

module attributes {stable_mosaic.version = 14 : i64} {
  func.func @_route_body(%arg0: i32, %arg1: memref<2048x8xf32, #tpu.memory_space<vmem>>, %arg2: memref<512x8xf32, #tpu.memory_space<vmem>>, %arg3: memref<512x1xi32, #tpu.memory_space<vmem>>, %arg4: memref<512x1xf32, #tpu.memory_space<vmem>>, %arg5: memref<1x8xi32, #tpu.memory_space<vmem>>) attributes {dimension_semantics = [#tpu.dimension_semantics<arbitrary>], iteration_bounds = array<i64: 8>, scalar_prefetch = 0 : i64, scratch_operands = 0 : i64, tpu.core_type = #tpu.core_type<tc>, window_params = [{pipeline_mode = #tpu.pipeline_mode<synchronous>, transform_indices = @transform_0, window_bounds = array<i64: 2048, 8>}, {transform_indices = @transform_1, window_bounds = array<i64: 512, 8>}, {transform_indices = @transform_2, window_bounds = array<i64: 512, 1>}, {transform_indices = @transform_3, window_bounds = array<i64: 512, 1>}, {pipeline_mode = #tpu.pipeline_mode<synchronous>, transform_indices = @transform_4, window_bounds = array<i64: 1, 8>}]} {
    %jit3A = arith.constant 4 : i32
    %div3A = arith.divsi %arg0, %jit3A : i32
    %sign3A = arith.constant 0 : i32
    %sign3A_0 = arith.cmpi sgt, %arg0, %sign3A : i32
    %sign3A_1 = arith.extui %sign3A_0 : i1 to i32
    %sign3A_2 = arith.constant 0 : i32
    %sign3A_3 = arith.cmpi slt, %arg0, %sign3A_2 : i32
    %sign3A_4 = arith.extui %sign3A_3 : i1 to i32
    %sign3A_5 = arith.subi %sign3A_1, %sign3A_4 : i32
    %sign3A_6 = arith.constant 0 : i32
    %sign3A_7 = arith.cmpi sgt, %jit3A, %sign3A_6 : i32
    %sign3A_8 = arith.extui %sign3A_7 : i1 to i32
    %sign3A_9 = arith.constant 0 : i32
    %sign3A_10 = arith.cmpi slt, %jit3A, %sign3A_9 : i32
    %sign3A_11 = arith.extui %sign3A_10 : i1 to i32
    %sign3A_12 = arith.subi %sign3A_8, %sign3A_11 : i32
    %ne3A = arith.cmpi ne, %sign3A_5, %sign3A_12 : i32
    %rem3A = arith.remsi %arg0, %jit3A : i32
    %ne3A_13 = arith.constant 0 : i32
    %ne3A_14 = arith.cmpi ne, %rem3A, %ne3A_13 : i32
    %and3A = arith.andi %ne3A, %ne3A_14 : i1
    %sub3A = arith.constant 1 : i32
    %sub3A_15 = arith.subi %div3A, %sub3A : i32
    %select_n3A = arith.select %and3A, %sub3A_15, %div3A : i32
    %get3A = arith.constant 0 : index
    %get3A_16 = arith.constant 0 : index
    %get3A_17 = vector.load %arg1[%get3A, %get3A_16] : memref<2048x8xf32, #tpu.memory_space<vmem>>, vector<2048x8xf32>
    %iota3A = tpu.iota {dimensions = array<i32: 1>} : vector<2048x8xi32>
    %reduce_max3A = arith.constant dense<0xFF800000> : vector<2048xf32>
    %reduce_max3A_18 = vector.multi_reduction <maximumf>, %get3A_17, %reduce_max3A [1] : vector<2048x8xf32> to vector<2048xf32>
    %broadcast_in_dim3A = vector.shape_cast %reduce_max3A_18 : vector<2048xf32> to vector<2048x1xf32>
    %eq3A = vector.broadcast %broadcast_in_dim3A : vector<2048x1xf32> to vector<2048x8xf32>
    %eq3A_19 = arith.cmpf oeq, %get3A_17, %eq3A : vector<2048x8xf32>
    %jit3A_20 = arith.constant 8 : i32
    %broadcast_in_dim3A_21 = vector.broadcast %jit3A_20 : i32 to vector<2048x8xi32>
    %select_n3A_22 = arith.select %eq3A_19, %iota3A, %broadcast_in_dim3A_21 : vector<2048x8xi1>, vector<2048x8xi32>
    %reduce_min3A = arith.constant dense<2147483647> : vector<2048xi32>
    %reduce_min3A_23 = vector.multi_reduction <minsi>, %select_n3A_22, %reduce_min3A [1] : vector<2048x8xi32> to vector<2048xi32>
    %broadcast_in_dim3A_24 = vector.shape_cast %reduce_min3A_23 : vector<2048xi32> to vector<2048x1xi32>
    %eq3A_25 = vector.broadcast %broadcast_in_dim3A_24 : vector<2048x1xi32> to vector<2048x8xi32>
    %eq3A_26 = arith.cmpi eq, %iota3A, %eq3A_25 : vector<2048x8xi32>
    %jit3A_27 = arith.constant 0xFF800000 : f32
    %broadcast_in_dim3A_28 = vector.broadcast %jit3A_27 : f32 to vector<2048x8xf32>
    %select_n3A_29 = arith.select %eq3A_26, %broadcast_in_dim3A_28, %get3A_17 : vector<2048x8xi1>, vector<2048x8xf32>
    %reduce_max3A_30 = arith.constant dense<0xFF800000> : vector<2048xf32>
    %reduce_max3A_31 = vector.multi_reduction <maximumf>, %select_n3A_29, %reduce_max3A_30 [1] : vector<2048x8xf32> to vector<2048xf32>
    %broadcast_in_dim3A_32 = vector.shape_cast %reduce_max3A_31 : vector<2048xf32> to vector<2048x1xf32>
    %eq3A_33 = vector.broadcast %broadcast_in_dim3A_32 : vector<2048x1xf32> to vector<2048x8xf32>
    %eq3A_34 = arith.cmpf oeq, %select_n3A_29, %eq3A_33 : vector<2048x8xf32>
    %jit3A_35 = arith.constant 8 : i32
    %broadcast_in_dim3A_36 = vector.broadcast %jit3A_35 : i32 to vector<2048x8xi32>
    %select_n3A_37 = arith.select %eq3A_34, %iota3A, %broadcast_in_dim3A_36 : vector<2048x8xi1>, vector<2048x8xi32>
    %reduce_min3A_38 = arith.constant dense<2147483647> : vector<2048xi32>
    %reduce_min3A_39 = vector.multi_reduction <minsi>, %select_n3A_37, %reduce_min3A_38 [1] : vector<2048x8xi32> to vector<2048xi32>
    %broadcast_in_dim3A_40 = vector.shape_cast %reduce_min3A_39 : vector<2048xi32> to vector<2048x1xi32>
    %eq3A_41 = vector.broadcast %broadcast_in_dim3A_24 : vector<2048x1xi32> to vector<2048x8xi32>
    %eq3A_42 = arith.cmpi eq, %iota3A, %eq3A_41 : vector<2048x8xi32>
    %eq3A_43 = vector.broadcast %broadcast_in_dim3A_40 : vector<2048x1xi32> to vector<2048x8xi32>
    %eq3A_44 = arith.cmpi eq, %iota3A, %eq3A_43 : vector<2048x8xi32>
    %concatenate3A = tpu.concatenate %eq3A_42, %eq3A_44 in 0 : vector<2048x8xi1>, vector<2048x8xi1> -> vector<4096x8xi1>
    %convert_element_type3A = arith.extui %concatenate3A : vector<4096x8xi1> to vector<4096x8xi32>
    %convert_element_type3A_45 = arith.sitofp %convert_element_type3A : vector<4096x8xi32> to vector<4096x8xf32>
    %get3A_46 = arith.constant 0 : index
    %get3A_47 = arith.constant 0 : index
    %get3A_48 = vector.load %arg2[%get3A_46, %get3A_47] : memref<512x8xf32, #tpu.memory_space<vmem>>, vector<512x8xf32>
    %iota3A_49 = tpu.iota {dimensions = array<i32: 1>} : vector<512x8xi32>
    %reduce_max3A_50 = arith.constant dense<0xFF800000> : vector<512xf32>
    %reduce_max3A_51 = vector.multi_reduction <maximumf>, %get3A_48, %reduce_max3A_50 [1] : vector<512x8xf32> to vector<512xf32>
    %broadcast_in_dim3A_52 = vector.shape_cast %reduce_max3A_51 : vector<512xf32> to vector<512x1xf32>
    %eq3A_53 = vector.broadcast %broadcast_in_dim3A_52 : vector<512x1xf32> to vector<512x8xf32>
    %eq3A_54 = arith.cmpf oeq, %get3A_48, %eq3A_53 : vector<512x8xf32>
    %jit3A_55 = arith.constant 8 : i32
    %broadcast_in_dim3A_56 = vector.broadcast %jit3A_55 : i32 to vector<512x8xi32>
    %select_n3A_57 = arith.select %eq3A_54, %iota3A_49, %broadcast_in_dim3A_56 : vector<512x8xi1>, vector<512x8xi32>
    %reduce_min3A_58 = arith.constant dense<2147483647> : vector<512xi32>
    %reduce_min3A_59 = vector.multi_reduction <minsi>, %select_n3A_57, %reduce_min3A_58 [1] : vector<512x8xi32> to vector<512xi32>
    %broadcast_in_dim3A_60 = vector.shape_cast %reduce_min3A_59 : vector<512xi32> to vector<512x1xi32>
    %eq3A_61 = vector.broadcast %broadcast_in_dim3A_60 : vector<512x1xi32> to vector<512x8xi32>
    %eq3A_62 = arith.cmpi eq, %iota3A_49, %eq3A_61 : vector<512x8xi32>
    %jit3A_63 = arith.constant 0xFF800000 : f32
    %broadcast_in_dim3A_64 = vector.broadcast %jit3A_63 : f32 to vector<512x8xf32>
    %select_n3A_65 = arith.select %eq3A_62, %broadcast_in_dim3A_64, %get3A_48 : vector<512x8xi1>, vector<512x8xf32>
    %reduce_max3A_66 = arith.constant dense<0xFF800000> : vector<512xf32>
    %reduce_max3A_67 = vector.multi_reduction <maximumf>, %select_n3A_65, %reduce_max3A_66 [1] : vector<512x8xf32> to vector<512xf32>
    %broadcast_in_dim3A_68 = vector.shape_cast %reduce_max3A_67 : vector<512xf32> to vector<512x1xf32>
    %eq3A_69 = vector.broadcast %broadcast_in_dim3A_68 : vector<512x1xf32> to vector<512x8xf32>
    %eq3A_70 = arith.cmpf oeq, %select_n3A_65, %eq3A_69 : vector<512x8xf32>
    %jit3A_71 = arith.constant 8 : i32
    %broadcast_in_dim3A_72 = vector.broadcast %jit3A_71 : i32 to vector<512x8xi32>
    %select_n3A_73 = arith.select %eq3A_70, %iota3A_49, %broadcast_in_dim3A_72 : vector<512x8xi1>, vector<512x8xi32>
    %reduce_min3A_74 = arith.constant dense<2147483647> : vector<512xi32>
    %reduce_min3A_75 = vector.multi_reduction <minsi>, %select_n3A_73, %reduce_min3A_74 [1] : vector<512x8xi32> to vector<512xi32>
    %broadcast_in_dim3A_76 = vector.shape_cast %reduce_min3A_75 : vector<512xi32> to vector<512x1xi32>
    %eq3A_77 = arith.constant 0 : i32
    %eq3A_78 = arith.cmpi eq, %select_n3A, %eq3A_77 : i32
    %eq3A_79 = vector.broadcast %broadcast_in_dim3A_60 : vector<512x1xi32> to vector<512x8xi32>
    %eq3A_80 = arith.cmpi eq, %iota3A_49, %eq3A_79 : vector<512x8xi32>
    %convert_element_type3A_81 = arith.extui %eq3A_80 : vector<512x8xi1> to vector<512x8xi32>
    %convert_element_type3A_82 = arith.sitofp %convert_element_type3A_81 : vector<512x8xi32> to vector<512x8xf32>
    %eq3A_83 = vector.broadcast %broadcast_in_dim3A_76 : vector<512x1xi32> to vector<512x8xi32>
    %eq3A_84 = arith.cmpi eq, %iota3A_49, %eq3A_83 : vector<512x8xi32>
    %convert_element_type3A_85 = arith.extui %eq3A_84 : vector<512x8xi1> to vector<512x8xi32>
    %convert_element_type3A_86 = arith.sitofp %convert_element_type3A_85 : vector<512x8xi32> to vector<512x8xf32>
    %select_n3A_87 = arith.select %eq3A_78, %convert_element_type3A_82, %convert_element_type3A_86 : vector<512x8xf32>
    %sub3A_88 = arith.subf %broadcast_in_dim3A_68, %broadcast_in_dim3A_52 : vector<512x1xf32>
    %exp3A = math.exp %sub3A_88 : vector<512x1xf32>
    %add3A = arith.constant 1.000000e+00 : f32
    %add3A_89 = vector.broadcast %add3A : f32 to vector<512x1xf32>
    %add3A_90 = arith.addf %add3A_89, %exp3A : vector<512x1xf32>
    %div3A_91 = arith.constant 1.000000e+00 : f32
    %div3A_92 = vector.broadcast %div3A_91 : f32 to vector<512x1xf32>
    %div3A_93 = arith.divf %div3A_92, %add3A_90 : vector<512x1xf32>
    %eq3A_94 = arith.constant 0 : i32
    %eq3A_95 = arith.cmpi eq, %select_n3A, %eq3A_94 : i32
    %sub3A_96 = arith.constant 1.000000e+00 : f32
    %sub3A_97 = vector.broadcast %sub3A_96 : f32 to vector<512x1xf32>
    %sub3A_98 = arith.subf %sub3A_97, %div3A_93 : vector<512x1xf32>
    %select_n3A_99 = arith.select %eq3A_95, %div3A_93, %sub3A_98 : vector<512x1xf32>
    %swap3A = arith.constant 0 : index
    %swap3A_100 = arith.constant 0 : index
    %swap3A_101 = vector.load %arg4[%swap3A, %swap3A_100] : memref<512x1xf32, #tpu.memory_space<vmem>>, vector<512x1xf32>
    tpu.vector_store %arg4[%swap3A, %swap3A_100], %select_n3A_99 {strides = array<i32>} : memref<512x1xf32, #tpu.memory_space<vmem>>, vector<512x1xf32>,
    %iota3A_102 = tpu.iota {dimensions = array<i32: 0>} : vector<512x4096xi32>
    %mul3A = arith.constant 512 : i32
    %mul3A_103 = arith.muli %arg0, %mul3A : i32
    %add3A_104 = vector.broadcast %mul3A_103 : i32 to vector<512x4096xi32>
    %add3A_105 = arith.addi %iota3A_102, %add3A_104 : vector<512x4096xi32>
    %iota3A_106 = tpu.iota {dimensions = array<i32: 1>} : vector<512x4096xi32>
    %le3A = arith.cmpi sle, %iota3A_106, %add3A_105 : vector<512x4096xi32>
    %convert_element_type3A_107 = arith.extui %le3A : vector<512x4096xi1> to vector<512x4096xi32>
    %convert_element_type3A_108 = arith.sitofp %convert_element_type3A_107 : vector<512x4096xi32> to vector<512x4096xf32>
    %dot_general3A = arith.constant dense<0.000000e+00> : vector<512x8xf32>
    %dot_general3A_109 = tpu.matmul %convert_element_type3A_108, %convert_element_type3A_45, %dot_general3A {dimension_numbers = #tpu.dot_dimension_numbers<[1], [0], [0], [1], [0, 0, 1, 1], [], []>, transpose_lhs_hint = false} : vector<512x4096xf32>, vector<4096x8xf32>, vector<512x8xf32> -> vector<512x8xf32>
    %reduce_sum3A = arith.constant dense<0.000000e+00> : vector<8xf32>
    %reduce_sum3A_110 = vector.multi_reduction <add>, %convert_element_type3A_45, %reduce_sum3A [0] : vector<4096x8xf32> to vector<8xf32>
    %broadcast_in_dim3A_111 = vector.shape_cast %reduce_sum3A_110 : vector<8xf32> to vector<1x8xf32>
    %broadcast_in_dim3A_112 = arith.constant 0.000000e+00 : f32
    %broadcast_in_dim3A_113 = vector.broadcast %broadcast_in_dim3A_112 : f32 to vector<1x8xf32>
    %broadcast_in_dim3A_114 = arith.constant 0.000000e+00 : f32
    %broadcast_in_dim3A_115 = vector.broadcast %broadcast_in_dim3A_114 : f32 to vector<1x1xf32>
    %slice3A = vector.extract_strided_slice %broadcast_in_dim3A_111 {offsets = [0, 0], sizes = [1, 7], strides = [1, 1]} : vector<1x8xf32> to vector<1x7xf32>
    %concatenate3A_116 = tpu.concatenate %broadcast_in_dim3A_115, %slice3A in 1 : vector<1x1xf32>, vector<1x7xf32> -> vector<1x8xf32>
    %add3A_117 = arith.addf %broadcast_in_dim3A_113, %concatenate3A_116 : vector<1x8xf32>
    %broadcast_in_dim3A_118 = arith.constant 0.000000e+00 : f32
    %broadcast_in_dim3A_119 = vector.broadcast %broadcast_in_dim3A_118 : f32 to vector<1x2xf32>
    %slice3A_120 = vector.extract_strided_slice %broadcast_in_dim3A_111 {offsets = [0, 0], sizes = [1, 6], strides = [1, 1]} : vector<1x8xf32> to vector<1x6xf32>
    %concatenate3A_121 = tpu.concatenate %broadcast_in_dim3A_119, %slice3A_120 in 1 : vector<1x2xf32>, vector<1x6xf32> -> vector<1x8xf32>
    %add3A_122 = arith.addf %add3A_117, %concatenate3A_121 : vector<1x8xf32>
    %broadcast_in_dim3A_123 = arith.constant 0.000000e+00 : f32
    %broadcast_in_dim3A_124 = vector.broadcast %broadcast_in_dim3A_123 : f32 to vector<1x3xf32>
    %slice3A_125 = vector.extract_strided_slice %broadcast_in_dim3A_111 {offsets = [0, 0], sizes = [1, 5], strides = [1, 1]} : vector<1x8xf32> to vector<1x5xf32>
    %concatenate3A_126 = tpu.concatenate %broadcast_in_dim3A_124, %slice3A_125 in 1 : vector<1x3xf32>, vector<1x5xf32> -> vector<1x8xf32>
    %add3A_127 = arith.addf %add3A_122, %concatenate3A_126 : vector<1x8xf32>
    %broadcast_in_dim3A_128 = arith.constant 0.000000e+00 : f32
    %broadcast_in_dim3A_129 = vector.broadcast %broadcast_in_dim3A_128 : f32 to vector<1x4xf32>
    %slice3A_130 = vector.extract_strided_slice %broadcast_in_dim3A_111 {offsets = [0, 0], sizes = [1, 4], strides = [1, 1]} : vector<1x8xf32> to vector<1x4xf32>
    %concatenate3A_131 = tpu.concatenate %broadcast_in_dim3A_129, %slice3A_130 in 1 : vector<1x4xf32>, vector<1x4xf32> -> vector<1x8xf32>
    %add3A_132 = arith.addf %add3A_127, %concatenate3A_131 : vector<1x8xf32>
    %broadcast_in_dim3A_133 = arith.constant 0.000000e+00 : f32
    %broadcast_in_dim3A_134 = vector.broadcast %broadcast_in_dim3A_133 : f32 to vector<1x5xf32>
    %slice3A_135 = vector.extract_strided_slice %broadcast_in_dim3A_111 {offsets = [0, 0], sizes = [1, 3], strides = [1, 1]} : vector<1x8xf32> to vector<1x3xf32>
    %concatenate3A_136 = tpu.concatenate %broadcast_in_dim3A_134, %slice3A_135 in 1 : vector<1x5xf32>, vector<1x3xf32> -> vector<1x8xf32>
    %add3A_137 = arith.addf %add3A_132, %concatenate3A_136 : vector<1x8xf32>
    %broadcast_in_dim3A_138 = arith.constant 0.000000e+00 : f32
    %broadcast_in_dim3A_139 = vector.broadcast %broadcast_in_dim3A_138 : f32 to vector<1x6xf32>
    %slice3A_140 = vector.extract_strided_slice %broadcast_in_dim3A_111 {offsets = [0, 0], sizes = [1, 2], strides = [1, 1]} : vector<1x8xf32> to vector<1x2xf32>
    %concatenate3A_141 = tpu.concatenate %broadcast_in_dim3A_139, %slice3A_140 in 1 : vector<1x6xf32>, vector<1x2xf32> -> vector<1x8xf32>
    %add3A_142 = arith.addf %add3A_137, %concatenate3A_141 : vector<1x8xf32>
    %broadcast_in_dim3A_143 = arith.constant 0.000000e+00 : f32
    %broadcast_in_dim3A_144 = vector.broadcast %broadcast_in_dim3A_143 : f32 to vector<1x7xf32>
    %slice3A_145 = vector.extract_strided_slice %broadcast_in_dim3A_111 {offsets = [0, 0], sizes = [1, 1], strides = [1, 1]} : vector<1x8xf32> to vector<1x1xf32>
    %concatenate3A_146 = tpu.concatenate %broadcast_in_dim3A_144, %slice3A_145 in 1 : vector<1x7xf32>, vector<1x1xf32> -> vector<1x8xf32>
    %add3A_147 = arith.addf %add3A_142, %concatenate3A_146 : vector<1x8xf32>
    %mul3A_148 = arith.mulf %select_n3A_87, %dot_general3A_109 : vector<512x8xf32>
    %reduce_sum3A_149 = arith.constant dense<0.000000e+00> : vector<512xf32>
    %reduce_sum3A_150 = vector.multi_reduction <add>, %mul3A_148, %reduce_sum3A_149 [1] : vector<512x8xf32> to vector<512xf32>
    %broadcast_in_dim3A_151 = vector.shape_cast %reduce_sum3A_150 : vector<512xf32> to vector<512x1xf32>
    %sub3A_152 = arith.constant 1.000000e+00 : f32
    %sub3A_153 = vector.broadcast %sub3A_152 : f32 to vector<512x1xf32>
    %sub3A_154 = arith.subf %broadcast_in_dim3A_151, %sub3A_153 : vector<512x1xf32>
    %mul3A_155 = vector.broadcast %add3A_147 : vector<1x8xf32> to vector<512x8xf32>
    %mul3A_156 = arith.mulf %select_n3A_87, %mul3A_155 : vector<512x8xf32>
    %reduce_sum3A_157 = arith.constant dense<0.000000e+00> : vector<512xf32>
    %reduce_sum3A_158 = vector.multi_reduction <add>, %mul3A_156, %reduce_sum3A_157 [1] : vector<512x8xf32> to vector<512xf32>
    %broadcast_in_dim3A_159 = vector.shape_cast %reduce_sum3A_158 : vector<512xf32> to vector<512x1xf32>
    %add3A_160 = arith.addf %sub3A_154, %broadcast_in_dim3A_159 : vector<512x1xf32>
    %convert_element_type3A_161 = arith.fptosi %add3A_160 : vector<512x1xf32> to vector<512x1xi32>
    %swap3A_162 = arith.constant 0 : index
    %swap3A_163 = arith.constant 0 : index
    %swap3A_164 = vector.load %arg3[%swap3A_162, %swap3A_163] : memref<512x1xi32, #tpu.memory_space<vmem>>, vector<512x1xi32>
    tpu.vector_store %arg3[%swap3A_162, %swap3A_163], %convert_element_type3A_161 {strides = array<i32>} : memref<512x1xi32, #tpu.memory_space<vmem>>, vector<512x1xi32>,
    %convert_element_type3A_165 = arith.fptosi %broadcast_in_dim3A_111 : vector<1x8xf32> to vector<1x8xi32>
    %swap3A_166 = arith.constant 0 : index
    %swap3A_167 = arith.constant 0 : index
    %swap3A_168 = vector.load %arg5[%swap3A_166, %swap3A_167] : memref<1x8xi32, #tpu.memory_space<vmem>>, vector<1x8xi32>
    tpu.vector_store %arg5[%swap3A_166, %swap3A_167], %convert_element_type3A_165 {strides = array<i32>} : memref<1x8xi32, #tpu.memory_space<vmem>>, vector<1x8xi32>,
    return
  }
  func.func @transform_0(%arg0: i32) -> (i32, i32) {
    %c0_i32 = arith.constant 0 : i32
    %c0_i32_0 = arith.constant 0 : i32
    %c0_i32_1 = arith.constant 0 : i32
    return %c0_i32, %c0_i32_0 : i32, i32
  }
  func.func @transform_1(%arg0: i32) -> (i32, i32) {
    %jit3A = arith.constant 4 : i32
    %eq3A = arith.constant 0 : i32
    %eq3A_0 = arith.cmpi eq, %jit3A, %eq3A : i32
    %jit3A_1 = arith.constant 1 : i32
    %select_n3A = arith.select %eq3A_0, %jit3A_1, %jit3A : i32
    %rem3A = arith.remsi %arg0, %select_n3A : i32
    %ne3A = arith.constant 0 : i32
    %ne3A_2 = arith.cmpi ne, %rem3A, %ne3A : i32
    %lt3A = arith.constant 0 : i32
    %lt3A_3 = arith.cmpi slt, %rem3A, %lt3A : i32
    %lt3A_4 = arith.constant 0 : i32
    %lt3A_5 = arith.cmpi slt, %select_n3A, %lt3A_4 : i32
    %ne3A_6 = arith.xori %lt3A_3, %lt3A_5 : i1
    %and3A = arith.andi %ne3A_6, %ne3A_2 : i1
    %add3A = arith.addi %rem3A, %select_n3A : i32
    %select_n3A_7 = arith.select %and3A, %add3A, %rem3A : i32
    %c0_i32 = arith.constant 0 : i32
    %c0_i32_8 = arith.constant 0 : i32
    return %select_n3A_7, %c0_i32 : i32, i32
  }
  func.func @transform_2(%arg0: i32) -> (i32, i32) {
    %c0_i32 = arith.constant 0 : i32
    %c0_i32_0 = arith.constant 0 : i32
    return %arg0, %c0_i32 : i32, i32
  }
  func.func @transform_3(%arg0: i32) -> (i32, i32) {
    %c0_i32 = arith.constant 0 : i32
    %c0_i32_0 = arith.constant 0 : i32
    return %arg0, %c0_i32 : i32, i32
  }
  func.func @transform_4(%arg0: i32) -> (i32, i32) {
    %c0_i32 = arith.constant 0 : i32
    %c0_i32_0 = arith.constant 0 : i32
    %c0_i32_1 = arith.constant 0 : i32
    return %c0_i32, %c0_i32_0 : i32, i32
  }
}

module attributes {stable_mosaic.version = 14 : i64} {
  func.func @_gmm_body(%arg0: i32, %arg1: i32, %arg2: memref<8xi32, #tpu.memory_space<smem>>, %arg3: memref<8xi32, #tpu.memory_space<smem>>, %arg4: memref<4096x1024xf32, #tpu.memory_space<vmem>>, %arg5: memref<1x1024x512xbf16, #tpu.memory_space<vmem>>, %arg6: memref<1x1024x512xbf16, #tpu.memory_space<vmem>>, %arg7: memref<1x512x1024xbf16, #tpu.memory_space<vmem>>, %arg8: memref<4096x1024xf32, #tpu.memory_space<vmem>>) attributes {dimension_semantics = [#tpu.dimension_semantics<arbitrary>, #tpu.dimension_semantics<arbitrary>], iteration_bounds = array<i64: 8, 7>, scalar_prefetch = 2 : i64, scratch_operands = 0 : i64, tpu.core_type = #tpu.core_type<tc>, window_params = [{pipeline_mode = #tpu.pipeline_mode<synchronous>, transform_indices = @transform_0, window_bounds = array<i64: 4096, 1024>}, {transform_indices = @transform_1, window_bounds = array<i64: 1, 1024, 512>}, {transform_indices = @transform_2, window_bounds = array<i64: 1, 1024, 512>}, {transform_indices = @transform_3, window_bounds = array<i64: 1, 512, 1024>}, {pipeline_mode = #tpu.pipeline_mode<synchronous>, transform_indices = @transform_4, window_bounds = array<i64: 4096, 1024>}]} {
    %get3A = arith.index_cast %arg0 : i32 to index
    %get3A_0 = memref.load %arg2[%get3A] : memref<8xi32, #tpu.memory_space<smem>>
    %get3A_1 = arith.index_cast %arg0 : i32 to index
    %get3A_2 = memref.load %arg3[%get3A_1] : memref<8xi32, #tpu.memory_space<smem>>
    %get3A_3 = arith.constant 0 : index
    %get3A_4 = arith.constant 0 : index
    %get3A_5 = arith.constant 0 : index
    %get3A_6 = vector.load %arg5[%get3A_3, %get3A_4, %get3A_5] : memref<1x1024x512xbf16, #tpu.memory_space<vmem>>, vector<1x1024x512xbf16>
    %get3A_7 = vector.shape_cast %get3A_6 : vector<1x1024x512xbf16> to vector<1024x512xbf16>
    %get3A_8 = arith.constant 0 : index
    %get3A_9 = arith.constant 0 : index
    %get3A_10 = arith.constant 0 : index
    %get3A_11 = vector.load %arg6[%get3A_8, %get3A_9, %get3A_10] : memref<1x1024x512xbf16, #tpu.memory_space<vmem>>, vector<1x1024x512xbf16>
    %get3A_12 = vector.shape_cast %get3A_11 : vector<1x1024x512xbf16> to vector<1024x512xbf16>
    %get3A_13 = arith.constant 0 : index
    %get3A_14 = arith.constant 0 : index
    %get3A_15 = arith.constant 0 : index
    %get3A_16 = vector.load %arg7[%get3A_13, %get3A_14, %get3A_15] : memref<1x512x1024xbf16, #tpu.memory_space<vmem>>, vector<1x512x1024xbf16>
    %get3A_17 = vector.shape_cast %get3A_16 : vector<1x512x1024xbf16> to vector<512x1024xbf16>
    %gt3A = arith.constant 0 : i32
    %gt3A_18 = arith.cmpi sgt, %get3A_2, %gt3A : i32
    %lt3A = arith.constant 512 : i32
    %lt3A_19 = arith.cmpi slt, %get3A_0, %lt3A : i32
    %and3A = arith.andi %gt3A_18, %lt3A_19 : i1
    %convert_element_type3A = arith.extui %and3A : i1 to i32
    %cond3A = arith.constant 0 : i32
    %cond3A_20 = arith.cmpi ne, %convert_element_type3A, %cond3A : i32
    scf.if %cond3A_20 {
      %iota3A = tpu.iota {dimensions = array<i32: 0>} : vector<512x1xi32>
      %add3A = arith.constant 0 : i32
      %add3A_77 = vector.broadcast %add3A : i32 to vector<512x1xi32>
      %add3A_78 = arith.addi %iota3A, %add3A_77 : vector<512x1xi32>
      %ge3A = vector.broadcast %get3A_0 : i32 to vector<512x1xi32>
      %ge3A_79 = arith.cmpi sge, %add3A_78, %ge3A : vector<512x1xi32>
      %lt3A_80 = vector.broadcast %get3A_2 : i32 to vector<512x1xi32>
      %lt3A_81 = arith.cmpi slt, %add3A_78, %lt3A_80 : vector<512x1xi32>
      %and3A_82 = arith.andi %ge3A_79, %lt3A_81 : vector<512x1xi1>
      %get3A_83 = arith.constant 0 : index
      %get3A_84 = arith.constant 0 : index
      %get3A_85 = vector.load %arg4[%get3A_83, %get3A_84] : memref<4096x1024xf32, #tpu.memory_space<vmem>>, vector<512x1024xf32>
      %jit3A = arith.constant 0.000000e+00 : f32
      %broadcast_in_dim3A = vector.shape_cast %and3A_82 : vector<512x1xi1> to vector<512x1xi1>
      %broadcast_in_dim3A_86 = vector.broadcast %broadcast_in_dim3A : vector<512x1xi1> to vector<512x1024xi1>
      %broadcast_in_dim3A_87 = vector.broadcast %jit3A : f32 to vector<512x1024xf32>
      %select_n3A = arith.select %broadcast_in_dim3A_86, %get3A_85, %broadcast_in_dim3A_87 : vector<512x1024xi1>, vector<512x1024xf32>
      %convert_element_type3A_88 = arith.truncf %select_n3A : vector<512x1024xf32> to vector<512x1024xbf16>
      %dot_general3A = arith.constant dense<0.000000e+00> : vector<512x512xf32>
      %dot_general3A_89 = tpu.matmul %convert_element_type3A_88, %get3A_7, %dot_general3A {dimension_numbers = #tpu.dot_dimension_numbers<[1], [0], [0], [1], [0, 0, 1, 1], [], []>, transpose_lhs_hint = false} : vector<512x1024xbf16>, vector<1024x512xbf16>, vector<512x512xf32> -> vector<512x512xf32>
      %dot_general3A_90 = arith.constant dense<0.000000e+00> : vector<512x512xf32>
      %dot_general3A_91 = tpu.matmul %convert_element_type3A_88, %get3A_12, %dot_general3A_90 {dimension_numbers = #tpu.dot_dimension_numbers<[1], [0], [0], [1], [0, 0, 1, 1], [], []>, transpose_lhs_hint = false} : vector<512x1024xbf16>, vector<1024x512xbf16>, vector<512x512xf32> -> vector<512x512xf32>
      %mul3A = arith.mulf %dot_general3A_89, %dot_general3A_91 : vector<512x512xf32>
      %neg3A = arith.constant 0.000000e+00 : f32
      %neg3A_92 = vector.broadcast %neg3A : f32 to vector<512x512xf32>
      %neg3A_93 = arith.subf %neg3A_92, %dot_general3A_89 : vector<512x512xf32>
      %exp3A = math.exp %neg3A_93 : vector<512x512xf32>
      %add3A_94 = arith.constant 1.000000e+00 : f32
      %add3A_95 = vector.broadcast %add3A_94 : f32 to vector<512x512xf32>
      %add3A_96 = arith.addf %add3A_95, %exp3A : vector<512x512xf32>
      %div3A = arith.divf %mul3A, %add3A_96 : vector<512x512xf32>
      %convert_element_type3A_97 = arith.truncf %div3A : vector<512x512xf32> to vector<512x512xbf16>
      %dot_general3A_98 = arith.constant dense<0.000000e+00> : vector<512x1024xf32>
      %dot_general3A_99 = tpu.matmul %convert_element_type3A_97, %get3A_17, %dot_general3A_98 {dimension_numbers = #tpu.dot_dimension_numbers<[1], [0], [0], [1], [0, 0, 1, 1], [], []>, transpose_lhs_hint = false} : vector<512x512xbf16>, vector<512x1024xbf16>, vector<512x1024xf32> -> vector<512x1024xf32>
      %eq3A = arith.constant 0 : i32
      %eq3A_100 = arith.cmpi eq, %arg1, %eq3A : i32
      %le3A = arith.constant 0 : i32
      %le3A_101 = arith.cmpi sle, %get3A_0, %le3A : i32
      %and3A_102 = arith.andi %eq3A_100, %le3A_101 : i1
      %convert_element_type3A_103 = arith.extui %and3A_102 : i1 to i32
      %cond3A_104 = arith.constant 0 : i32
      %cond3A_105 = arith.cmpi ne, %convert_element_type3A_103, %cond3A_104 : i32
      scf.if %cond3A_105 {
        %swap3A = arith.constant 0 : index
        %swap3A_110 = arith.constant 0 : index
        %swap3A_111 = vector.load %arg8[%swap3A, %swap3A_110] : memref<4096x1024xf32, #tpu.memory_space<vmem>>, vector<512x1024xf32>
        tpu.vector_store %arg8[%swap3A, %swap3A_110], %dot_general3A_99 {strides = array<i32>} : memref<4096x1024xf32, #tpu.memory_space<vmem>>, vector<512x1024xf32>,
      } else {
      }
      %not3A = arith.constant true
      %not3A_106 = arith.xori %and3A_102, %not3A : i1
      %convert_element_type3A_107 = arith.extui %not3A_106 : i1 to i32
      %cond3A_108 = arith.constant 0 : i32
      %cond3A_109 = arith.cmpi ne, %convert_element_type3A_107, %cond3A_108 : i32
      scf.if %cond3A_109 {
        %get3A_110 = arith.constant 0 : index
        %get3A_111 = arith.constant 0 : index
        %get3A_112 = vector.load %arg8[%get3A_110, %get3A_111] : memref<4096x1024xf32, #tpu.memory_space<vmem>>, vector<512x1024xf32>
        %add3A_113 = arith.addf %get3A_112, %dot_general3A_99 : vector<512x1024xf32>
        %swap3A = arith.constant 0 : index
        %swap3A_114 = arith.constant 0 : index
        %swap3A_115 = vector.load %arg8[%swap3A, %swap3A_114] : memref<4096x1024xf32, #tpu.memory_space<vmem>>, vector<512x1024xf32>
        tpu.vector_store %arg8[%swap3A, %swap3A_114], %add3A_113 {strides = array<i32>} : memref<4096x1024xf32, #tpu.memory_space<vmem>>, vector<512x1024xf32>,
      } else {
      }
    } else {
    }
    %gt3A_21 = arith.constant 512 : i32
    %gt3A_22 = arith.cmpi sgt, %get3A_2, %gt3A_21 : i32
    %lt3A_23 = arith.constant 1024 : i32
    %lt3A_24 = arith.cmpi slt, %get3A_0, %lt3A_23 : i32
    %and3A_25 = arith.andi %gt3A_22, %lt3A_24 : i1
    %convert_element_type3A_26 = arith.extui %and3A_25 : i1 to i32
    %cond3A_27 = arith.constant 0 : i32
    %cond3A_28 = arith.cmpi ne, %convert_element_type3A_26, %cond3A_27 : i32
    scf.if %cond3A_28 {
      %iota3A = tpu.iota {dimensions = array<i32: 0>} : vector<512x1xi32>
      %add3A = arith.constant 512 : i32
      %add3A_77 = vector.broadcast %add3A : i32 to vector<512x1xi32>
      %add3A_78 = arith.addi %iota3A, %add3A_77 : vector<512x1xi32>
      %ge3A = vector.broadcast %get3A_0 : i32 to vector<512x1xi32>
      %ge3A_79 = arith.cmpi sge, %add3A_78, %ge3A : vector<512x1xi32>
      %lt3A_80 = vector.broadcast %get3A_2 : i32 to vector<512x1xi32>
      %lt3A_81 = arith.cmpi slt, %add3A_78, %lt3A_80 : vector<512x1xi32>
      %and3A_82 = arith.andi %ge3A_79, %lt3A_81 : vector<512x1xi1>
      %get3A_83 = arith.constant 512 : index
      %get3A_84 = arith.constant 0 : index
      %get3A_85 = vector.load %arg4[%get3A_83, %get3A_84] : memref<4096x1024xf32, #tpu.memory_space<vmem>>, vector<512x1024xf32>
      %jit3A = arith.constant 0.000000e+00 : f32
      %broadcast_in_dim3A = vector.shape_cast %and3A_82 : vector<512x1xi1> to vector<512x1xi1>
      %broadcast_in_dim3A_86 = vector.broadcast %broadcast_in_dim3A : vector<512x1xi1> to vector<512x1024xi1>
      %broadcast_in_dim3A_87 = vector.broadcast %jit3A : f32 to vector<512x1024xf32>
      %select_n3A = arith.select %broadcast_in_dim3A_86, %get3A_85, %broadcast_in_dim3A_87 : vector<512x1024xi1>, vector<512x1024xf32>
      %convert_element_type3A_88 = arith.truncf %select_n3A : vector<512x1024xf32> to vector<512x1024xbf16>
      %dot_general3A = arith.constant dense<0.000000e+00> : vector<512x512xf32>
      %dot_general3A_89 = tpu.matmul %convert_element_type3A_88, %get3A_7, %dot_general3A {dimension_numbers = #tpu.dot_dimension_numbers<[1], [0], [0], [1], [0, 0, 1, 1], [], []>, transpose_lhs_hint = false} : vector<512x1024xbf16>, vector<1024x512xbf16>, vector<512x512xf32> -> vector<512x512xf32>
      %dot_general3A_90 = arith.constant dense<0.000000e+00> : vector<512x512xf32>
      %dot_general3A_91 = tpu.matmul %convert_element_type3A_88, %get3A_12, %dot_general3A_90 {dimension_numbers = #tpu.dot_dimension_numbers<[1], [0], [0], [1], [0, 0, 1, 1], [], []>, transpose_lhs_hint = false} : vector<512x1024xbf16>, vector<1024x512xbf16>, vector<512x512xf32> -> vector<512x512xf32>
      %mul3A = arith.mulf %dot_general3A_89, %dot_general3A_91 : vector<512x512xf32>
      %neg3A = arith.constant 0.000000e+00 : f32
      %neg3A_92 = vector.broadcast %neg3A : f32 to vector<512x512xf32>
      %neg3A_93 = arith.subf %neg3A_92, %dot_general3A_89 : vector<512x512xf32>
      %exp3A = math.exp %neg3A_93 : vector<512x512xf32>
      %add3A_94 = arith.constant 1.000000e+00 : f32
      %add3A_95 = vector.broadcast %add3A_94 : f32 to vector<512x512xf32>
      %add3A_96 = arith.addf %add3A_95, %exp3A : vector<512x512xf32>
      %div3A = arith.divf %mul3A, %add3A_96 : vector<512x512xf32>
      %convert_element_type3A_97 = arith.truncf %div3A : vector<512x512xf32> to vector<512x512xbf16>
      %dot_general3A_98 = arith.constant dense<0.000000e+00> : vector<512x1024xf32>
      %dot_general3A_99 = tpu.matmul %convert_element_type3A_97, %get3A_17, %dot_general3A_98 {dimension_numbers = #tpu.dot_dimension_numbers<[1], [0], [0], [1], [0, 0, 1, 1], [], []>, transpose_lhs_hint = false} : vector<512x512xbf16>, vector<512x1024xbf16>, vector<512x1024xf32> -> vector<512x1024xf32>
      %eq3A = arith.constant 0 : i32
      %eq3A_100 = arith.cmpi eq, %arg1, %eq3A : i32
      %le3A = arith.constant 512 : i32
      %le3A_101 = arith.cmpi sle, %get3A_0, %le3A : i32
      %and3A_102 = arith.andi %eq3A_100, %le3A_101 : i1
      %convert_element_type3A_103 = arith.extui %and3A_102 : i1 to i32
      %cond3A_104 = arith.constant 0 : i32
      %cond3A_105 = arith.cmpi ne, %convert_element_type3A_103, %cond3A_104 : i32
      scf.if %cond3A_105 {
        %swap3A = arith.constant 512 : index
        %swap3A_110 = arith.constant 0 : index
        %swap3A_111 = vector.load %arg8[%swap3A, %swap3A_110] : memref<4096x1024xf32, #tpu.memory_space<vmem>>, vector<512x1024xf32>
        tpu.vector_store %arg8[%swap3A, %swap3A_110], %dot_general3A_99 {strides = array<i32>} : memref<4096x1024xf32, #tpu.memory_space<vmem>>, vector<512x1024xf32>,
      } else {
      }
      %not3A = arith.constant true
      %not3A_106 = arith.xori %and3A_102, %not3A : i1
      %convert_element_type3A_107 = arith.extui %not3A_106 : i1 to i32
      %cond3A_108 = arith.constant 0 : i32
      %cond3A_109 = arith.cmpi ne, %convert_element_type3A_107, %cond3A_108 : i32
      scf.if %cond3A_109 {
        %get3A_110 = arith.constant 512 : index
        %get3A_111 = arith.constant 0 : index
        %get3A_112 = vector.load %arg8[%get3A_110, %get3A_111] : memref<4096x1024xf32, #tpu.memory_space<vmem>>, vector<512x1024xf32>
        %add3A_113 = arith.addf %get3A_112, %dot_general3A_99 : vector<512x1024xf32>
        %swap3A = arith.constant 512 : index
        %swap3A_114 = arith.constant 0 : index
        %swap3A_115 = vector.load %arg8[%swap3A, %swap3A_114] : memref<4096x1024xf32, #tpu.memory_space<vmem>>, vector<512x1024xf32>
        tpu.vector_store %arg8[%swap3A, %swap3A_114], %add3A_113 {strides = array<i32>} : memref<4096x1024xf32, #tpu.memory_space<vmem>>, vector<512x1024xf32>,
      } else {
      }
    } else {
    }
    %gt3A_29 = arith.constant 1024 : i32
    %gt3A_30 = arith.cmpi sgt, %get3A_2, %gt3A_29 : i32
    %lt3A_31 = arith.constant 1536 : i32
    %lt3A_32 = arith.cmpi slt, %get3A_0, %lt3A_31 : i32
    %and3A_33 = arith.andi %gt3A_30, %lt3A_32 : i1
    %convert_element_type3A_34 = arith.extui %and3A_33 : i1 to i32
    %cond3A_35 = arith.constant 0 : i32
    %cond3A_36 = arith.cmpi ne, %convert_element_type3A_34, %cond3A_35 : i32
    scf.if %cond3A_36 {
      %iota3A = tpu.iota {dimensions = array<i32: 0>} : vector<512x1xi32>
      %add3A = arith.constant 1024 : i32
      %add3A_77 = vector.broadcast %add3A : i32 to vector<512x1xi32>
      %add3A_78 = arith.addi %iota3A, %add3A_77 : vector<512x1xi32>
      %ge3A = vector.broadcast %get3A_0 : i32 to vector<512x1xi32>
      %ge3A_79 = arith.cmpi sge, %add3A_78, %ge3A : vector<512x1xi32>
      %lt3A_80 = vector.broadcast %get3A_2 : i32 to vector<512x1xi32>
      %lt3A_81 = arith.cmpi slt, %add3A_78, %lt3A_80 : vector<512x1xi32>
      %and3A_82 = arith.andi %ge3A_79, %lt3A_81 : vector<512x1xi1>
      %get3A_83 = arith.constant 1024 : index
      %get3A_84 = arith.constant 0 : index
      %get3A_85 = vector.load %arg4[%get3A_83, %get3A_84] : memref<4096x1024xf32, #tpu.memory_space<vmem>>, vector<512x1024xf32>
      %jit3A = arith.constant 0.000000e+00 : f32
      %broadcast_in_dim3A = vector.shape_cast %and3A_82 : vector<512x1xi1> to vector<512x1xi1>
      %broadcast_in_dim3A_86 = vector.broadcast %broadcast_in_dim3A : vector<512x1xi1> to vector<512x1024xi1>
      %broadcast_in_dim3A_87 = vector.broadcast %jit3A : f32 to vector<512x1024xf32>
      %select_n3A = arith.select %broadcast_in_dim3A_86, %get3A_85, %broadcast_in_dim3A_87 : vector<512x1024xi1>, vector<512x1024xf32>
      %convert_element_type3A_88 = arith.truncf %select_n3A : vector<512x1024xf32> to vector<512x1024xbf16>
      %dot_general3A = arith.constant dense<0.000000e+00> : vector<512x512xf32>
      %dot_general3A_89 = tpu.matmul %convert_element_type3A_88, %get3A_7, %dot_general3A {dimension_numbers = #tpu.dot_dimension_numbers<[1], [0], [0], [1], [0, 0, 1, 1], [], []>, transpose_lhs_hint = false} : vector<512x1024xbf16>, vector<1024x512xbf16>, vector<512x512xf32> -> vector<512x512xf32>
      %dot_general3A_90 = arith.constant dense<0.000000e+00> : vector<512x512xf32>
      %dot_general3A_91 = tpu.matmul %convert_element_type3A_88, %get3A_12, %dot_general3A_90 {dimension_numbers = #tpu.dot_dimension_numbers<[1], [0], [0], [1], [0, 0, 1, 1], [], []>, transpose_lhs_hint = false} : vector<512x1024xbf16>, vector<1024x512xbf16>, vector<512x512xf32> -> vector<512x512xf32>
      %mul3A = arith.mulf %dot_general3A_89, %dot_general3A_91 : vector<512x512xf32>
      %neg3A = arith.constant 0.000000e+00 : f32
      %neg3A_92 = vector.broadcast %neg3A : f32 to vector<512x512xf32>
      %neg3A_93 = arith.subf %neg3A_92, %dot_general3A_89 : vector<512x512xf32>
      %exp3A = math.exp %neg3A_93 : vector<512x512xf32>
      %add3A_94 = arith.constant 1.000000e+00 : f32
      %add3A_95 = vector.broadcast %add3A_94 : f32 to vector<512x512xf32>
      %add3A_96 = arith.addf %add3A_95, %exp3A : vector<512x512xf32>
      %div3A = arith.divf %mul3A, %add3A_96 : vector<512x512xf32>
      %convert_element_type3A_97 = arith.truncf %div3A : vector<512x512xf32> to vector<512x512xbf16>
      %dot_general3A_98 = arith.constant dense<0.000000e+00> : vector<512x1024xf32>
      %dot_general3A_99 = tpu.matmul %convert_element_type3A_97, %get3A_17, %dot_general3A_98 {dimension_numbers = #tpu.dot_dimension_numbers<[1], [0], [0], [1], [0, 0, 1, 1], [], []>, transpose_lhs_hint = false} : vector<512x512xbf16>, vector<512x1024xbf16>, vector<512x1024xf32> -> vector<512x1024xf32>
      %eq3A = arith.constant 0 : i32
      %eq3A_100 = arith.cmpi eq, %arg1, %eq3A : i32
      %le3A = arith.constant 1024 : i32
      %le3A_101 = arith.cmpi sle, %get3A_0, %le3A : i32
      %and3A_102 = arith.andi %eq3A_100, %le3A_101 : i1
      %convert_element_type3A_103 = arith.extui %and3A_102 : i1 to i32
      %cond3A_104 = arith.constant 0 : i32
      %cond3A_105 = arith.cmpi ne, %convert_element_type3A_103, %cond3A_104 : i32
      scf.if %cond3A_105 {
        %swap3A = arith.constant 1024 : index
        %swap3A_110 = arith.constant 0 : index
        %swap3A_111 = vector.load %arg8[%swap3A, %swap3A_110] : memref<4096x1024xf32, #tpu.memory_space<vmem>>, vector<512x1024xf32>
        tpu.vector_store %arg8[%swap3A, %swap3A_110], %dot_general3A_99 {strides = array<i32>} : memref<4096x1024xf32, #tpu.memory_space<vmem>>, vector<512x1024xf32>,
      } else {
      }
      %not3A = arith.constant true
      %not3A_106 = arith.xori %and3A_102, %not3A : i1
      %convert_element_type3A_107 = arith.extui %not3A_106 : i1 to i32
      %cond3A_108 = arith.constant 0 : i32
      %cond3A_109 = arith.cmpi ne, %convert_element_type3A_107, %cond3A_108 : i32
      scf.if %cond3A_109 {
        %get3A_110 = arith.constant 1024 : index
        %get3A_111 = arith.constant 0 : index
        %get3A_112 = vector.load %arg8[%get3A_110, %get3A_111] : memref<4096x1024xf32, #tpu.memory_space<vmem>>, vector<512x1024xf32>
        %add3A_113 = arith.addf %get3A_112, %dot_general3A_99 : vector<512x1024xf32>
        %swap3A = arith.constant 1024 : index
        %swap3A_114 = arith.constant 0 : index
        %swap3A_115 = vector.load %arg8[%swap3A, %swap3A_114] : memref<4096x1024xf32, #tpu.memory_space<vmem>>, vector<512x1024xf32>
        tpu.vector_store %arg8[%swap3A, %swap3A_114], %add3A_113 {strides = array<i32>} : memref<4096x1024xf32, #tpu.memory_space<vmem>>, vector<512x1024xf32>,
      } else {
      }
    } else {
    }
    %gt3A_37 = arith.constant 1536 : i32
    %gt3A_38 = arith.cmpi sgt, %get3A_2, %gt3A_37 : i32
    %lt3A_39 = arith.constant 2048 : i32
    %lt3A_40 = arith.cmpi slt, %get3A_0, %lt3A_39 : i32
    %and3A_41 = arith.andi %gt3A_38, %lt3A_40 : i1
    %convert_element_type3A_42 = arith.extui %and3A_41 : i1 to i32
    %cond3A_43 = arith.constant 0 : i32
    %cond3A_44 = arith.cmpi ne, %convert_element_type3A_42, %cond3A_43 : i32
    scf.if %cond3A_44 {
      %iota3A = tpu.iota {dimensions = array<i32: 0>} : vector<512x1xi32>
      %add3A = arith.constant 1536 : i32
      %add3A_77 = vector.broadcast %add3A : i32 to vector<512x1xi32>
      %add3A_78 = arith.addi %iota3A, %add3A_77 : vector<512x1xi32>
      %ge3A = vector.broadcast %get3A_0 : i32 to vector<512x1xi32>
      %ge3A_79 = arith.cmpi sge, %add3A_78, %ge3A : vector<512x1xi32>
      %lt3A_80 = vector.broadcast %get3A_2 : i32 to vector<512x1xi32>
      %lt3A_81 = arith.cmpi slt, %add3A_78, %lt3A_80 : vector<512x1xi32>
      %and3A_82 = arith.andi %ge3A_79, %lt3A_81 : vector<512x1xi1>
      %get3A_83 = arith.constant 1536 : index
      %get3A_84 = arith.constant 0 : index
      %get3A_85 = vector.load %arg4[%get3A_83, %get3A_84] : memref<4096x1024xf32, #tpu.memory_space<vmem>>, vector<512x1024xf32>
      %jit3A = arith.constant 0.000000e+00 : f32
      %broadcast_in_dim3A = vector.shape_cast %and3A_82 : vector<512x1xi1> to vector<512x1xi1>
      %broadcast_in_dim3A_86 = vector.broadcast %broadcast_in_dim3A : vector<512x1xi1> to vector<512x1024xi1>
      %broadcast_in_dim3A_87 = vector.broadcast %jit3A : f32 to vector<512x1024xf32>
      %select_n3A = arith.select %broadcast_in_dim3A_86, %get3A_85, %broadcast_in_dim3A_87 : vector<512x1024xi1>, vector<512x1024xf32>
      %convert_element_type3A_88 = arith.truncf %select_n3A : vector<512x1024xf32> to vector<512x1024xbf16>
      %dot_general3A = arith.constant dense<0.000000e+00> : vector<512x512xf32>
      %dot_general3A_89 = tpu.matmul %convert_element_type3A_88, %get3A_7, %dot_general3A {dimension_numbers = #tpu.dot_dimension_numbers<[1], [0], [0], [1], [0, 0, 1, 1], [], []>, transpose_lhs_hint = false} : vector<512x1024xbf16>, vector<1024x512xbf16>, vector<512x512xf32> -> vector<512x512xf32>
      %dot_general3A_90 = arith.constant dense<0.000000e+00> : vector<512x512xf32>
      %dot_general3A_91 = tpu.matmul %convert_element_type3A_88, %get3A_12, %dot_general3A_90 {dimension_numbers = #tpu.dot_dimension_numbers<[1], [0], [0], [1], [0, 0, 1, 1], [], []>, transpose_lhs_hint = false} : vector<512x1024xbf16>, vector<1024x512xbf16>, vector<512x512xf32> -> vector<512x512xf32>
      %mul3A = arith.mulf %dot_general3A_89, %dot_general3A_91 : vector<512x512xf32>
      %neg3A = arith.constant 0.000000e+00 : f32
      %neg3A_92 = vector.broadcast %neg3A : f32 to vector<512x512xf32>
      %neg3A_93 = arith.subf %neg3A_92, %dot_general3A_89 : vector<512x512xf32>
      %exp3A = math.exp %neg3A_93 : vector<512x512xf32>
      %add3A_94 = arith.constant 1.000000e+00 : f32
      %add3A_95 = vector.broadcast %add3A_94 : f32 to vector<512x512xf32>
      %add3A_96 = arith.addf %add3A_95, %exp3A : vector<512x512xf32>
      %div3A = arith.divf %mul3A, %add3A_96 : vector<512x512xf32>
      %convert_element_type3A_97 = arith.truncf %div3A : vector<512x512xf32> to vector<512x512xbf16>
      %dot_general3A_98 = arith.constant dense<0.000000e+00> : vector<512x1024xf32>
      %dot_general3A_99 = tpu.matmul %convert_element_type3A_97, %get3A_17, %dot_general3A_98 {dimension_numbers = #tpu.dot_dimension_numbers<[1], [0], [0], [1], [0, 0, 1, 1], [], []>, transpose_lhs_hint = false} : vector<512x512xbf16>, vector<512x1024xbf16>, vector<512x1024xf32> -> vector<512x1024xf32>
      %eq3A = arith.constant 0 : i32
      %eq3A_100 = arith.cmpi eq, %arg1, %eq3A : i32
      %le3A = arith.constant 1536 : i32
      %le3A_101 = arith.cmpi sle, %get3A_0, %le3A : i32
      %and3A_102 = arith.andi %eq3A_100, %le3A_101 : i1
      %convert_element_type3A_103 = arith.extui %and3A_102 : i1 to i32
      %cond3A_104 = arith.constant 0 : i32
      %cond3A_105 = arith.cmpi ne, %convert_element_type3A_103, %cond3A_104 : i32
      scf.if %cond3A_105 {
        %swap3A = arith.constant 1536 : index
        %swap3A_110 = arith.constant 0 : index
        %swap3A_111 = vector.load %arg8[%swap3A, %swap3A_110] : memref<4096x1024xf32, #tpu.memory_space<vmem>>, vector<512x1024xf32>
        tpu.vector_store %arg8[%swap3A, %swap3A_110], %dot_general3A_99 {strides = array<i32>} : memref<4096x1024xf32, #tpu.memory_space<vmem>>, vector<512x1024xf32>,
      } else {
      }
      %not3A = arith.constant true
      %not3A_106 = arith.xori %and3A_102, %not3A : i1
      %convert_element_type3A_107 = arith.extui %not3A_106 : i1 to i32
      %cond3A_108 = arith.constant 0 : i32
      %cond3A_109 = arith.cmpi ne, %convert_element_type3A_107, %cond3A_108 : i32
      scf.if %cond3A_109 {
        %get3A_110 = arith.constant 1536 : index
        %get3A_111 = arith.constant 0 : index
        %get3A_112 = vector.load %arg8[%get3A_110, %get3A_111] : memref<4096x1024xf32, #tpu.memory_space<vmem>>, vector<512x1024xf32>
        %add3A_113 = arith.addf %get3A_112, %dot_general3A_99 : vector<512x1024xf32>
        %swap3A = arith.constant 1536 : index
        %swap3A_114 = arith.constant 0 : index
        %swap3A_115 = vector.load %arg8[%swap3A, %swap3A_114] : memref<4096x1024xf32, #tpu.memory_space<vmem>>, vector<512x1024xf32>
        tpu.vector_store %arg8[%swap3A, %swap3A_114], %add3A_113 {strides = array<i32>} : memref<4096x1024xf32, #tpu.memory_space<vmem>>, vector<512x1024xf32>,
      } else {
      }
    } else {
    }
    %gt3A_45 = arith.constant 2048 : i32
    %gt3A_46 = arith.cmpi sgt, %get3A_2, %gt3A_45 : i32
    %lt3A_47 = arith.constant 2560 : i32
    %lt3A_48 = arith.cmpi slt, %get3A_0, %lt3A_47 : i32
    %and3A_49 = arith.andi %gt3A_46, %lt3A_48 : i1
    %convert_element_type3A_50 = arith.extui %and3A_49 : i1 to i32
    %cond3A_51 = arith.constant 0 : i32
    %cond3A_52 = arith.cmpi ne, %convert_element_type3A_50, %cond3A_51 : i32
    scf.if %cond3A_52 {
      %iota3A = tpu.iota {dimensions = array<i32: 0>} : vector<512x1xi32>
      %add3A = arith.constant 2048 : i32
      %add3A_77 = vector.broadcast %add3A : i32 to vector<512x1xi32>
      %add3A_78 = arith.addi %iota3A, %add3A_77 : vector<512x1xi32>
      %ge3A = vector.broadcast %get3A_0 : i32 to vector<512x1xi32>
      %ge3A_79 = arith.cmpi sge, %add3A_78, %ge3A : vector<512x1xi32>
      %lt3A_80 = vector.broadcast %get3A_2 : i32 to vector<512x1xi32>
      %lt3A_81 = arith.cmpi slt, %add3A_78, %lt3A_80 : vector<512x1xi32>
      %and3A_82 = arith.andi %ge3A_79, %lt3A_81 : vector<512x1xi1>
      %get3A_83 = arith.constant 2048 : index
      %get3A_84 = arith.constant 0 : index
      %get3A_85 = vector.load %arg4[%get3A_83, %get3A_84] : memref<4096x1024xf32, #tpu.memory_space<vmem>>, vector<512x1024xf32>
      %jit3A = arith.constant 0.000000e+00 : f32
      %broadcast_in_dim3A = vector.shape_cast %and3A_82 : vector<512x1xi1> to vector<512x1xi1>
      %broadcast_in_dim3A_86 = vector.broadcast %broadcast_in_dim3A : vector<512x1xi1> to vector<512x1024xi1>
      %broadcast_in_dim3A_87 = vector.broadcast %jit3A : f32 to vector<512x1024xf32>
      %select_n3A = arith.select %broadcast_in_dim3A_86, %get3A_85, %broadcast_in_dim3A_87 : vector<512x1024xi1>, vector<512x1024xf32>
      %convert_element_type3A_88 = arith.truncf %select_n3A : vector<512x1024xf32> to vector<512x1024xbf16>
      %dot_general3A = arith.constant dense<0.000000e+00> : vector<512x512xf32>
      %dot_general3A_89 = tpu.matmul %convert_element_type3A_88, %get3A_7, %dot_general3A {dimension_numbers = #tpu.dot_dimension_numbers<[1], [0], [0], [1], [0, 0, 1, 1], [], []>, transpose_lhs_hint = false} : vector<512x1024xbf16>, vector<1024x512xbf16>, vector<512x512xf32> -> vector<512x512xf32>
      %dot_general3A_90 = arith.constant dense<0.000000e+00> : vector<512x512xf32>
      %dot_general3A_91 = tpu.matmul %convert_element_type3A_88, %get3A_12, %dot_general3A_90 {dimension_numbers = #tpu.dot_dimension_numbers<[1], [0], [0], [1], [0, 0, 1, 1], [], []>, transpose_lhs_hint = false} : vector<512x1024xbf16>, vector<1024x512xbf16>, vector<512x512xf32> -> vector<512x512xf32>
      %mul3A = arith.mulf %dot_general3A_89, %dot_general3A_91 : vector<512x512xf32>
      %neg3A = arith.constant 0.000000e+00 : f32
      %neg3A_92 = vector.broadcast %neg3A : f32 to vector<512x512xf32>
      %neg3A_93 = arith.subf %neg3A_92, %dot_general3A_89 : vector<512x512xf32>
      %exp3A = math.exp %neg3A_93 : vector<512x512xf32>
      %add3A_94 = arith.constant 1.000000e+00 : f32
      %add3A_95 = vector.broadcast %add3A_94 : f32 to vector<512x512xf32>
      %add3A_96 = arith.addf %add3A_95, %exp3A : vector<512x512xf32>
      %div3A = arith.divf %mul3A, %add3A_96 : vector<512x512xf32>
      %convert_element_type3A_97 = arith.truncf %div3A : vector<512x512xf32> to vector<512x512xbf16>
      %dot_general3A_98 = arith.constant dense<0.000000e+00> : vector<512x1024xf32>
      %dot_general3A_99 = tpu.matmul %convert_element_type3A_97, %get3A_17, %dot_general3A_98 {dimension_numbers = #tpu.dot_dimension_numbers<[1], [0], [0], [1], [0, 0, 1, 1], [], []>, transpose_lhs_hint = false} : vector<512x512xbf16>, vector<512x1024xbf16>, vector<512x1024xf32> -> vector<512x1024xf32>
      %eq3A = arith.constant 0 : i32
      %eq3A_100 = arith.cmpi eq, %arg1, %eq3A : i32
      %le3A = arith.constant 2048 : i32
      %le3A_101 = arith.cmpi sle, %get3A_0, %le3A : i32
      %and3A_102 = arith.andi %eq3A_100, %le3A_101 : i1
      %convert_element_type3A_103 = arith.extui %and3A_102 : i1 to i32
      %cond3A_104 = arith.constant 0 : i32
      %cond3A_105 = arith.cmpi ne, %convert_element_type3A_103, %cond3A_104 : i32
      scf.if %cond3A_105 {
        %swap3A = arith.constant 2048 : index
        %swap3A_110 = arith.constant 0 : index
        %swap3A_111 = vector.load %arg8[%swap3A, %swap3A_110] : memref<4096x1024xf32, #tpu.memory_space<vmem>>, vector<512x1024xf32>
        tpu.vector_store %arg8[%swap3A, %swap3A_110], %dot_general3A_99 {strides = array<i32>} : memref<4096x1024xf32, #tpu.memory_space<vmem>>, vector<512x1024xf32>,
      } else {
      }
      %not3A = arith.constant true
      %not3A_106 = arith.xori %and3A_102, %not3A : i1
      %convert_element_type3A_107 = arith.extui %not3A_106 : i1 to i32
      %cond3A_108 = arith.constant 0 : i32
      %cond3A_109 = arith.cmpi ne, %convert_element_type3A_107, %cond3A_108 : i32
      scf.if %cond3A_109 {
        %get3A_110 = arith.constant 2048 : index
        %get3A_111 = arith.constant 0 : index
        %get3A_112 = vector.load %arg8[%get3A_110, %get3A_111] : memref<4096x1024xf32, #tpu.memory_space<vmem>>, vector<512x1024xf32>
        %add3A_113 = arith.addf %get3A_112, %dot_general3A_99 : vector<512x1024xf32>
        %swap3A = arith.constant 2048 : index
        %swap3A_114 = arith.constant 0 : index
        %swap3A_115 = vector.load %arg8[%swap3A, %swap3A_114] : memref<4096x1024xf32, #tpu.memory_space<vmem>>, vector<512x1024xf32>
        tpu.vector_store %arg8[%swap3A, %swap3A_114], %add3A_113 {strides = array<i32>} : memref<4096x1024xf32, #tpu.memory_space<vmem>>, vector<512x1024xf32>,
      } else {
      }
    } else {
    }
    %gt3A_53 = arith.constant 2560 : i32
    %gt3A_54 = arith.cmpi sgt, %get3A_2, %gt3A_53 : i32
    %lt3A_55 = arith.constant 3072 : i32
    %lt3A_56 = arith.cmpi slt, %get3A_0, %lt3A_55 : i32
    %and3A_57 = arith.andi %gt3A_54, %lt3A_56 : i1
    %convert_element_type3A_58 = arith.extui %and3A_57 : i1 to i32
    %cond3A_59 = arith.constant 0 : i32
    %cond3A_60 = arith.cmpi ne, %convert_element_type3A_58, %cond3A_59 : i32
    scf.if %cond3A_60 {
      %iota3A = tpu.iota {dimensions = array<i32: 0>} : vector<512x1xi32>
      %add3A = arith.constant 2560 : i32
      %add3A_77 = vector.broadcast %add3A : i32 to vector<512x1xi32>
      %add3A_78 = arith.addi %iota3A, %add3A_77 : vector<512x1xi32>
      %ge3A = vector.broadcast %get3A_0 : i32 to vector<512x1xi32>
      %ge3A_79 = arith.cmpi sge, %add3A_78, %ge3A : vector<512x1xi32>
      %lt3A_80 = vector.broadcast %get3A_2 : i32 to vector<512x1xi32>
      %lt3A_81 = arith.cmpi slt, %add3A_78, %lt3A_80 : vector<512x1xi32>
      %and3A_82 = arith.andi %ge3A_79, %lt3A_81 : vector<512x1xi1>
      %get3A_83 = arith.constant 2560 : index
      %get3A_84 = arith.constant 0 : index
      %get3A_85 = vector.load %arg4[%get3A_83, %get3A_84] : memref<4096x1024xf32, #tpu.memory_space<vmem>>, vector<512x1024xf32>
      %jit3A = arith.constant 0.000000e+00 : f32
      %broadcast_in_dim3A = vector.shape_cast %and3A_82 : vector<512x1xi1> to vector<512x1xi1>
      %broadcast_in_dim3A_86 = vector.broadcast %broadcast_in_dim3A : vector<512x1xi1> to vector<512x1024xi1>
      %broadcast_in_dim3A_87 = vector.broadcast %jit3A : f32 to vector<512x1024xf32>
      %select_n3A = arith.select %broadcast_in_dim3A_86, %get3A_85, %broadcast_in_dim3A_87 : vector<512x1024xi1>, vector<512x1024xf32>
      %convert_element_type3A_88 = arith.truncf %select_n3A : vector<512x1024xf32> to vector<512x1024xbf16>
      %dot_general3A = arith.constant dense<0.000000e+00> : vector<512x512xf32>
      %dot_general3A_89 = tpu.matmul %convert_element_type3A_88, %get3A_7, %dot_general3A {dimension_numbers = #tpu.dot_dimension_numbers<[1], [0], [0], [1], [0, 0, 1, 1], [], []>, transpose_lhs_hint = false} : vector<512x1024xbf16>, vector<1024x512xbf16>, vector<512x512xf32> -> vector<512x512xf32>
      %dot_general3A_90 = arith.constant dense<0.000000e+00> : vector<512x512xf32>
      %dot_general3A_91 = tpu.matmul %convert_element_type3A_88, %get3A_12, %dot_general3A_90 {dimension_numbers = #tpu.dot_dimension_numbers<[1], [0], [0], [1], [0, 0, 1, 1], [], []>, transpose_lhs_hint = false} : vector<512x1024xbf16>, vector<1024x512xbf16>, vector<512x512xf32> -> vector<512x512xf32>
      %mul3A = arith.mulf %dot_general3A_89, %dot_general3A_91 : vector<512x512xf32>
      %neg3A = arith.constant 0.000000e+00 : f32
      %neg3A_92 = vector.broadcast %neg3A : f32 to vector<512x512xf32>
      %neg3A_93 = arith.subf %neg3A_92, %dot_general3A_89 : vector<512x512xf32>
      %exp3A = math.exp %neg3A_93 : vector<512x512xf32>
      %add3A_94 = arith.constant 1.000000e+00 : f32
      %add3A_95 = vector.broadcast %add3A_94 : f32 to vector<512x512xf32>
      %add3A_96 = arith.addf %add3A_95, %exp3A : vector<512x512xf32>
      %div3A = arith.divf %mul3A, %add3A_96 : vector<512x512xf32>
      %convert_element_type3A_97 = arith.truncf %div3A : vector<512x512xf32> to vector<512x512xbf16>
      %dot_general3A_98 = arith.constant dense<0.000000e+00> : vector<512x1024xf32>
      %dot_general3A_99 = tpu.matmul %convert_element_type3A_97, %get3A_17, %dot_general3A_98 {dimension_numbers = #tpu.dot_dimension_numbers<[1], [0], [0], [1], [0, 0, 1, 1], [], []>, transpose_lhs_hint = false} : vector<512x512xbf16>, vector<512x1024xbf16>, vector<512x1024xf32> -> vector<512x1024xf32>
      %eq3A = arith.constant 0 : i32
      %eq3A_100 = arith.cmpi eq, %arg1, %eq3A : i32
      %le3A = arith.constant 2560 : i32
      %le3A_101 = arith.cmpi sle, %get3A_0, %le3A : i32
      %and3A_102 = arith.andi %eq3A_100, %le3A_101 : i1
      %convert_element_type3A_103 = arith.extui %and3A_102 : i1 to i32
      %cond3A_104 = arith.constant 0 : i32
      %cond3A_105 = arith.cmpi ne, %convert_element_type3A_103, %cond3A_104 : i32
      scf.if %cond3A_105 {
        %swap3A = arith.constant 2560 : index
        %swap3A_110 = arith.constant 0 : index
        %swap3A_111 = vector.load %arg8[%swap3A, %swap3A_110] : memref<4096x1024xf32, #tpu.memory_space<vmem>>, vector<512x1024xf32>
        tpu.vector_store %arg8[%swap3A, %swap3A_110], %dot_general3A_99 {strides = array<i32>} : memref<4096x1024xf32, #tpu.memory_space<vmem>>, vector<512x1024xf32>,
      } else {
      }
      %not3A = arith.constant true
      %not3A_106 = arith.xori %and3A_102, %not3A : i1
      %convert_element_type3A_107 = arith.extui %not3A_106 : i1 to i32
      %cond3A_108 = arith.constant 0 : i32
      %cond3A_109 = arith.cmpi ne, %convert_element_type3A_107, %cond3A_108 : i32
      scf.if %cond3A_109 {
        %get3A_110 = arith.constant 2560 : index
        %get3A_111 = arith.constant 0 : index
        %get3A_112 = vector.load %arg8[%get3A_110, %get3A_111] : memref<4096x1024xf32, #tpu.memory_space<vmem>>, vector<512x1024xf32>
        %add3A_113 = arith.addf %get3A_112, %dot_general3A_99 : vector<512x1024xf32>
        %swap3A = arith.constant 2560 : index
        %swap3A_114 = arith.constant 0 : index
        %swap3A_115 = vector.load %arg8[%swap3A, %swap3A_114] : memref<4096x1024xf32, #tpu.memory_space<vmem>>, vector<512x1024xf32>
        tpu.vector_store %arg8[%swap3A, %swap3A_114], %add3A_113 {strides = array<i32>} : memref<4096x1024xf32, #tpu.memory_space<vmem>>, vector<512x1024xf32>,
      } else {
      }
    } else {
    }
    %gt3A_61 = arith.constant 3072 : i32
    %gt3A_62 = arith.cmpi sgt, %get3A_2, %gt3A_61 : i32
    %lt3A_63 = arith.constant 3584 : i32
    %lt3A_64 = arith.cmpi slt, %get3A_0, %lt3A_63 : i32
    %and3A_65 = arith.andi %gt3A_62, %lt3A_64 : i1
    %convert_element_type3A_66 = arith.extui %and3A_65 : i1 to i32
    %cond3A_67 = arith.constant 0 : i32
    %cond3A_68 = arith.cmpi ne, %convert_element_type3A_66, %cond3A_67 : i32
    scf.if %cond3A_68 {
      %iota3A = tpu.iota {dimensions = array<i32: 0>} : vector<512x1xi32>
      %add3A = arith.constant 3072 : i32
      %add3A_77 = vector.broadcast %add3A : i32 to vector<512x1xi32>
      %add3A_78 = arith.addi %iota3A, %add3A_77 : vector<512x1xi32>
      %ge3A = vector.broadcast %get3A_0 : i32 to vector<512x1xi32>
      %ge3A_79 = arith.cmpi sge, %add3A_78, %ge3A : vector<512x1xi32>
      %lt3A_80 = vector.broadcast %get3A_2 : i32 to vector<512x1xi32>
      %lt3A_81 = arith.cmpi slt, %add3A_78, %lt3A_80 : vector<512x1xi32>
      %and3A_82 = arith.andi %ge3A_79, %lt3A_81 : vector<512x1xi1>
      %get3A_83 = arith.constant 3072 : index
      %get3A_84 = arith.constant 0 : index
      %get3A_85 = vector.load %arg4[%get3A_83, %get3A_84] : memref<4096x1024xf32, #tpu.memory_space<vmem>>, vector<512x1024xf32>
      %jit3A = arith.constant 0.000000e+00 : f32
      %broadcast_in_dim3A = vector.shape_cast %and3A_82 : vector<512x1xi1> to vector<512x1xi1>
      %broadcast_in_dim3A_86 = vector.broadcast %broadcast_in_dim3A : vector<512x1xi1> to vector<512x1024xi1>
      %broadcast_in_dim3A_87 = vector.broadcast %jit3A : f32 to vector<512x1024xf32>
      %select_n3A = arith.select %broadcast_in_dim3A_86, %get3A_85, %broadcast_in_dim3A_87 : vector<512x1024xi1>, vector<512x1024xf32>
      %convert_element_type3A_88 = arith.truncf %select_n3A : vector<512x1024xf32> to vector<512x1024xbf16>
      %dot_general3A = arith.constant dense<0.000000e+00> : vector<512x512xf32>
      %dot_general3A_89 = tpu.matmul %convert_element_type3A_88, %get3A_7, %dot_general3A {dimension_numbers = #tpu.dot_dimension_numbers<[1], [0], [0], [1], [0, 0, 1, 1], [], []>, transpose_lhs_hint = false} : vector<512x1024xbf16>, vector<1024x512xbf16>, vector<512x512xf32> -> vector<512x512xf32>
      %dot_general3A_90 = arith.constant dense<0.000000e+00> : vector<512x512xf32>
      %dot_general3A_91 = tpu.matmul %convert_element_type3A_88, %get3A_12, %dot_general3A_90 {dimension_numbers = #tpu.dot_dimension_numbers<[1], [0], [0], [1], [0, 0, 1, 1], [], []>, transpose_lhs_hint = false} : vector<512x1024xbf16>, vector<1024x512xbf16>, vector<512x512xf32> -> vector<512x512xf32>
      %mul3A = arith.mulf %dot_general3A_89, %dot_general3A_91 : vector<512x512xf32>
      %neg3A = arith.constant 0.000000e+00 : f32
      %neg3A_92 = vector.broadcast %neg3A : f32 to vector<512x512xf32>
      %neg3A_93 = arith.subf %neg3A_92, %dot_general3A_89 : vector<512x512xf32>
      %exp3A = math.exp %neg3A_93 : vector<512x512xf32>
      %add3A_94 = arith.constant 1.000000e+00 : f32
      %add3A_95 = vector.broadcast %add3A_94 : f32 to vector<512x512xf32>
      %add3A_96 = arith.addf %add3A_95, %exp3A : vector<512x512xf32>
      %div3A = arith.divf %mul3A, %add3A_96 : vector<512x512xf32>
      %convert_element_type3A_97 = arith.truncf %div3A : vector<512x512xf32> to vector<512x512xbf16>
      %dot_general3A_98 = arith.constant dense<0.000000e+00> : vector<512x1024xf32>
      %dot_general3A_99 = tpu.matmul %convert_element_type3A_97, %get3A_17, %dot_general3A_98 {dimension_numbers = #tpu.dot_dimension_numbers<[1], [0], [0], [1], [0, 0, 1, 1], [], []>, transpose_lhs_hint = false} : vector<512x512xbf16>, vector<512x1024xbf16>, vector<512x1024xf32> -> vector<512x1024xf32>
      %eq3A = arith.constant 0 : i32
      %eq3A_100 = arith.cmpi eq, %arg1, %eq3A : i32
      %le3A = arith.constant 3072 : i32
      %le3A_101 = arith.cmpi sle, %get3A_0, %le3A : i32
      %and3A_102 = arith.andi %eq3A_100, %le3A_101 : i1
      %convert_element_type3A_103 = arith.extui %and3A_102 : i1 to i32
      %cond3A_104 = arith.constant 0 : i32
      %cond3A_105 = arith.cmpi ne, %convert_element_type3A_103, %cond3A_104 : i32
      scf.if %cond3A_105 {
        %swap3A = arith.constant 3072 : index
        %swap3A_110 = arith.constant 0 : index
        %swap3A_111 = vector.load %arg8[%swap3A, %swap3A_110] : memref<4096x1024xf32, #tpu.memory_space<vmem>>, vector<512x1024xf32>
        tpu.vector_store %arg8[%swap3A, %swap3A_110], %dot_general3A_99 {strides = array<i32>} : memref<4096x1024xf32, #tpu.memory_space<vmem>>, vector<512x1024xf32>,
      } else {
      }
      %not3A = arith.constant true
      %not3A_106 = arith.xori %and3A_102, %not3A : i1
      %convert_element_type3A_107 = arith.extui %not3A_106 : i1 to i32
      %cond3A_108 = arith.constant 0 : i32
      %cond3A_109 = arith.cmpi ne, %convert_element_type3A_107, %cond3A_108 : i32
      scf.if %cond3A_109 {
        %get3A_110 = arith.constant 3072 : index
        %get3A_111 = arith.constant 0 : index
        %get3A_112 = vector.load %arg8[%get3A_110, %get3A_111] : memref<4096x1024xf32, #tpu.memory_space<vmem>>, vector<512x1024xf32>
        %add3A_113 = arith.addf %get3A_112, %dot_general3A_99 : vector<512x1024xf32>
        %swap3A = arith.constant 3072 : index
        %swap3A_114 = arith.constant 0 : index
        %swap3A_115 = vector.load %arg8[%swap3A, %swap3A_114] : memref<4096x1024xf32, #tpu.memory_space<vmem>>, vector<512x1024xf32>
        tpu.vector_store %arg8[%swap3A, %swap3A_114], %add3A_113 {strides = array<i32>} : memref<4096x1024xf32, #tpu.memory_space<vmem>>, vector<512x1024xf32>,
      } else {
      }
    } else {
    }
    %gt3A_69 = arith.constant 3584 : i32
    %gt3A_70 = arith.cmpi sgt, %get3A_2, %gt3A_69 : i32
    %lt3A_71 = arith.constant 4096 : i32
    %lt3A_72 = arith.cmpi slt, %get3A_0, %lt3A_71 : i32
    %and3A_73 = arith.andi %gt3A_70, %lt3A_72 : i1
    %convert_element_type3A_74 = arith.extui %and3A_73 : i1 to i32
    %cond3A_75 = arith.constant 0 : i32
    %cond3A_76 = arith.cmpi ne, %convert_element_type3A_74, %cond3A_75 : i32
    scf.if %cond3A_76 {
      %iota3A = tpu.iota {dimensions = array<i32: 0>} : vector<512x1xi32>
      %add3A = arith.constant 3584 : i32
      %add3A_77 = vector.broadcast %add3A : i32 to vector<512x1xi32>
      %add3A_78 = arith.addi %iota3A, %add3A_77 : vector<512x1xi32>
      %ge3A = vector.broadcast %get3A_0 : i32 to vector<512x1xi32>
      %ge3A_79 = arith.cmpi sge, %add3A_78, %ge3A : vector<512x1xi32>
      %lt3A_80 = vector.broadcast %get3A_2 : i32 to vector<512x1xi32>
      %lt3A_81 = arith.cmpi slt, %add3A_78, %lt3A_80 : vector<512x1xi32>
      %and3A_82 = arith.andi %ge3A_79, %lt3A_81 : vector<512x1xi1>
      %get3A_83 = arith.constant 3584 : index
      %get3A_84 = arith.constant 0 : index
      %get3A_85 = vector.load %arg4[%get3A_83, %get3A_84] : memref<4096x1024xf32, #tpu.memory_space<vmem>>, vector<512x1024xf32>
      %jit3A = arith.constant 0.000000e+00 : f32
      %broadcast_in_dim3A = vector.shape_cast %and3A_82 : vector<512x1xi1> to vector<512x1xi1>
      %broadcast_in_dim3A_86 = vector.broadcast %broadcast_in_dim3A : vector<512x1xi1> to vector<512x1024xi1>
      %broadcast_in_dim3A_87 = vector.broadcast %jit3A : f32 to vector<512x1024xf32>
      %select_n3A = arith.select %broadcast_in_dim3A_86, %get3A_85, %broadcast_in_dim3A_87 : vector<512x1024xi1>, vector<512x1024xf32>
      %convert_element_type3A_88 = arith.truncf %select_n3A : vector<512x1024xf32> to vector<512x1024xbf16>
      %dot_general3A = arith.constant dense<0.000000e+00> : vector<512x512xf32>
      %dot_general3A_89 = tpu.matmul %convert_element_type3A_88, %get3A_7, %dot_general3A {dimension_numbers = #tpu.dot_dimension_numbers<[1], [0], [0], [1], [0, 0, 1, 1], [], []>, transpose_lhs_hint = false} : vector<512x1024xbf16>, vector<1024x512xbf16>, vector<512x512xf32> -> vector<512x512xf32>
      %dot_general3A_90 = arith.constant dense<0.000000e+00> : vector<512x512xf32>
      %dot_general3A_91 = tpu.matmul %convert_element_type3A_88, %get3A_12, %dot_general3A_90 {dimension_numbers = #tpu.dot_dimension_numbers<[1], [0], [0], [1], [0, 0, 1, 1], [], []>, transpose_lhs_hint = false} : vector<512x1024xbf16>, vector<1024x512xbf16>, vector<512x512xf32> -> vector<512x512xf32>
      %mul3A = arith.mulf %dot_general3A_89, %dot_general3A_91 : vector<512x512xf32>
      %neg3A = arith.constant 0.000000e+00 : f32
      %neg3A_92 = vector.broadcast %neg3A : f32 to vector<512x512xf32>
      %neg3A_93 = arith.subf %neg3A_92, %dot_general3A_89 : vector<512x512xf32>
      %exp3A = math.exp %neg3A_93 : vector<512x512xf32>
      %add3A_94 = arith.constant 1.000000e+00 : f32
      %add3A_95 = vector.broadcast %add3A_94 : f32 to vector<512x512xf32>
      %add3A_96 = arith.addf %add3A_95, %exp3A : vector<512x512xf32>
      %div3A = arith.divf %mul3A, %add3A_96 : vector<512x512xf32>
      %convert_element_type3A_97 = arith.truncf %div3A : vector<512x512xf32> to vector<512x512xbf16>
      %dot_general3A_98 = arith.constant dense<0.000000e+00> : vector<512x1024xf32>
      %dot_general3A_99 = tpu.matmul %convert_element_type3A_97, %get3A_17, %dot_general3A_98 {dimension_numbers = #tpu.dot_dimension_numbers<[1], [0], [0], [1], [0, 0, 1, 1], [], []>, transpose_lhs_hint = false} : vector<512x512xbf16>, vector<512x1024xbf16>, vector<512x1024xf32> -> vector<512x1024xf32>
      %eq3A = arith.constant 0 : i32
      %eq3A_100 = arith.cmpi eq, %arg1, %eq3A : i32
      %le3A = arith.constant 3584 : i32
      %le3A_101 = arith.cmpi sle, %get3A_0, %le3A : i32
      %and3A_102 = arith.andi %eq3A_100, %le3A_101 : i1
      %convert_element_type3A_103 = arith.extui %and3A_102 : i1 to i32
      %cond3A_104 = arith.constant 0 : i32
      %cond3A_105 = arith.cmpi ne, %convert_element_type3A_103, %cond3A_104 : i32
      scf.if %cond3A_105 {
        %swap3A = arith.constant 3584 : index
        %swap3A_110 = arith.constant 0 : index
        %swap3A_111 = vector.load %arg8[%swap3A, %swap3A_110] : memref<4096x1024xf32, #tpu.memory_space<vmem>>, vector<512x1024xf32>
        tpu.vector_store %arg8[%swap3A, %swap3A_110], %dot_general3A_99 {strides = array<i32>} : memref<4096x1024xf32, #tpu.memory_space<vmem>>, vector<512x1024xf32>,
      } else {
      }
      %not3A = arith.constant true
      %not3A_106 = arith.xori %and3A_102, %not3A : i1
      %convert_element_type3A_107 = arith.extui %not3A_106 : i1 to i32
      %cond3A_108 = arith.constant 0 : i32
      %cond3A_109 = arith.cmpi ne, %convert_element_type3A_107, %cond3A_108 : i32
      scf.if %cond3A_109 {
        %get3A_110 = arith.constant 3584 : index
        %get3A_111 = arith.constant 0 : index
        %get3A_112 = vector.load %arg8[%get3A_110, %get3A_111] : memref<4096x1024xf32, #tpu.memory_space<vmem>>, vector<512x1024xf32>
        %add3A_113 = arith.addf %get3A_112, %dot_general3A_99 : vector<512x1024xf32>
        %swap3A = arith.constant 3584 : index
        %swap3A_114 = arith.constant 0 : index
        %swap3A_115 = vector.load %arg8[%swap3A, %swap3A_114] : memref<4096x1024xf32, #tpu.memory_space<vmem>>, vector<512x1024xf32>
        tpu.vector_store %arg8[%swap3A, %swap3A_114], %add3A_113 {strides = array<i32>} : memref<4096x1024xf32, #tpu.memory_space<vmem>>, vector<512x1024xf32>,
      } else {
      }
    } else {
    }
    return
  }
  func.func @transform_0(%arg0: i32, %arg1: i32, %arg2: memref<8xi32, #tpu.memory_space<smem>>, %arg3: memref<8xi32, #tpu.memory_space<smem>>) -> (i32, i32) {
    %c0_i32 = arith.constant 0 : i32
    %c0_i32_0 = arith.constant 0 : i32
    %c0_i32_1 = arith.constant 0 : i32
    return %c0_i32, %c0_i32_0 : i32, i32
  }
  func.func @transform_1(%arg0: i32, %arg1: i32, %arg2: memref<8xi32, #tpu.memory_space<smem>>, %arg3: memref<8xi32, #tpu.memory_space<smem>>) -> (i32, i32, i32) {
    %c0_i32 = arith.constant 0 : i32
    %c0_i32_0 = arith.constant 0 : i32
    return %arg0, %c0_i32, %arg1 : i32, i32, i32
  }
  func.func @transform_2(%arg0: i32, %arg1: i32, %arg2: memref<8xi32, #tpu.memory_space<smem>>, %arg3: memref<8xi32, #tpu.memory_space<smem>>) -> (i32, i32, i32) {
    %c0_i32 = arith.constant 0 : i32
    %c0_i32_0 = arith.constant 0 : i32
    return %arg0, %c0_i32, %arg1 : i32, i32, i32
  }
  func.func @transform_3(%arg0: i32, %arg1: i32, %arg2: memref<8xi32, #tpu.memory_space<smem>>, %arg3: memref<8xi32, #tpu.memory_space<smem>>) -> (i32, i32, i32) {
    %c0_i32 = arith.constant 0 : i32
    %c0_i32_0 = arith.constant 0 : i32
    return %arg0, %arg1, %c0_i32 : i32, i32, i32
  }
  func.func @transform_4(%arg0: i32, %arg1: i32, %arg2: memref<8xi32, #tpu.memory_space<smem>>, %arg3: memref<8xi32, #tpu.memory_space<smem>>) -> (i32, i32) {
    %c0_i32 = arith.constant 0 : i32
    %c0_i32_0 = arith.constant 0 : i32
    %c0_i32_1 = arith.constant 0 : i32
    return %c0_i32, %c0_i32_0 : i32, i32
  }
}

module attributes {stable_mosaic.version = 14 : i64} {
  func.func @_combine_body(%arg0: i32, %arg1: memref<512x1024xf32, #tpu.memory_space<vmem>>, %arg2: memref<512x1xf32, #tpu.memory_space<vmem>>, %arg3: memref<512x1xf32, #tpu.memory_space<vmem>>, %arg4: memref<512x1024xf32, #tpu.memory_space<vmem>>, %arg5: memref<512x1024xf32, #tpu.memory_space<vmem>>, %arg6: memref<512x1024xf32, #tpu.memory_space<vmem>>) attributes {dimension_semantics = [#tpu.dimension_semantics<arbitrary>], iteration_bounds = array<i64: 4>, scalar_prefetch = 0 : i64, scratch_operands = 0 : i64, tpu.core_type = #tpu.core_type<tc>, window_params = [{transform_indices = @transform_0, window_bounds = array<i64: 512, 1024>}, {transform_indices = @transform_1, window_bounds = array<i64: 512, 1>}, {transform_indices = @transform_2, window_bounds = array<i64: 512, 1>}, {transform_indices = @transform_3, window_bounds = array<i64: 512, 1024>}, {transform_indices = @transform_4, window_bounds = array<i64: 512, 1024>}, {transform_indices = @transform_5, window_bounds = array<i64: 512, 1024>}]} {
    %get3A = arith.constant 0 : index
    %get3A_0 = arith.constant 0 : index
    %get3A_1 = vector.load %arg1[%get3A, %get3A_0] : memref<512x1024xf32, #tpu.memory_space<vmem>>, vector<512x1024xf32>
    %get3A_2 = arith.constant 0 : index
    %get3A_3 = arith.constant 0 : index
    %get3A_4 = vector.load %arg2[%get3A_2, %get3A_3] : memref<512x1xf32, #tpu.memory_space<vmem>>, vector<512x1xf32>
    %get3A_5 = arith.constant 0 : index
    %get3A_6 = arith.constant 0 : index
    %get3A_7 = vector.load %arg4[%get3A_5, %get3A_6] : memref<512x1024xf32, #tpu.memory_space<vmem>>, vector<512x1024xf32>
    %mul3A = vector.broadcast %get3A_4 : vector<512x1xf32> to vector<512x1024xf32>
    %mul3A_8 = arith.mulf %mul3A, %get3A_7 : vector<512x1024xf32>
    %add3A = arith.addf %get3A_1, %mul3A_8 : vector<512x1024xf32>
    %get3A_9 = arith.constant 0 : index
    %get3A_10 = arith.constant 0 : index
    %get3A_11 = vector.load %arg3[%get3A_9, %get3A_10] : memref<512x1xf32, #tpu.memory_space<vmem>>, vector<512x1xf32>
    %get3A_12 = arith.constant 0 : index
    %get3A_13 = arith.constant 0 : index
    %get3A_14 = vector.load %arg5[%get3A_12, %get3A_13] : memref<512x1024xf32, #tpu.memory_space<vmem>>, vector<512x1024xf32>
    %mul3A_15 = vector.broadcast %get3A_11 : vector<512x1xf32> to vector<512x1024xf32>
    %mul3A_16 = arith.mulf %mul3A_15, %get3A_14 : vector<512x1024xf32>
    %add3A_17 = arith.addf %add3A, %mul3A_16 : vector<512x1024xf32>
    %swap3A = arith.constant 0 : index
    %swap3A_18 = arith.constant 0 : index
    %swap3A_19 = vector.load %arg6[%swap3A, %swap3A_18] : memref<512x1024xf32, #tpu.memory_space<vmem>>, vector<512x1024xf32>
    tpu.vector_store %arg6[%swap3A, %swap3A_18], %add3A_17 {strides = array<i32>} : memref<512x1024xf32, #tpu.memory_space<vmem>>, vector<512x1024xf32>,
    return
  }
  func.func @transform_0(%arg0: i32) -> (i32, i32) {
    %c0_i32 = arith.constant 0 : i32
    %c0_i32_0 = arith.constant 0 : i32
    return %arg0, %c0_i32 : i32, i32
  }
  func.func @transform_1(%arg0: i32) -> (i32, i32) {
    %c0_i32 = arith.constant 0 : i32
    %c0_i32_0 = arith.constant 0 : i32
    return %arg0, %c0_i32 : i32, i32
  }
  func.func @transform_2(%arg0: i32) -> (i32, i32) {
    %c0_i32 = arith.constant 0 : i32
    %c0_i32_0 = arith.constant 0 : i32
    return %arg0, %c0_i32 : i32, i32
  }
  func.func @transform_3(%arg0: i32) -> (i32, i32) {
    %c0_i32 = arith.constant 0 : i32
    %c0_i32_0 = arith.constant 0 : i32
    return %arg0, %c0_i32 : i32, i32
  }
  func.func @transform_4(%arg0: i32) -> (i32, i32) {
    %c0_i32 = arith.constant 0 : i32
    %c0_i32_0 = arith.constant 0 : i32
    return %arg0, %c0_i32 : i32, i32
  }
  func.func @transform_5(%arg0: i32) -> (i32, i32) {
    %c0_i32 = arith.constant 0 : i32
    %c0_i32_0 = arith.constant 0 : i32
    return %arg0, %c0_i32 : i32, i32
  }
}

</mosaic_0001>

<sc_bundles>
// kernel: kernel.10.cloned.1.call-start
scs
__scs_entry_jumppad:
0x0: {  	(pc) =	sbr.rel $0x88, $3  }
0x1: {  	(tag) =	ssettag $0x0;
	lr =	simm.s32 $0x1  }
0x2: {  	[smem:$0x3F97] =	sst lr;
	_ =	strace $0xD0000000  }
0x3: {  	_ = 	snop  }
0x4: {  	_ = 	snop  }
0x5: {  	_ = 	snop  }
0x6: {  	_ = 	snop  }
0x7: {  	_ = 	snop  }
__scs_overlays_trampoline_lowered:
0x8: {  	[smem:$0x3FA6] =	sst s0  }
0x9: {  	[smem:$0x3FA7] =	sst s1  }
0xa: {  	[smem:$0x3FA8] =	sst s2  }
0xb: {  	[smem:$0x3FA9] =	sst s3  }
0xc: {  	[smem:$0x3FAA] =	sst s4  }
0xd: {  	[smem:$0x3FAB] =	sst s5  }
0xe: {  	[smem:$0x3FAC] =	sst s6  }
0xf: {  	[smem:$0x3FAD] =	sst s7  }
0x10: {  	[smem:$0x3FAE] =	sst s8  }
0x11: {  	[smem:$0x3FAF] =	sst s9;
	s0 =	simm.s32 @!p0 $0x0  }
0x12: {  	s1 =	sld [smem:$0x3F95];
	s0 =	simm.s32 @p0 $0x1  }
0x13: {  	[smem:$0x3FB0] =	sst s0;
	s0 =	simm.s32 @!p1 $0x0  }
0x14: {  	s2 =	sld [smem:$0x3F94];
	s0 =	simm.s32 @p1 $0x1  }
0x15: {  	[smem:$0x3FB1] =	sst s0;
	s0 =	simm.s32 @!p2 $0x0  }
0x16: {  	s3 =	sld [smem:$0x3FDB];
	s0 =	simm.s32 @p2 $0x1  }
0x17: {  	s4 =	simm.s32 $0x1BF5;
	[smem:$0x3FB3] =	sst s0  }
0x18: {  	s0 =	sld [smem:$0x3F96];
	_ =	swait.ge [sflag:s4], $0x0  }
0x19: {  	s7 =	sld [smem:$0x3F97]  }
0x1a: {  	s8 =	sadd.s32 $0xFFFFE003, lr  }
0x1b: {  	s9 =	sadd.s32 $0xFFFFFEF7, lr;
	s5 =	simm.s32 $0xFFFFFFFF;
	p2 =	slt.u32 s8, $0xFFFFF086  }
0x1c: {  	p1 =	slt.u32 s9, $0xF7A;
	s5 =	simm.s32 @!p2 $0x0  }
0x1d: {  	s5 =	simm.s32 @p1 $0x1;
	p0 =	seq.s32 s7, s2  }
0x1e: {  	s7 =	smul.u32 @!p0 $0xF7A, s2;
	p2 =	seq.s32 @!p0 s5, $0x0  }
0x1f: {  	s9 =	smul.u32 $0xF7A, s1;
	s8 =	simm.s32 @!p0 $0x1BF5;
	p2 =	por !p2, p0  }
0x20: {  	[sflag:s8] =	ssyncset.s32 @!p0 $0xFFFFF086;
	s6 =	sadd.s32 @!p0 s3, s7;
	s7 =	simm.s32 @!p0 $0x108  }
0x21: {  	s3 =	sadd.s32 s3, s9;
	s6 =	sadd.s32 @!p0 $0x88, s6;
	s7 =	simm.s32 @p2 $0x1082  }
0x22: {  	[simem:s7], [sflag:s8] =	dma.local @!p0 [hbm:s6], $0xF7A  }
0x23: {  	s9 =	sor.u32 $0xD0000000, s2;
	s6 =	simm.s32 $0x108;
	_ =	swait.ge @!p0 [sflag:s8], $0x0  }
0x24: {  	s3 =	sadd.s32 $0x88, s3;
	s6 =	simm.s32 @!p1 $0x1082;
	[sflag:s4] =	ssyncset.s32 $0xFFFFF086  }
0x25: {  	[simem:s6], [sflag:s4] =	dma.local [hbm:s3], $0xF7A  }
0x26: {  	[smem:$0x3F97] =	sst s1;
	(tag) =	ssettag s2;
	_ =	strace s9  }
0x27: {  	s1 =	sld [smem:$0x3FA7]  }
0x28: {  	s2 =	sld [smem:$0x3FA8]  }
0x29: {  	s4 =	sld [smem:$0x3FAA]  }
0x2a: {  	p0 =	seq.s32 s5, $0x0;
	s5 =	sld [smem:$0x3FAB]  }
0x2b: {  	s6 =	sld [smem:$0x3FAC]  }
0x2c: {  	s7 =	sld [smem:$0x3FAD]  }
0x2d: {  	s3 =	simm.s32 $0x108;
	s8 =	sld [smem:$0x3FAE]  }
0x2e: {  	s3 =	simm.s32 @!p0 $0x1082;
	s9 =	sld [smem:$0x3FAF]  }
0x2f: {  	lr =	sadd.s32 s0, s3;
	s0 =	sld [smem:$0x3FA6]  }
0x30: {  	s3 =	sld [smem:$0x3FA9]  }
0x31: {  	[smem:$0x3FB2] =	sst s10  }
0x32: {  	s10 =	sld [smem:$0x3FB0];
	_ =	sdelay $0x3  }
0x33: {  	p0 =	seq.s32 s10, $0x1;
	s10 =	sld [smem:$0x3FB2];
	_ =	sdelay $0x3  }
0x34: {  	[smem:$0x3FB2] =	sst s10  }
0x35: {  	s10 =	sld [smem:$0x3FB1];
	_ =	sdelay $0x3  }
0x36: {  	p1 =	seq.s32 s10, $0x1;
	s10 =	sld [smem:$0x3FB2];
	_ =	sdelay $0x3  }
0x37: {  	[smem:$0x3FB2] =	sst s10  }
0x38: {  	s10 =	sld [smem:$0x3FB3]  }
0x39: {  	_ = 	snop;
	(pc) =	sbr.ind lr, $3  }
0x3a: {  	_ = 	snop  }
0x3b: {  	_ = 	snop  }
0x3c: {  	p2 =	seq.s32 s10, $0x1;
	s10 =	sld [smem:$0x3FB2]  }
0x3d: {  	_ =	shalt  }
0x3e: {  	_ =	shalt  }
0x3f: {  	_ =	shalt  }
0x40: {  	_ =	shalt  }
0x41: {  	_ =	shalt  }
0x42: {  	_ =	shalt  }
0x43: {  	_ =	shalt  }
0x44: {  	_ =	shalt  }
0x45: {  	_ =	shalt  }
0x46: {  	_ =	shalt  }
0x47: {  	_ =	shalt  }
0x48: {  	_ =	shalt  }
0x49: {  	_ =	shalt  }
0x4a: {  	_ =	shalt  }
0x4b: {  	_ =	shalt  }
0x4c: {  	_ =	shalt  }
0x4d: {  	_ =	shalt  }
0x4e: {  	_ =	shalt  }
0x4f: {  	_ =	shalt  }
0x50: {  	_ =	shalt  }
0x51: {  	_ =	shalt  }
0x52: {  	_ =	shalt  }
0x53: {  	_ =	shalt  }
0x54: {  	_ =	shalt  }
0x55: {  	_ =	shalt  }
0x56: {  	_ =	shalt  }
0x57: {  	_ =	shalt  }
0x58: {  	_ =	shalt  }
0x59: {  	_ =	shalt  }
0x5a: {  	_ =	shalt  }
0x5b: {  	_ =	shalt  }
0x5c: {  	_ =	shalt  }
0x5d: {  	_ =	shalt  }
0x5e: {  	_ =	shalt  }
0x5f: {  	_ =	shalt  }
0x60: {  	_ =	shalt  }
0x61: {  	_ =	shalt  }
0x62: {  	_ =	shalt  }
0x63: {  	_ =	shalt  }
0x64: {  	_ =	shalt  }
0x65: {  	_ =	shalt  }
0x66: {  	_ =	shalt  }
0x67: {  	_ =	shalt  }
0x68: {  	_ =	shalt  }
0x69: {  	_ =	shalt  }
0x6a: {  	_ =	shalt  }
0x6b: {  	_ =	shalt  }
0x6c: {  	_ =	shalt  }
0x6d: {  	_ =	shalt  }
0x6e: {  	_ =	shalt  }
0x6f: {  	_ =	shalt  }
0x70: {  	_ =	shalt  }
0x71: {  	_ =	shalt  }
0x72: {  	_ =	shalt  }
0x73: {  	_ =	shalt  }
0x74: {  	_ =	shalt  }
0x75: {  	_ =	shalt  }
0x76: {  	_ =	shalt  }
0x77: {  	_ =	shalt  }
0x78: {  	_ =	shalt  }
0x79: {  	_ =	shalt  }
0x7a: {  	_ =	shalt  }
0x7b: {  	_ =	shalt  }
0x7c: {  	_ =	shalt  }
0x7d: {  	_ =	shalt  }
0x7e: {  	_ =	shalt  }
0x7f: {  	_ =	shalt  }
0x80: {  	_ =	shalt  }
0x81: {  	_ =	shalt  }
0x82: {  	_ =	shalt  }
0x83: {  	_ =	shalt  }
0x84: {  	_ =	shalt  }
0x85: {  	_ =	shalt  }
0x86: {  	_ =	shalt  }
0x87: {  	_ =	shalt  }
.Lfunc_end0:
.L_simem_size_0:
called_computation_lowered:
.L_overlay_start_0:
0x88: {  	s2 =	sld [smem:$0x3FD9]  }
0x89: {  	s3 =	sld [smem:$0x3FFE];
	_ =	sdelay $0x1  }
0x8a: {  	s1 =	srdreg.scid  }
0x8b: {  	s0 =	sand.u32 $0x1, s1  }
0x8c: {  	s16 =	sshll.u32 s0, $0xA;
	s2 =	sadd.s32 s3, s2  }
0x8d: {  	s2 =	sadd.s32 s2, s16  }
0x8e: {  	[smem:$0x3FBE] =	sst s2  }
0x8f: {  	_ = 	snop  }
0x90: {  	(tm) =	ssettm $0x1  }
0x91: {  	s17 =	sld [smem:$0x3FFB];
	_ =	sdelay $0x3  }
0x92: {  	_ =	strace s17  }
0x93: {  	s2 =	sld [smem:$0x3FFC];
	_ =	sdelay $0x3  }
0x94: {  	_ =	strace s2  }
0x95: {  	s2 =	sld [smem:$0x3FFD];
	_ =	sdelay $0x3  }
0x96: {  	_ =	strace s2  }
0x97: {  	_ =	strace $0x8FFFFFFF  }
0x98: {  	s18 =	sld [smem:$0x3FDB];
	_ =	sdelay $0x1  }
0x99: {  	s19 =	simm.s32 $_scs_section_size  }
0x9a: {  	s4 =	simm.s32 $_size__tile_overlayer_lowered;
	s5 =	simm.s32 $_tile_overlayer_lowered  }
0x9b: {  	s22 =	simm.s32 $0x1BFF;
	s21 =	sshll.u32 s5, $0x1;
	s2 =	sadd.s32 s19, s18  }
0x9c: {  	s6 =	simm.s32 $0x0;
	s20 =	sshll.u32 s4, $0x1;
	s4 =	sadd.s32 s21, s2  }
0x9d: {  	[timem:s6], [sflag:s22] =	dma.local [hbm:s4], s20  }
0x9e: {  	_ =	swait.ge [sflag:s22], s20  }
0x9f: {  	s3 =	ssub.s32 $0x0, s20;
	[sflag:s22] =	ssyncset.done $0x0  }
0xa0: {  	[sflag:s22] =	ssyncadd.s32 s3;
	_ =	sdelay $0x1  }
0xa1: {  	s23 =	simm.s32 $0x1B8B  }
0xa2: {  	_ =	swait.ge [sflag:s23], $0x1  }
0xa3: {  	[sflag:s23] =	ssyncset.done $0x0  }
0xa4: {  	s25 =	simm.s32 $0x1B8E;
	s24 =	sld [smem:$0x3FFE];
	[sflag:s23] =	ssyncadd.s32 $0xFFFFFFFF  }
0xa5: {  	s26 =	simm.s32 $execute0_lowered;
	[smem:$0x3FD2] =	sst s25  }
0xa6: {  	s4 =	sshll.u32 s26, $0x1;
	_ =	strace $0x80000046;
	[dreg:$0x1] =	wrdreg $0xFFFFFFFF  }
0xa7: {  	s28 =	simm.s32 $_size_execute0_lowered;
	s2 =	sadd.s32 s2, s4;
	[dreg:$0x0] =	wrdreg $0x0  }
0xa8: {  	s4 =	sshll.u32 s28, $0x1;
	[dreg:$0x2] =	wrdreg s2  }
0xa9: {  	[dreg:$0x3] =	wrdreg s4  }
0xaa: {  	[dreg:$0x4] =	wrdreg $0xC0  }
0xab: {  	_ =	task [dreg:s6], $0x5FFFF  }
0xac: {  	[dreg:$0x1] =	wrdreg $0xFFFFFFFF  }
0xad: {  	[dreg:$0x0] =	wrdreg $0x60  }
0xae: {  	[dreg:$0x2] =	wrdreg s24  }
0xaf: {  	[dreg:$0x3] =	wrdreg $0x9  }
0xb0: {  	_ =	task.clear_ibuf [dreg:s6], $0x4FFFF;
	_ =	strace $0x90000046  }
0xb1: {  	s29 =	simm.s32 $0x9;
	_ =	strace $0x80000048  }
0xb2: {  	_ =	swait.ge [sflag:s29], $0x1  }
0xb3: {  	[sflag:s29] =	ssyncadd.s32 $0xFFFFFFFF  }
0xb4: {  	_ =	strace $0x90000048  }
0xb5: {  	_ =	sfence  }
0xb6: {  	s30 =	sld [smem:$0x0];
	_ =	sdelay $0x2  }
0xb7: {  	s31 =	sshll.u32 s1, $0xD;
	s1 =	sshrl.u32 s1, $0x2  }
0xb8: {  	s3 =	sand.u32 $0x4000, s31;
	s1 =	sadd.s32 s1, s30  }
0xb9: {  	s0 =	sor.u32 s3, s0;
	s1 =	sshll.u32 s1, $0x11  }
0xba: {  	s0 =	sor.u32 s1, s0  }
0xbb: {  	s0 =	sadd.s32 $0x8F2B, s0  }
0xbc: {  	[sflag:s0] =	ssyncadd.remote.s32 $0x1  }
0xbd: {  	_ =	sfence.sel $0xFFFF  }
0xbe: {  	[dreg:$0x0] =	wrdreg $0xFFFFFFFF;
	(pc) =	sbr.abs _section_cstart, $3  }
0xbf: {  	[dreg:$0x1] =	wrdreg $0xFFFFFFFF  }
0xc0: {  	_ =	task.clear_ibuf [dreg:s6], $0x2FFFF;
	_ =	strace $0x9FFFFFFF  }
0xc1: {  	(tm) =	ssettm $0x7FFFFFFF  }
tec
execute0_lowered:
.L_overlay_start_1:
0x0: {  	(tag) =	ssettag $0x1  }
0x1: {  	s0 =	srdreg.scid;
	s2 =	stileid.u32  }
0x2: {  	s1 =	rddreg [dreg:$0x0];
	s25 =	simm.s32 $0x10000;
	s8 =	simm.s32 $0x2  }
0x3: {  	s26 =	simm.s32 $0x10080;
	s16 =	simm.s32 $0x1;
	s19 =	simm.s32 $0x1800  }
0x4: {  	s20 =	simm.s32 $0x2000;
	s21 =	simm.s32 $0x2800;
	s22 =	simm.s32 $0x3000  }
0x5: {  	s28 =	simm.s32 $0x5800;
	s29 =	simm.s32 $0x6000;
	s30 =	simm.s32 $0x6800  }
0x6: {  	s31 =	simm.s32 $0x7000;
	s9 =	simm.s32 $0x8800;
	s10 =	simm.s32 $0x9000  }
0x7: {  	s11 =	simm.s32 $0x9800;
	s12 =	simm.s32 $0xA000;
	s13 =	simm.s32 $0xA800  }
0x8: {  	s14 =	simm.s32 $0xB000;
	s15 =	simm.s32 $0xB800;
	s0 =	sand.u32 $0x1, s0  }
0x9: {  	s3 =	sshll.u32 s2, $0x7;
	s2 =	simm.s32 $0x0;
	s4 =	sshll.u32 s0, $0x6  }
0xa: {  	[smem:$0x7FF] =	sst s2;
	s0 =	ssub.s32 $0x2, s0;
	s3 =	sor.u32 s4, s3  }
0xb: {  	_ =	strace $0x80000047;
	s6 =	sshrl.u32 s0, $0x1;
	[dreg:$0x5] =	wrdreg s25  }
0xc: {  	[dreg:$0x6] =	wrdreg s26;
	s25 =	simm.s32 $0x4800;
	s4 =	sshll.u32 s3, $0x7  }
0xd: {  	s26 =	simm.s32 $0x5000;
	s3 =	sshrl.u32 s3, $0x3;
	s4 =	sadd.s32 s4, s1  }
0xe: {  	s0 =	ssub.s32 s0, s6;
	s5 =	sadd.s32 s3, s1;
	s4 =	sadd.s32 $0x2600, s4  }
0xf: {  	s6 =	sadd.s32 $0x52F00, s1;
	s23 =	sadd.s32 $0x52A00, s5;
	[dreg:$0x2] =	wrdreg s4  }
0x10: {  	v2 =	vlaneseq.u32;
	s3 =	sadd.s32 $0x52C00, s1;
	s24 =	sadd.s32 $0x52800, s5;
	[dreg:$0x3] =	wrdreg s23  }
0x11: {  	vm0 =	vmmov $0xffff;
	v1 =	vshrl.u32 v2, $0x3;
	s7 =	smax.u32 s0, $0x1;
	s5 =	sadd.s32 $0x52E00, s1;
	[dreg:$0x4] =	wrdreg s24  }
0x12: {  	v0 =	vand.u32 $0x7, v2;
	v2 =	vor.u32 $0x8, v2;
	v1 =	vmul.u32 $0x8, v1;
	s4 =	sadd.s32 $0x52D00, s1;
	s23 =	simm.s32 $0x3800;
	s24 =	simm.s32 $0x4000  }
.LBB2_1:
0x13: {  	s17 =	rddreg [dreg:$0x2]  }
0x14: {  	[tilespmem:s2], [sflag:$0x2] =	stream.linear.gather [hbm4b:s17+s2], $0x10000, $0x38;
	[tilespmem:$0x10100] =	vst v63  }
0x15: {  	_ =	swait.ge [sflag:s8], $0x10000  }
0x16: {  	s1 =	rddreg [dreg:$0x3];
	[sflag:s8] =	ssyncset.done $0x0  }
0x17: {  	s18 =	rddreg [dreg:$0x5];
	[sflag:s8] =	ssyncadd.s32 $0xFFFF0000  }
0x18: {  	[tilespmem:s18], [sflag:$0x2] =	stream.linear.gather [hbm4b:s1+s2], $0x40, $0x38;
	[tilespmem:$0x10100] =	vst v63  }
0x19: {  	_ =	swait.ge [sflag:s8], $0x40  }
0x1a: {  	s0 =	rddreg [dreg:$0x4];
	[sflag:s8] =	ssyncset.done $0x0  }
0x1b: {  	s1 =	rddreg [dreg:$0x6];
	[sflag:s8] =	ssyncadd.s32 $0xFFFFFFC0  }
0x1c: {  	[tilespmem:s1], [sflag:$0x2] =	stream.linear.gather [hbm4b:s0+s2], $0x40, $0x38;
	[tilespmem:$0x10100] =	vst v63  }
0x1d: {  	_ =	swait.ge [sflag:s8], $0x40  }
0x1e: {  	[sflag:s8] =	ssyncset.done $0x0  }
0x1f: {  	[sflag:s8] =	ssyncadd.s32 $0xFFFFFFC0  }
0x20: {  	v3 =	vld [tilespmem:$0x10000];
	_ =	sdelay $0x4  }
0x21: {  	v4 =	vshll.u32 v3, $0x3  }
0x22: {  	v3 =	vand.u32 $0x7, v3;
	v4 =	vand.u32 $0xFFFFFFC0, v4  }
0x23: {  	v3 =	vor.u32 v3, v4  }
0x24: {  	v4 =	vperm.xlane v3, v0;
	_ =	sdelay $0x1  }
0x25: {  	v4 =	vadd.s32 v1, v4;
	_ =	sdelay $0x4  }
0x26: {  	[hbm4b:s3+s2] =	stream.indirect_vreg.scatter [tilespmem:s2], [sflag:$0x1], $0x80, v4, vm0, $0xb8;
	[tilespmem:$0x10100] =	vst v63  }
0x27: {  	s17 =	simm.s32 $0x800;
	v3 =	vperm.xlane v3, v2  }
0x28: {  	[hbm4b:s4+s2] =	stream.indirect_vreg.scatter [tilespmem:s17], [sflag:$0x1], $0x80, v4, vm0, $0xb8;
	[tilespmem:$0x10100] =	vst v63  }
0x29: {  	s18 =	simm.s32 $0x1000;
	v3 =	vadd.s32 v1, v3  }
0x2a: {  	[hbm4b:s5+s2] =	stream.indirect_vreg.scatter [tilespmem:s18], [sflag:$0x1], $0x80, v4, vm0, $0xb8;
	[tilespmem:$0x10100] =	vst v63  }
0x2b: {  	_ = 	snop  }
0x2c: {  	[hbm4b:s6+s2] =	stream.indirect_vreg.scatter [tilespmem:s19], [sflag:$0x1], $0x80, v4, vm0, $0xb8;
	[tilespmem:$0x10100] =	vst v63  }
0x2d: {  	_ = 	snop  }
0x2e: {  	[hbm4b:s3+s2] =	stream.indirect_vreg.scatter [tilespmem:s20], [sflag:$0x1], $0x80, v3, vm0, $0xb8;
	[tilespmem:$0x10100] =	vst v63  }
0x2f: {  	_ = 	snop  }
0x30: {  	[hbm4b:s4+s2] =	stream.indirect_vreg.scatter [tilespmem:s21], [sflag:$0x1], $0x80, v3, vm0, $0xb8;
	[tilespmem:$0x10100] =	vst v63  }
0x31: {  	_ = 	snop  }
0x32: {  	[hbm4b:s5+s2] =	stream.indirect_vreg.scatter [tilespmem:s22], [sflag:$0x1], $0x80, v3, vm0, $0xb8;
	[tilespmem:$0x10100] =	vst v63  }
0x33: {  	_ = 	snop  }
0x34: {  	[hbm4b:s6+s2] =	stream.indirect_vreg.scatter [tilespmem:s23], [sflag:$0x1], $0x80, v3, vm0, $0xb8;
	[tilespmem:$0x10100] =	vst v63  }
0x35: {  	v3 =	vld [tilespmem:$0x10010];
	_ =	sdelay $0x4  }
0x36: {  	v57 =	vshll.u32 v3, $0x3  }
0x37: {  	v3 =	vand.u32 $0x7, v3;
	v4 =	vand.u32 $0xFFFFFFC0, v57  }
0x38: {  	v3 =	vor.u32 v3, v4  }
0x39: {  	v4 =	vperm.xlane v3, v0;
	_ =	sdelay $0x1  }
0x3a: {  	v4 =	vadd.s32 v1, v4;
	_ =	sdelay $0x4  }
0x3b: {  	[hbm4b:s3+s2] =	stream.indirect_vreg.scatter [tilespmem:s24], [sflag:$0x1], $0x80, v4, vm0, $0xb8;
	[tilespmem:$0x10100] =	vst v63  }
0x3c: {  	v3 =	vperm.xlane v3, v2  }
0x3d: {  	[hbm4b:s4+s2] =	stream.indirect_vreg.scatter [tilespmem:s25], [sflag:$0x1], $0x80, v4, vm0, $0xb8;
	[tilespmem:$0x10100] =	vst v63  }
0x3e: {  	v3 =	vadd.s32 v1, v3  }
0x3f: {  	[hbm4b:s5+s2] =	stream.indirect_vreg.scatter [tilespmem:s26], [sflag:$0x1], $0x80, v4, vm0, $0xb8;
	[tilespmem:$0x10100] =	vst v63  }
0x40: {  	_ = 	snop  }
0x41: {  	[hbm4b:s6+s2] =	stream.indirect_vreg.scatter [tilespmem:s28], [sflag:$0x1], $0x80, v4, vm0, $0xb8;
	[tilespmem:$0x10100] =	vst v63  }
0x42: {  	_ = 	snop  }
0x43: {  	[hbm4b:s3+s2] =	stream.indirect_vreg.scatter [tilespmem:s29], [sflag:$0x1], $0x80, v3, vm0, $0xb8;
	[tilespmem:$0x10100] =	vst v63  }
0x44: {  	_ = 	snop  }
0x45: {  	[hbm4b:s4+s2] =	stream.indirect_vreg.scatter [tilespmem:s30], [sflag:$0x1], $0x80, v3, vm0, $0xb8;
	[tilespmem:$0x10100] =	vst v63  }
0x46: {  	_ = 	snop  }
0x47: {  	[hbm4b:s5+s2] =	stream.indirect_vreg.scatter [tilespmem:s31], [sflag:$0x1], $0x80, v3, vm0, $0xb8;
	[tilespmem:$0x10100] =	vst v63  }
0x48: {  	s1 =	simm.s32 $0x7800  }
0x49: {  	[hbm4b:s6+s2] =	stream.indirect_vreg.scatter [tilespmem:s1], [sflag:$0x1], $0x80, v3, vm0, $0xb8;
	[tilespmem:$0x10100] =	vst v63  }
0x4a: {  	v3 =	vld [tilespmem:$0x10020];
	_ =	sdelay $0x4  }
0x4b: {  	v58 =	vshll.u32 v3, $0x3  }
0x4c: {  	v3 =	vand.u32 $0x7, v3;
	v4 =	vand.u32 $0xFFFFFFC0, v58  }
0x4d: {  	v3 =	vor.u32 v3, v4  }
0x4e: {  	v4 =	vperm.xlane v3, v0;
	_ =	sdelay $0x1  }
0x4f: {  	v4 =	vadd.s32 v1, v4;
	_ =	sdelay $0x3  }
0x50: {  	s0 =	simm.s32 $0x8000  }
0x51: {  	[hbm4b:s3+s2] =	stream.indirect_vreg.scatter [tilespmem:s0], [sflag:$0x1], $0x80, v4, vm0, $0xb8;
	[tilespmem:$0x10100] =	vst v63  }
0x52: {  	v3 =	vperm.xlane v3, v2  }
0x53: {  	[hbm4b:s4+s2] =	stream.indirect_vreg.scatter [tilespmem:s9], [sflag:$0x1], $0x80, v4, vm0, $0xb8;
	[tilespmem:$0x10100] =	vst v63  }
0x54: {  	v3 =	vadd.s32 v1, v3  }
0x55: {  	[hbm4b:s5+s2] =	stream.indirect_vreg.scatter [tilespmem:s10], [sflag:$0x1], $0x80, v4, vm0, $0xb8;
	[tilespmem:$0x10100] =	vst v63  }
0x56: {  	_ = 	snop  }
0x57: {  	[hbm4b:s6+s2] =	stream.indirect_vreg.scatter [tilespmem:s11], [sflag:$0x1], $0x80, v4, vm0, $0xb8;
	[tilespmem:$0x10100] =	vst v63  }
0x58: {  	_ = 	snop  }
0x59: {  	[hbm4b:s3+s2] =	stream.indirect_vreg.scatter [tilespmem:s12], [sflag:$0x1], $0x80, v3, vm0, $0xb8;
	[tilespmem:$0x10100] =	vst v63  }
0x5a: {  	_ = 	snop  }
0x5b: {  	[hbm4b:s4+s2] =	stream.indirect_vreg.scatter [tilespmem:s13], [sflag:$0x1], $0x80, v3, vm0, $0xb8;
	[tilespmem:$0x10100] =	vst v63  }
0x5c: {  	_ = 	snop  }
0x5d: {  	[hbm4b:s5+s2] =	stream.indirect_vreg.scatter [tilespmem:s14], [sflag:$0x1], $0x80, v3, vm0, $0xb8;
	[tilespmem:$0x10100] =	vst v63  }
0x5e: {  	_ = 	snop  }
0x5f: {  	[hbm4b:s6+s2] =	stream.indirect_vreg.scatter [tilespmem:s15], [sflag:$0x1], $0x80, v3, vm0, $0xb8;
	[tilespmem:$0x10100] =	vst v63  }
0x60: {  	v3 =	vld [tilespmem:$0x10030];
	_ =	sdelay $0x4  }
0x61: {  	v59 =	vshll.u32 v3, $0x3  }
0x62: {  	v3 =	vand.u32 $0x7, v3;
	v4 =	vand.u32 $0xFFFFFFC0, v59  }
0x63: {  	v3 =	vor.u32 v3, v4  }
0x64: {  	v4 =	vperm.xlane v3, v0;
	_ =	sdelay $0x1  }
0x65: {  	v4 =	vadd.s32 v1, v4;
	_ =	sdelay $0x3  }
0x66: {  	s0 =	simm.s32 $0xC000  }
0x67: {  	[hbm4b:s3+s2] =	stream.indirect_vreg.scatter [tilespmem:s0], [sflag:$0x1], $0x80, v4, vm0, $0xb8;
	[tilespmem:$0x10100] =	vst v63  }
0x68: {  	v3 =	vperm.xlane v3, v2;
	s0 =	simm.s32 $0xC800  }
0x69: {  	[hbm4b:s4+s2] =	stream.indirect_vreg.scatter [tilespmem:s0], [sflag:$0x1], $0x80, v4, vm0, $0xb8;
	[tilespmem:$0x10100] =	vst v63  }
0x6a: {  	v3 =	vadd.s32 v1, v3;
	s0 =	simm.s32 $0xD000  }
0x6b: {  	[hbm4b:s5+s2] =	stream.indirect_vreg.scatter [tilespmem:s0], [sflag:$0x1], $0x80, v4, vm0, $0xb8;
	[tilespmem:$0x10100] =	vst v63  }
0x6c: {  	s0 =	simm.s32 $0xD800  }
0x6d: {  	[hbm4b:s6+s2] =	stream.indirect_vreg.scatter [tilespmem:s0], [sflag:$0x1], $0x80, v4, vm0, $0xb8;
	[tilespmem:$0x10100] =	vst v63  }
0x6e: {  	s0 =	simm.s32 $0xE000  }
0x6f: {  	[hbm4b:s3+s2] =	stream.indirect_vreg.scatter [tilespmem:s0], [sflag:$0x1], $0x80, v3, vm0, $0xb8;
	[tilespmem:$0x10100] =	vst v63  }
0x70: {  	s0 =	simm.s32 $0xE800  }
0x71: {  	[hbm4b:s4+s2] =	stream.indirect_vreg.scatter [tilespmem:s0], [sflag:$0x1], $0x80, v3, vm0, $0xb8;
	[tilespmem:$0x10100] =	vst v63  }
0x72: {  	s0 =	simm.s32 $0xF000  }
0x73: {  	[hbm4b:s5+s2] =	stream.indirect_vreg.scatter [tilespmem:s0], [sflag:$0x1], $0x80, v3, vm0, $0xb8;
	[tilespmem:$0x10100] =	vst v63  }
0x74: {  	s0 =	simm.s32 $0xF800  }
0x75: {  	[hbm4b:s6+s2] =	stream.indirect_vreg.scatter [tilespmem:s0], [sflag:$0x1], $0x80, v3, vm0, $0xb8;
	[tilespmem:$0x10100] =	vst v63  }
0x76: {  	_ =	swait.ge [sflag:s16], $0x10000  }
0x77: {  	[sflag:s16] =	ssyncset.done $0x0  }
0x78: {  	[sflag:s16] =	ssyncadd.s32 $0xFFFF0000  }
0x79: {  	v3 =	vld [tilespmem:$0x10080];
	_ =	sdelay $0x4  }
0x7a: {  	v60 =	vshll.u32 v3, $0x3  }
0x7b: {  	v3 =	vand.u32 $0x7, v3;
	v4 =	vand.u32 $0xFFFFFFC0, v60  }
0x7c: {  	v3 =	vor.u32 v3, v4  }
0x7d: {  	v4 =	vperm.xlane v3, v0;
	_ =	sdelay $0x1  }
0x7e: {  	v4 =	vadd.s32 v1, v4;
	_ =	sdelay $0x4  }
0x7f: {  	[hbm4b:s3+s2] =	stream.indirect_vreg.scatter [tilespmem:s2], [sflag:$0x1], $0x80, v4, vm0, $0xb8;
	[tilespmem:$0x10100] =	vst v63  }
0x80: {  	v3 =	vperm.xlane v3, v2  }
0x81: {  	[hbm4b:s4+s2] =	stream.indirect_vreg.scatter [tilespmem:s17], [sflag:$0x1], $0x80, v4, vm0, $0xb8;
	[tilespmem:$0x10100] =	vst v63  }
0x82: {  	v3 =	vadd.s32 v1, v3  }
0x83: {  	[hbm4b:s5+s2] =	stream.indirect_vreg.scatter [tilespmem:s18], [sflag:$0x1], $0x80, v4, vm0, $0xb8;
	[tilespmem:$0x10100] =	vst v63  }
0x84: {  	_ = 	snop  }
0x85: {  	[hbm4b:s6+s2] =	stream.indirect_vreg.scatter [tilespmem:s19], [sflag:$0x1], $0x80, v4, vm0, $0xb8;
	[tilespmem:$0x10100] =	vst v63  }
0x86: {  	_ = 	snop  }
0x87: {  	[hbm4b:s3+s2] =	stream.indirect_vreg.scatter [tilespmem:s20], [sflag:$0x1], $0x80, v3, vm0, $0xb8;
	[tilespmem:$0x10100] =	vst v63  }
0x88: {  	_ = 	snop  }
0x89: {  	[hbm4b:s4+s2] =	stream.indirect_vreg.scatter [tilespmem:s21], [sflag:$0x1], $0x80, v3, vm0, $0xb8;
	[tilespmem:$0x10100] =	vst v63  }
0x8a: {  	_ = 	snop  }
0x8b: {  	[hbm4b:s5+s2] =	stream.indirect_vreg.scatter [tilespmem:s22], [sflag:$0x1], $0x80, v3, vm0, $0xb8;
	[tilespmem:$0x10100] =	vst v63  }
0x8c: {  	_ = 	snop  }
0x8d: {  	[hbm4b:s6+s2] =	stream.indirect_vreg.scatter [tilespmem:s23], [sflag:$0x1], $0x80, v3, vm0, $0xb8;
	[tilespmem:$0x10100] =	vst v63  }
0x8e: {  	v3 =	vld [tilespmem:$0x10090];
	_ =	sdelay $0x4  }
0x8f: {  	v61 =	vshll.u32 v3, $0x3  }
0x90: {  	v3 =	vand.u32 $0x7, v3;
	v4 =	vand.u32 $0xFFFFFFC0, v61  }
0x91: {  	v3 =	vor.u32 v3, v4  }
0x92: {  	v4 =	vperm.xlane v3, v0;
	_ =	sdelay $0x1  }
0x93: {  	v4 =	vadd.s32 v1, v4;
	_ =	sdelay $0x4  }
0x94: {  	[hbm4b:s3+s2] =	stream.indirect_vreg.scatter [tilespmem:s24], [sflag:$0x1], $0x80, v4, vm0, $0xb8;
	[tilespmem:$0x10100] =	vst v63  }
0x95: {  	v3 =	vperm.xlane v3, v2  }
0x96: {  	[hbm4b:s4+s2] =	stream.indirect_vreg.scatter [tilespmem:s25], [sflag:$0x1], $0x80, v4, vm0, $0xb8;
	[tilespmem:$0x10100] =	vst v63  }
0x97: {  	v3 =	vadd.s32 v1, v3  }
0x98: {  	[hbm4b:s5+s2] =	stream.indirect_vreg.scatter [tilespmem:s26], [sflag:$0x1], $0x80, v4, vm0, $0xb8;
	[tilespmem:$0x10100] =	vst v63  }
0x99: {  	_ = 	snop  }
0x9a: {  	[hbm4b:s6+s2] =	stream.indirect_vreg.scatter [tilespmem:s28], [sflag:$0x1], $0x80, v4, vm0, $0xb8;
	[tilespmem:$0x10100] =	vst v63  }
0x9b: {  	_ = 	snop  }
0x9c: {  	[hbm4b:s3+s2] =	stream.indirect_vreg.scatter [tilespmem:s29], [sflag:$0x1], $0x80, v3, vm0, $0xb8;
	[tilespmem:$0x10100] =	vst v63  }
0x9d: {  	_ = 	snop  }
0x9e: {  	[hbm4b:s4+s2] =	stream.indirect_vreg.scatter [tilespmem:s30], [sflag:$0x1], $0x80, v3, vm0, $0xb8;
	[tilespmem:$0x10100] =	vst v63  }
0x9f: {  	_ = 	snop  }
0xa0: {  	[hbm4b:s5+s2] =	stream.indirect_vreg.scatter [tilespmem:s31], [sflag:$0x1], $0x80, v3, vm0, $0xb8;
	[tilespmem:$0x10100] =	vst v63  }
0xa1: {  	_ = 	snop  }
0xa2: {  	[hbm4b:s6+s2] =	stream.indirect_vreg.scatter [tilespmem:s1], [sflag:$0x1], $0x80, v3, vm0, $0xb8;
	[tilespmem:$0x10100] =	vst v63  }
0xa3: {  	v3 =	vld [tilespmem:$0x100A0];
	_ =	sdelay $0x4  }
0xa4: {  	v62 =	vshll.u32 v3, $0x3  }
0xa5: {  	v3 =	vand.u32 $0x7, v3;
	v4 =	vand.u32 $0xFFFFFFC0, v62  }
0xa6: {  	v3 =	vor.u32 v3, v4  }
0xa7: {  	v4 =	vperm.xlane v3, v0;
	_ =	sdelay $0x1  }
0xa8: {  	v4 =	vadd.s32 v1, v4;
	_ =	sdelay $0x3  }
0xa9: {  	s17 =	simm.s32 $0x8000  }
0xaa: {  	[hbm4b:s3+s2] =	stream.indirect_vreg.scatter [tilespmem:s17], [sflag:$0x1], $0x80, v4, vm0, $0xb8;
	[tilespmem:$0x10100] =	vst v63  }
0xab: {  	v3 =	vperm.xlane v3, v2  }
0xac: {  	[hbm4b:s4+s2] =	stream.indirect_vreg.scatter [tilespmem:s9], [sflag:$0x1], $0x80, v4, vm0, $0xb8;
	[tilespmem:$0x10100] =	vst v63  }
0xad: {  	v3 =	vadd.s32 v1, v3  }
0xae: {  	[hbm4b:s5+s2] =	stream.indirect_vreg.scatter [tilespmem:s10], [sflag:$0x1], $0x80, v4, vm0, $0xb8;
	[tilespmem:$0x10100] =	vst v63  }
0xaf: {  	_ = 	snop  }
0xb0: {  	[hbm4b:s6+s2] =	stream.indirect_vreg.scatter [tilespmem:s11], [sflag:$0x1], $0x80, v4, vm0, $0xb8;
	[tilespmem:$0x10100] =	vst v63  }
0xb1: {  	_ = 	snop  }
0xb2: {  	[hbm4b:s3+s2] =	stream.indirect_vreg.scatter [tilespmem:s12], [sflag:$0x1], $0x80, v3, vm0, $0xb8;
	[tilespmem:$0x10100] =	vst v63  }
0xb3: {  	_ = 	snop  }
0xb4: {  	[hbm4b:s4+s2] =	stream.indirect_vreg.scatter [tilespmem:s13], [sflag:$0x1], $0x80, v3, vm0, $0xb8;
	[tilespmem:$0x10100] =	vst v63  }
0xb5: {  	_ = 	snop  }
0xb6: {  	[hbm4b:s5+s2] =	stream.indirect_vreg.scatter [tilespmem:s14], [sflag:$0x1], $0x80, v3, vm0, $0xb8;
	[tilespmem:$0x10100] =	vst v63  }
0xb7: {  	_ = 	snop  }
0xb8: {  	[hbm4b:s6+s2] =	stream.indirect_vreg.scatter [tilespmem:s15], [sflag:$0x1], $0x80, v3, vm0, $0xb8;
	[tilespmem:$0x10100] =	vst v63  }
0xb9: {  	v3 =	vld [tilespmem:$0x100B0];
	_ =	sdelay $0x4  }
0xba: {  	v63 =	vshll.u32 v3, $0x3  }
0xbb: {  	v3 =	vand.u32 $0x7, v3;
	v4 =	vand.u32 $0xFFFFFFC0, v63  }
0xbc: {  	v3 =	vor.u32 v3, v4  }
0xbd: {  	v4 =	vperm.xlane v3, v0;
	_ =	sdelay $0x1  }
0xbe: {  	v4 =	vadd.s32 v1, v4;
	_ =	sdelay $0x3  }
0xbf: {  	s18 =	simm.s32 $0xC000  }
0xc0: {  	[hbm4b:s3+s2] =	stream.indirect_vreg.scatter [tilespmem:s18], [sflag:$0x1], $0x80, v4, vm0, $0xb8;
	[tilespmem:$0x10100] =	vst v63  }
0xc1: {  	s17 =	simm.s32 $0xC800;
	v3 =	vperm.xlane v3, v2  }
0xc2: {  	[hbm4b:s4+s2] =	stream.indirect_vreg.scatter [tilespmem:s17], [sflag:$0x1], $0x80, v4, vm0, $0xb8;
	[tilespmem:$0x10100] =	vst v63  }
0xc3: {  	v3 =	vadd.s32 v1, v3;
	s18 =	simm.s32 $0xD000  }
0xc4: {  	[hbm4b:s5+s2] =	stream.indirect_vreg.scatter [tilespmem:s18], [sflag:$0x1], $0x80, v4, vm0, $0xb8;
	[tilespmem:$0x10100] =	vst v63  }
0xc5: {  	s17 =	simm.s32 $0xD800  }
0xc6: {  	[hbm4b:s6+s2] =	stream.indirect_vreg.scatter [tilespmem:s17], [sflag:$0x1], $0x80, v4, vm0, $0xb8;
	[tilespmem:$0x10100] =	vst v63  }
0xc7: {  	s18 =	simm.s32 $0xE000  }
0xc8: {  	[hbm4b:s3+s2] =	stream.indirect_vreg.scatter [tilespmem:s18], [sflag:$0x1], $0x80, v3, vm0, $0xb8;
	[tilespmem:$0x10100] =	vst v63  }
0xc9: {  	s17 =	simm.s32 $0xE800  }
0xca: {  	[hbm4b:s4+s2] =	stream.indirect_vreg.scatter [tilespmem:s17], [sflag:$0x1], $0x80, v3, vm0, $0xb8;
	[tilespmem:$0x10100] =	vst v63  }
0xcb: {  	p0 =	sne.s32 s7, $0x1;
	s18 =	simm.s32 $0xF000  }
0xcc: {  	[hbm4b:s5+s2] =	stream.indirect_vreg.scatter [tilespmem:s18], [sflag:$0x1], $0x80, v3, vm0, $0xb8;
	[tilespmem:$0x10100] =	vst v63  }
.Ltmp0:
0xcd: {  	_ = 	snop;
	(pc) =	sbr.rel @p0 .LBB2_1-.Ltmp0, $4  }
0xce: {  	[hbm4b:s6+s2] =	stream.indirect_vreg.scatter [tilespmem:s0], [sflag:$0x1], $0x80, v3, vm0, $0xb8;
	[tilespmem:$0x10100] =	vst v63  }
0xcf: {  	_ =	swait.ge [sflag:s16], $0x10000  }
0xd0: {  	[sflag:s16] =	ssyncset.done $0x0  }
0xd1: {  	s7 =	sadd.s32 $0xFFFFFFFF, s7;
	[sflag:s16] =	ssyncadd.s32 $0xFFFF0000  }
0xd2: {  	_ =	sfence.sel $0x180000  }
0xd3: {  	[bflag:$0x0] =	sbarrier.arrive $0xFFFF  }
0xd4: {  	_ =	strace $0x90000047  }
0xd5: {  	s0 =	stileid.u32;
	[bflag:$0x2] =	sbarrier.arrive $0xFFFF  }
0xd6: {  	p0 =	sne.s32 s0, $0x0;
	s0 =	rddreg [dreg:$0x1]  }
0xd7: {  	s0 =	sadd.s32 @!p0 $0x100000, s0  }
0xd8: {  	[sflag:s0] =	ssyncadd.tile.s32 @!p0 $0x1;
	_ =	shalt  }
.Lfunc_end2:
_tile_overlayer_lowered:
.L_overlay_start_2:
0xd9: {  	(tag) =	ssettag $0x2  }
0xda: {  	s0 =	rddreg [dreg:$0x0];
	s2 =	stileid.u32  }
0xdb: {  	s1 =	rddreg [dreg:$0x1];
	p0 =	sne.s32 s2, $0x0  }
0xdc: {  	s3 =	rddreg [dreg:$0x2];
	[bflag:$0x3] =	sbarrier.arrive $0xFFFF;
	s2 =	simm.s32 @!p0 $0x1C02  }
0xdd: {  	[timem:s3], [sflag:s2] =	dma.local @!p0 [hbm:s0], s1  }
0xde: {  	s0 =	simm.s32 @!p0 $0x2  }
0xdf: {  	_ =	swait.ge @!p0 [sflag:s0], s1  }
0xe0: {  	s1 =	ssub.s32 @!p0 $0x0, s1;
	[sflag:s0] =	ssyncset.done @!p0 $0x0  }
0xe1: {  	[sflag:s0] =	ssyncadd.s32 @!p0 s1  }
0xe2: {  	[bflag:$0x3] =	sbarrier.arrive $0xFFFF  }
0xe3: {  	_ =	shalt  }

// kernel: kernel.13.cloned.1.call-start
scs
__scs_entry_jumppad:
0x0: {  	(pc) =	sbr.rel $0x88, $3  }
0x1: {  	(tag) =	ssettag $0x0;
	lr =	simm.s32 $0x1  }
0x2: {  	[smem:$0x3F97] =	sst lr;
	_ =	strace $0xD0000000  }
0x3: {  	_ = 	snop  }
0x4: {  	_ = 	snop  }
0x5: {  	_ = 	snop  }
0x6: {  	_ = 	snop  }
0x7: {  	_ = 	snop  }
__scs_overlays_trampoline_lowered:
0x8: {  	[smem:$0x3FA6] =	sst s0  }
0x9: {  	[smem:$0x3FA7] =	sst s1  }
0xa: {  	[smem:$0x3FA8] =	sst s2  }
0xb: {  	[smem:$0x3FA9] =	sst s3  }
0xc: {  	[smem:$0x3FAA] =	sst s4  }
0xd: {  	[smem:$0x3FAB] =	sst s5  }
0xe: {  	[smem:$0x3FAC] =	sst s6  }
0xf: {  	[smem:$0x3FAD] =	sst s7  }
0x10: {  	[smem:$0x3FAE] =	sst s8  }
0x11: {  	[smem:$0x3FAF] =	sst s9;
	s0 =	simm.s32 @!p0 $0x0  }
0x12: {  	s1 =	sld [smem:$0x3F95];
	s0 =	simm.s32 @p0 $0x1  }
0x13: {  	[smem:$0x3FB0] =	sst s0;
	s0 =	simm.s32 @!p1 $0x0  }
0x14: {  	s2 =	sld [smem:$0x3F94];
	s0 =	simm.s32 @p1 $0x1  }
0x15: {  	[smem:$0x3FB1] =	sst s0;
	s0 =	simm.s32 @!p2 $0x0  }
0x16: {  	s3 =	sld [smem:$0x3FDB];
	s0 =	simm.s32 @p2 $0x1  }
0x17: {  	s4 =	simm.s32 $0x1BF5;
	[smem:$0x3FB3] =	sst s0  }
0x18: {  	s0 =	sld [smem:$0x3F96];
	_ =	swait.ge [sflag:s4], $0x0  }
0x19: {  	s7 =	sld [smem:$0x3F97]  }
0x1a: {  	s8 =	sadd.s32 $0xFFFFE003, lr  }
0x1b: {  	s9 =	sadd.s32 $0xFFFFFEF7, lr;
	s5 =	simm.s32 $0xFFFFFFFF;
	p2 =	slt.u32 s8, $0xFFFFF086  }
0x1c: {  	p1 =	slt.u32 s9, $0xF7A;
	s5 =	simm.s32 @!p2 $0x0  }
0x1d: {  	s5 =	simm.s32 @p1 $0x1;
	p0 =	seq.s32 s7, s2  }
0x1e: {  	s7 =	smul.u32 @!p0 $0xF7A, s2;
	p2 =	seq.s32 @!p0 s5, $0x0  }
0x1f: {  	s9 =	smul.u32 $0xF7A, s1;
	s8 =	simm.s32 @!p0 $0x1BF5;
	p2 =	por !p2, p0  }
0x20: {  	[sflag:s8] =	ssyncset.s32 @!p0 $0xFFFFF086;
	s6 =	sadd.s32 @!p0 s3, s7;
	s7 =	simm.s32 @!p0 $0x108  }
0x21: {  	s3 =	sadd.s32 s3, s9;
	s6 =	sadd.s32 @!p0 $0x88, s6;
	s7 =	simm.s32 @p2 $0x1082  }
0x22: {  	[simem:s7], [sflag:s8] =	dma.local @!p0 [hbm:s6], $0xF7A  }
0x23: {  	s9 =	sor.u32 $0xD0000000, s2;
	s6 =	simm.s32 $0x108;
	_ =	swait.ge @!p0 [sflag:s8], $0x0  }
0x24: {  	s3 =	sadd.s32 $0x88, s3;
	s6 =	simm.s32 @!p1 $0x1082;
	[sflag:s4] =	ssyncset.s32 $0xFFFFF086  }
0x25: {  	[simem:s6], [sflag:s4] =	dma.local [hbm:s3], $0xF7A  }
0x26: {  	[smem:$0x3F97] =	sst s1;
	(tag) =	ssettag s2;
	_ =	strace s9  }
0x27: {  	s1 =	sld [smem:$0x3FA7]  }
0x28: {  	s2 =	sld [smem:$0x3FA8]  }
0x29: {  	s4 =	sld [smem:$0x3FAA]  }
0x2a: {  	p0 =	seq.s32 s5, $0x0;
	s5 =	sld [smem:$0x3FAB]  }
0x2b: {  	s6 =	sld [smem:$0x3FAC]  }
0x2c: {  	s7 =	sld [smem:$0x3FAD]  }
0x2d: {  	s3 =	simm.s32 $0x108;
	s8 =	sld [smem:$0x3FAE]  }
0x2e: {  	s3 =	simm.s32 @!p0 $0x1082;
	s9 =	sld [smem:$0x3FAF]  }
0x2f: {  	lr =	sadd.s32 s0, s3;
	s0 =	sld [smem:$0x3FA6]  }
0x30: {  	s3 =	sld [smem:$0x3FA9]  }
0x31: {  	[smem:$0x3FB2] =	sst s10  }
0x32: {  	s10 =	sld [smem:$0x3FB0];
	_ =	sdelay $0x3  }
0x33: {  	p0 =	seq.s32 s10, $0x1;
	s10 =	sld [smem:$0x3FB2];
	_ =	sdelay $0x3  }
0x34: {  	[smem:$0x3FB2] =	sst s10  }
0x35: {  	s10 =	sld [smem:$0x3FB1];
	_ =	sdelay $0x3  }
0x36: {  	p1 =	seq.s32 s10, $0x1;
	s10 =	sld [smem:$0x3FB2];
	_ =	sdelay $0x3  }
0x37: {  	[smem:$0x3FB2] =	sst s10  }
0x38: {  	s10 =	sld [smem:$0x3FB3]  }
0x39: {  	_ = 	snop;
	(pc) =	sbr.ind lr, $3  }
0x3a: {  	_ = 	snop  }
0x3b: {  	_ = 	snop  }
0x3c: {  	p2 =	seq.s32 s10, $0x1;
	s10 =	sld [smem:$0x3FB2]  }
0x3d: {  	_ =	shalt  }
0x3e: {  	_ =	shalt  }
0x3f: {  	_ =	shalt  }
0x40: {  	_ =	shalt  }
0x41: {  	_ =	shalt  }
0x42: {  	_ =	shalt  }
0x43: {  	_ =	shalt  }
0x44: {  	_ =	shalt  }
0x45: {  	_ =	shalt  }
0x46: {  	_ =	shalt  }
0x47: {  	_ =	shalt  }
0x48: {  	_ =	shalt  }
0x49: {  	_ =	shalt  }
0x4a: {  	_ =	shalt  }
0x4b: {  	_ =	shalt  }
0x4c: {  	_ =	shalt  }
0x4d: {  	_ =	shalt  }
0x4e: {  	_ =	shalt  }
0x4f: {  	_ =	shalt  }
0x50: {  	_ =	shalt  }
0x51: {  	_ =	shalt  }
0x52: {  	_ =	shalt  }
0x53: {  	_ =	shalt  }
0x54: {  	_ =	shalt  }
0x55: {  	_ =	shalt  }
0x56: {  	_ =	shalt  }
0x57: {  	_ =	shalt  }
0x58: {  	_ =	shalt  }
0x59: {  	_ =	shalt  }
0x5a: {  	_ =	shalt  }
0x5b: {  	_ =	shalt  }
0x5c: {  	_ =	shalt  }
0x5d: {  	_ =	shalt  }
0x5e: {  	_ =	shalt  }
0x5f: {  	_ =	shalt  }
0x60: {  	_ =	shalt  }
0x61: {  	_ =	shalt  }
0x62: {  	_ =	shalt  }
0x63: {  	_ =	shalt  }
0x64: {  	_ =	shalt  }
0x65: {  	_ =	shalt  }
0x66: {  	_ =	shalt  }
0x67: {  	_ =	shalt  }
0x68: {  	_ =	shalt  }
0x69: {  	_ =	shalt  }
0x6a: {  	_ =	shalt  }
0x6b: {  	_ =	shalt  }
0x6c: {  	_ =	shalt  }
0x6d: {  	_ =	shalt  }
0x6e: {  	_ =	shalt  }
0x6f: {  	_ =	shalt  }
0x70: {  	_ =	shalt  }
0x71: {  	_ =	shalt  }
0x72: {  	_ =	shalt  }
0x73: {  	_ =	shalt  }
0x74: {  	_ =	shalt  }
0x75: {  	_ =	shalt  }
0x76: {  	_ =	shalt  }
0x77: {  	_ =	shalt  }
0x78: {  	_ =	shalt  }
0x79: {  	_ =	shalt  }
0x7a: {  	_ =	shalt  }
0x7b: {  	_ =	shalt  }
0x7c: {  	_ =	shalt  }
0x7d: {  	_ =	shalt  }
0x7e: {  	_ =	shalt  }
0x7f: {  	_ =	shalt  }
0x80: {  	_ =	shalt  }
0x81: {  	_ =	shalt  }
0x82: {  	_ =	shalt  }
0x83: {  	_ =	shalt  }
0x84: {  	_ =	shalt  }
0x85: {  	_ =	shalt  }
0x86: {  	_ =	shalt  }
0x87: {  	_ =	shalt  }
.Lfunc_end0:
.L_simem_size_0:
called_computation.1_lowered:
.L_overlay_start_0:
0x88: {  	s2 =	sld [smem:$0x3FD9]  }
0x89: {  	s3 =	sld [smem:$0x3FFE];
	_ =	sdelay $0x1  }
0x8a: {  	s1 =	srdreg.scid  }
0x8b: {  	s0 =	sand.u32 $0x1, s1  }
0x8c: {  	s16 =	sshll.u32 s0, $0xA;
	s2 =	sadd.s32 s3, s2  }
0x8d: {  	s2 =	sadd.s32 s2, s16  }
0x8e: {  	[smem:$0x3FBE] =	sst s2  }
0x8f: {  	_ = 	snop  }
0x90: {  	(tm) =	ssettm $0x1  }
0x91: {  	s17 =	sld [smem:$0x3FFB];
	_ =	sdelay $0x3  }
0x92: {  	_ =	strace s17  }
0x93: {  	s2 =	sld [smem:$0x3FFC];
	_ =	sdelay $0x3  }
0x94: {  	_ =	strace s2  }
0x95: {  	s2 =	sld [smem:$0x3FFD];
	_ =	sdelay $0x3  }
0x96: {  	_ =	strace s2  }
0x97: {  	_ =	strace $0x8FFFFFFF  }
0x98: {  	s18 =	sld [smem:$0x3FDB];
	_ =	sdelay $0x1  }
0x99: {  	s19 =	simm.s32 $_scs_section_size  }
0x9a: {  	s4 =	simm.s32 $_size__tile_overlayer_lowered;
	s5 =	simm.s32 $_tile_overlayer_lowered  }
0x9b: {  	s22 =	simm.s32 $0x1BFF;
	s21 =	sshll.u32 s5, $0x1;
	s2 =	sadd.s32 s19, s18  }
0x9c: {  	s6 =	simm.s32 $0x0;
	s20 =	sshll.u32 s4, $0x1;
	s4 =	sadd.s32 s21, s2  }
0x9d: {  	[timem:s6], [sflag:s22] =	dma.local [hbm:s4], s20  }
0x9e: {  	_ =	swait.ge [sflag:s22], s20  }
0x9f: {  	s3 =	ssub.s32 $0x0, s20;
	[sflag:s22] =	ssyncset.done $0x0  }
0xa0: {  	[sflag:s22] =	ssyncadd.s32 s3;
	_ =	sdelay $0x1  }
0xa1: {  	s23 =	simm.s32 $0x1B8B  }
0xa2: {  	_ =	swait.ge [sflag:s23], $0x1  }
0xa3: {  	[sflag:s23] =	ssyncset.done $0x0  }
0xa4: {  	s25 =	simm.s32 $0x1B8E;
	s24 =	sld [smem:$0x3FFE];
	[sflag:s23] =	ssyncadd.s32 $0xFFFFFFFF  }
0xa5: {  	s26 =	simm.s32 $execute0_lowered;
	[smem:$0x3FD2] =	sst s25  }
0xa6: {  	s4 =	sshll.u32 s26, $0x1;
	_ =	strace $0x80000049;
	[dreg:$0x1] =	wrdreg $0xFFFFFFFF  }
0xa7: {  	s28 =	simm.s32 $_size_execute0_lowered;
	s2 =	sadd.s32 s2, s4;
	[dreg:$0x0] =	wrdreg $0x0  }
0xa8: {  	s4 =	sshll.u32 s28, $0x1;
	[dreg:$0x2] =	wrdreg s2  }
0xa9: {  	[dreg:$0x3] =	wrdreg s4  }
0xaa: {  	[dreg:$0x4] =	wrdreg $0xC0  }
0xab: {  	_ =	task [dreg:s6], $0x5FFFF  }
0xac: {  	[dreg:$0x1] =	wrdreg $0xFFFFFFFF  }
0xad: {  	[dreg:$0x0] =	wrdreg $0x60  }
0xae: {  	[dreg:$0x2] =	wrdreg s24  }
0xaf: {  	[dreg:$0x3] =	wrdreg $0x9  }
0xb0: {  	_ =	task.clear_ibuf [dreg:s6], $0x4FFFF;
	_ =	strace $0x90000049  }
0xb1: {  	s29 =	simm.s32 $0x9;
	_ =	strace $0x8000004B  }
0xb2: {  	_ =	swait.ge [sflag:s29], $0x1  }
0xb3: {  	[sflag:s29] =	ssyncadd.s32 $0xFFFFFFFF  }
0xb4: {  	_ =	strace $0x9000004B  }
0xb5: {  	_ =	sfence  }
0xb6: {  	s30 =	sld [smem:$0x0];
	_ =	sdelay $0x2  }
0xb7: {  	s31 =	sshll.u32 s1, $0xD;
	s1 =	sshrl.u32 s1, $0x2  }
0xb8: {  	s3 =	sand.u32 $0x4000, s31;
	s1 =	sadd.s32 s1, s30  }
0xb9: {  	s0 =	sor.u32 s3, s0;
	s1 =	sshll.u32 s1, $0x11  }
0xba: {  	s0 =	sor.u32 s1, s0  }
0xbb: {  	s0 =	sadd.s32 $0x8F2B, s0  }
0xbc: {  	[sflag:s0] =	ssyncadd.remote.s32 $0x1  }
0xbd: {  	_ =	sfence.sel $0xFFFF  }
0xbe: {  	[dreg:$0x0] =	wrdreg $0xFFFFFFFF;
	(pc) =	sbr.abs _section_cstart, $3  }
0xbf: {  	[dreg:$0x1] =	wrdreg $0xFFFFFFFF  }
0xc0: {  	_ =	task.clear_ibuf [dreg:s6], $0x2FFFF;
	_ =	strace $0x9FFFFFFF  }
0xc1: {  	(tm) =	ssettm $0x7FFFFFFF  }
tec
execute0_lowered:
.L_overlay_start_1:
0x0: {  	(tag) =	ssettag $0x1  }
0x1: {  	s0 =	rddreg [dreg:$0x0];
	s1 =	srdreg.scid  }
0x2: {  	s2 =	simm.s32 $0x0;
	s3 =	stileid.u32;
	s9 =	simm.s32 $0x2  }
0x3: {  	s17 =	simm.s32 $0x1;
	s19 =	simm.s32 $0x10000;
	s20 =	simm.s32 $0x800  }
0x4: {  	s21 =	simm.s32 $0x1000;
	s22 =	simm.s32 $0x1800;
	s28 =	simm.s32 $0x4000  }
0x5: {  	s29 =	simm.s32 $0x4800;
	s30 =	simm.s32 $0x5000;
	s31 =	simm.s32 $0x5800  }
0x6: {  	s10 =	simm.s32 $0x7800;
	s11 =	simm.s32 $0x8000;
	s12 =	simm.s32 $0x8800  }
0x7: {  	s13 =	simm.s32 $0x9000;
	s14 =	simm.s32 $0x9800;
	s15 =	simm.s32 $0xA000  }
0x8: {  	s16 =	simm.s32 $0xA800;
	s1 =	sand.u32 $0x1, s1;
	[smem:$0x7FF] =	sst s2  }
0x9: {  	s3 =	sshll.u32 s3, $0x7;
	s4 =	sshll.u32 s1, $0x6;
	_ =	strace $0x8000004A  }
0xa: {  	s1 =	ssub.s32 $0x2, s1;
	s4 =	sor.u32 s4, s3;
	s3 =	sadd.s32 $0x52C00, s0  }
0xb: {  	s23 =	sshrl.u32 s1, $0x1;
	s5 =	sshrl.u32 s4, $0x3;
	s4 =	sshll.u32 s4, $0x7  }
0xc: {  	s1 =	ssub.s32 s1, s23;
	s23 =	simm.s32 $0x2000;
	s6 =	sadd.s32 s5, s0  }
0xd: {  	s7 =	sadd.s32 s4, s0;
	s4 =	sadd.s32 $0x52D00, s0;
	s24 =	sadd.s32 $0x52A00, s6  }
0xe: {  	s5 =	sadd.s32 $0x52E00, s0;
	s8 =	sadd.s32 $0x2600, s7;
	[dreg:$0x2] =	wrdreg s24  }
0xf: {  	s25 =	sadd.s32 $0x52800, s6;
	s6 =	sadd.s32 $0x52F00, s0;
	[dreg:$0x3] =	wrdreg s8  }
0x10: {  	v2 =	vlaneseq.u32;
	s26 =	sadd.s32 $0xD2C00, s7;
	s7 =	smax.u32 s1, $0x1;
	[dreg:$0x4] =	wrdreg s25  }
0x11: {  	vm0 =	vmmov $0xffff;
	v1 =	vshrl.u32 v2, $0x3;
	s1 =	simm.s32 $0x6800;
	[dreg:$0x5] =	wrdreg s26;
	s24 =	simm.s32 $0x2800  }
0x12: {  	v0 =	vand.u32 $0x7, v2;
	v2 =	vor.u32 $0x8, v2;
	v1 =	vmul.u32 $0x8, v1;
	s25 =	simm.s32 $0x3000;
	s26 =	simm.s32 $0x3800;
	s8 =	simm.s32 $0x7000  }
.LBB2_1:
0x13: {  	s18 =	rddreg [dreg:$0x2]  }
0x14: {  	[tilespmem:s19], [sflag:$0x2] =	stream.linear.gather [hbm4b:s18+s2], $0x40, $0x38;
	[tilespmem:$0x10080] =	vst v63  }
0x15: {  	_ =	swait.ge [sflag:s9], $0x40  }
0x16: {  	[sflag:s9] =	ssyncset.done $0x0  }
0x17: {  	[sflag:s9] =	ssyncadd.s32 $0xFFFFFFC0  }
0x18: {  	v3 =	vld [tilespmem:$0x10000];
	_ =	sdelay $0x4  }
0x19: {  	v4 =	vshll.u32 v3, $0x3  }
0x1a: {  	v3 =	vand.u32 $0x7, v3;
	v4 =	vand.u32 $0xFFFFFFC0, v4  }
0x1b: {  	v3 =	vor.u32 v3, v4  }
0x1c: {  	v4 =	vperm.xlane v3, v0;
	_ =	sdelay $0x1  }
0x1d: {  	v4 =	vadd.s32 v1, v4;
	_ =	sdelay $0x4  }
0x1e: {  	[tilespmem:s2], [sflag:$0x1] =	stream.indirect_vreg.gather [hbm4b:s3+s2], $0x80, v4, vm0, $0xb8;
	[tilespmem:$0x10080] =	vst v63  }
0x1f: {  	v3 =	vperm.xlane v3, v2  }
0x20: {  	[tilespmem:s20], [sflag:$0x1] =	stream.indirect_vreg.gather [hbm4b:s4+s2], $0x80, v4, vm0, $0xb8;
	[tilespmem:$0x10080] =	vst v63  }
0x21: {  	v3 =	vadd.s32 v1, v3  }
0x22: {  	[tilespmem:s21], [sflag:$0x1] =	stream.indirect_vreg.gather [hbm4b:s5+s2], $0x80, v4, vm0, $0xb8;
	[tilespmem:$0x10080] =	vst v63  }
0x23: {  	_ = 	snop  }
0x24: {  	[tilespmem:s22], [sflag:$0x1] =	stream.indirect_vreg.gather [hbm4b:s6+s2], $0x80, v4, vm0, $0xb8;
	[tilespmem:$0x10080] =	vst v63  }
0x25: {  	_ = 	snop  }
0x26: {  	[tilespmem:s23], [sflag:$0x1] =	stream.indirect_vreg.gather [hbm4b:s3+s2], $0x80, v3, vm0, $0xb8;
	[tilespmem:$0x10080] =	vst v63  }
0x27: {  	_ = 	snop  }
0x28: {  	[tilespmem:s24], [sflag:$0x1] =	stream.indirect_vreg.gather [hbm4b:s4+s2], $0x80, v3, vm0, $0xb8;
	[tilespmem:$0x10080] =	vst v63  }
0x29: {  	_ = 	snop  }
0x2a: {  	[tilespmem:s25], [sflag:$0x1] =	stream.indirect_vreg.gather [hbm4b:s5+s2], $0x80, v3, vm0, $0xb8;
	[tilespmem:$0x10080] =	vst v63  }
0x2b: {  	_ = 	snop  }
0x2c: {  	[tilespmem:s26], [sflag:$0x1] =	stream.indirect_vreg.gather [hbm4b:s6+s2], $0x80, v3, vm0, $0xb8;
	[tilespmem:$0x10080] =	vst v63  }
0x2d: {  	v3 =	vld [tilespmem:$0x10010];
	_ =	sdelay $0x4  }
0x2e: {  	v57 =	vshll.u32 v3, $0x3  }
0x2f: {  	v3 =	vand.u32 $0x7, v3;
	v4 =	vand.u32 $0xFFFFFFC0, v57  }
0x30: {  	v3 =	vor.u32 v3, v4  }
0x31: {  	v4 =	vperm.xlane v3, v0;
	_ =	sdelay $0x1  }
0x32: {  	v4 =	vadd.s32 v1, v4;
	_ =	sdelay $0x4  }
0x33: {  	[tilespmem:s28], [sflag:$0x1] =	stream.indirect_vreg.gather [hbm4b:s3+s2], $0x80, v4, vm0, $0xb8;
	[tilespmem:$0x10080] =	vst v63  }
0x34: {  	v3 =	vperm.xlane v3, v2  }
0x35: {  	[tilespmem:s29], [sflag:$0x1] =	stream.indirect_vreg.gather [hbm4b:s4+s2], $0x80, v4, vm0, $0xb8;
	[tilespmem:$0x10080] =	vst v63  }
0x36: {  	v3 =	vadd.s32 v1, v3  }
0x37: {  	[tilespmem:s30], [sflag:$0x1] =	stream.indirect_vreg.gather [hbm4b:s5+s2], $0x80, v4, vm0, $0xb8;
	[tilespmem:$0x10080] =	vst v63  }
0x38: {  	_ = 	snop  }
0x39: {  	[tilespmem:s31], [sflag:$0x1] =	stream.indirect_vreg.gather [hbm4b:s6+s2], $0x80, v4, vm0, $0xb8;
	[tilespmem:$0x10080] =	vst v63  }
0x3a: {  	s0 =	simm.s32 $0x6000  }
0x3b: {  	[tilespmem:s0], [sflag:$0x1] =	stream.indirect_vreg.gather [hbm4b:s3+s2], $0x80, v3, vm0, $0xb8;
	[tilespmem:$0x10080] =	vst v63  }
0x3c: {  	_ = 	snop  }
0x3d: {  	[tilespmem:s1], [sflag:$0x1] =	stream.indirect_vreg.gather [hbm4b:s4+s2], $0x80, v3, vm0, $0xb8;
	[tilespmem:$0x10080] =	vst v63  }
0x3e: {  	_ = 	snop  }
0x3f: {  	[tilespmem:s8], [sflag:$0x1] =	stream.indirect_vreg.gather [hbm4b:s5+s2], $0x80, v3, vm0, $0xb8;
	[tilespmem:$0x10080] =	vst v63  }
0x40: {  	_ = 	snop  }
0x41: {  	[tilespmem:s10], [sflag:$0x1] =	stream.indirect_vreg.gather [hbm4b:s6+s2], $0x80, v3, vm0, $0xb8;
	[tilespmem:$0x10080] =	vst v63  }
0x42: {  	v3 =	vld [tilespmem:$0x10020];
	_ =	sdelay $0x4  }
0x43: {  	v58 =	vshll.u32 v3, $0x3  }
0x44: {  	v3 =	vand.u32 $0x7, v3;
	v4 =	vand.u32 $0xFFFFFFC0, v58  }
0x45: {  	v3 =	vor.u32 v3, v4  }
0x46: {  	v4 =	vperm.xlane v3, v0;
	_ =	sdelay $0x1  }
0x47: {  	v4 =	vadd.s32 v1, v4;
	_ =	sdelay $0x4  }
0x48: {  	[tilespmem:s11], [sflag:$0x1] =	stream.indirect_vreg.gather [hbm4b:s3+s2], $0x80, v4, vm0, $0xb8;
	[tilespmem:$0x10080] =	vst v63  }
0x49: {  	v3 =	vperm.xlane v3, v2  }
0x4a: {  	[tilespmem:s12], [sflag:$0x1] =	stream.indirect_vreg.gather [hbm4b:s4+s2], $0x80, v4, vm0, $0xb8;
	[tilespmem:$0x10080] =	vst v63  }
0x4b: {  	v3 =	vadd.s32 v1, v3  }
0x4c: {  	[tilespmem:s13], [sflag:$0x1] =	stream.indirect_vreg.gather [hbm4b:s5+s2], $0x80, v4, vm0, $0xb8;
	[tilespmem:$0x10080] =	vst v63  }
0x4d: {  	_ = 	snop  }
0x4e: {  	[tilespmem:s14], [sflag:$0x1] =	stream.indirect_vreg.gather [hbm4b:s6+s2], $0x80, v4, vm0, $0xb8;
	[tilespmem:$0x10080] =	vst v63  }
0x4f: {  	_ = 	snop  }
0x50: {  	[tilespmem:s15], [sflag:$0x1] =	stream.indirect_vreg.gather [hbm4b:s3+s2], $0x80, v3, vm0, $0xb8;
	[tilespmem:$0x10080] =	vst v63  }
0x51: {  	_ = 	snop  }
0x52: {  	[tilespmem:s16], [sflag:$0x1] =	stream.indirect_vreg.gather [hbm4b:s4+s2], $0x80, v3, vm0, $0xb8;
	[tilespmem:$0x10080] =	vst v63  }
0x53: {  	s18 =	simm.s32 $0xB000  }
0x54: {  	[tilespmem:s18], [sflag:$0x1] =	stream.indirect_vreg.gather [hbm4b:s5+s2], $0x80, v3, vm0, $0xb8;
	[tilespmem:$0x10080] =	vst v63  }
0x55: {  	s18 =	simm.s32 $0xB800  }
0x56: {  	[tilespmem:s18], [sflag:$0x1] =	stream.indirect_vreg.gather [hbm4b:s6+s2], $0x80, v3, vm0, $0xb8;
	[tilespmem:$0x10080] =	vst v63  }
0x57: {  	v3 =	vld [tilespmem:$0x10030];
	_ =	sdelay $0x4  }
0x58: {  	v59 =	vshll.u32 v3, $0x3  }
0x59: {  	v3 =	vand.u32 $0x7, v3;
	v4 =	vand.u32 $0xFFFFFFC0, v59  }
0x5a: {  	v3 =	vor.u32 v3, v4  }
0x5b: {  	v4 =	vperm.xlane v3, v0;
	_ =	sdelay $0x1  }
0x5c: {  	v4 =	vadd.s32 v1, v4;
	_ =	sdelay $0x3  }
0x5d: {  	s18 =	simm.s32 $0xC000  }
0x5e: {  	[tilespmem:s18], [sflag:$0x1] =	stream.indirect_vreg.gather [hbm4b:s3+s2], $0x80, v4, vm0, $0xb8;
	[tilespmem:$0x10080] =	vst v63  }
0x5f: {  	v3 =	vperm.xlane v3, v2;
	s18 =	simm.s32 $0xC800  }
0x60: {  	[tilespmem:s18], [sflag:$0x1] =	stream.indirect_vreg.gather [hbm4b:s4+s2], $0x80, v4, vm0, $0xb8;
	[tilespmem:$0x10080] =	vst v63  }
0x61: {  	v3 =	vadd.s32 v1, v3;
	s18 =	simm.s32 $0xD000  }
0x62: {  	[tilespmem:s18], [sflag:$0x1] =	stream.indirect_vreg.gather [hbm4b:s5+s2], $0x80, v4, vm0, $0xb8;
	[tilespmem:$0x10080] =	vst v63  }
0x63: {  	s18 =	simm.s32 $0xD800  }
0x64: {  	[tilespmem:s18], [sflag:$0x1] =	stream.indirect_vreg.gather [hbm4b:s6+s2], $0x80, v4, vm0, $0xb8;
	[tilespmem:$0x10080] =	vst v63  }
0x65: {  	s18 =	simm.s32 $0xE000  }
0x66: {  	[tilespmem:s18], [sflag:$0x1] =	stream.indirect_vreg.gather [hbm4b:s3+s2], $0x80, v3, vm0, $0xb8;
	[tilespmem:$0x10080] =	vst v63  }
0x67: {  	s18 =	simm.s32 $0xE800  }
0x68: {  	[tilespmem:s18], [sflag:$0x1] =	stream.indirect_vreg.gather [hbm4b:s4+s2], $0x80, v3, vm0, $0xb8;
	[tilespmem:$0x10080] =	vst v63  }
0x69: {  	s18 =	simm.s32 $0xF000  }
0x6a: {  	[tilespmem:s18], [sflag:$0x1] =	stream.indirect_vreg.gather [hbm4b:s5+s2], $0x80, v3, vm0, $0xb8;
	[tilespmem:$0x10080] =	vst v63  }
0x6b: {  	s18 =	simm.s32 $0xF800  }
0x6c: {  	[tilespmem:s18], [sflag:$0x1] =	stream.indirect_vreg.gather [hbm4b:s6+s2], $0x80, v3, vm0, $0xb8;
	[tilespmem:$0x10080] =	vst v63  }
0x6d: {  	_ =	swait.ge [sflag:s17], $0x10000  }
0x6e: {  	[sflag:s17] =	ssyncset.done $0x0  }
0x6f: {  	s18 =	rddreg [dreg:$0x3];
	[sflag:s17] =	ssyncadd.s32 $0xFFFF0000  }
0x70: {  	[hbm4b:s18+s2] =	stream.linear.scatter [tilespmem:s2], [sflag:$0x2], $0x10000, $0x38;
	[tilespmem:$0x10080] =	vst v63  }
0x71: {  	_ =	swait.ge [sflag:s9], $0x10000  }
0x72: {  	[sflag:s9] =	ssyncset.done $0x0  }
0x73: {  	s18 =	rddreg [dreg:$0x4];
	[sflag:s9] =	ssyncadd.s32 $0xFFFF0000  }
0x74: {  	[tilespmem:s19], [sflag:$0x2] =	stream.linear.gather [hbm4b:s18+s2], $0x40, $0x38;
	[tilespmem:$0x10080] =	vst v63  }
0x75: {  	_ =	swait.ge [sflag:s9], $0x40  }
0x76: {  	[sflag:s9] =	ssyncset.done $0x0  }
0x77: {  	[sflag:s9] =	ssyncadd.s32 $0xFFFFFFC0  }
0x78: {  	v3 =	vld [tilespmem:$0x10000];
	_ =	sdelay $0x4  }
0x79: {  	v60 =	vshll.u32 v3, $0x3  }
0x7a: {  	v3 =	vand.u32 $0x7, v3;
	v4 =	vand.u32 $0xFFFFFFC0, v60  }
0x7b: {  	v3 =	vor.u32 v3, v4  }
0x7c: {  	v4 =	vperm.xlane v3, v0;
	_ =	sdelay $0x1  }
0x7d: {  	v4 =	vadd.s32 v1, v4;
	_ =	sdelay $0x4  }
0x7e: {  	[tilespmem:s2], [sflag:$0x1] =	stream.indirect_vreg.gather [hbm4b:s3+s2], $0x80, v4, vm0, $0xb8;
	[tilespmem:$0x10080] =	vst v63  }
0x7f: {  	v3 =	vperm.xlane v3, v2  }
0x80: {  	[tilespmem:s20], [sflag:$0x1] =	stream.indirect_vreg.gather [hbm4b:s4+s2], $0x80, v4, vm0, $0xb8;
	[tilespmem:$0x10080] =	vst v63  }
0x81: {  	v3 =	vadd.s32 v1, v3  }
0x82: {  	[tilespmem:s21], [sflag:$0x1] =	stream.indirect_vreg.gather [hbm4b:s5+s2], $0x80, v4, vm0, $0xb8;
	[tilespmem:$0x10080] =	vst v63  }
0x83: {  	_ = 	snop  }
0x84: {  	[tilespmem:s22], [sflag:$0x1] =	stream.indirect_vreg.gather [hbm4b:s6+s2], $0x80, v4, vm0, $0xb8;
	[tilespmem:$0x10080] =	vst v63  }
0x85: {  	_ = 	snop  }
0x86: {  	[tilespmem:s23], [sflag:$0x1] =	stream.indirect_vreg.gather [hbm4b:s3+s2], $0x80, v3, vm0, $0xb8;
	[tilespmem:$0x10080] =	vst v63  }
0x87: {  	_ = 	snop  }
0x88: {  	[tilespmem:s24], [sflag:$0x1] =	stream.indirect_vreg.gather [hbm4b:s4+s2], $0x80, v3, vm0, $0xb8;
	[tilespmem:$0x10080] =	vst v63  }
0x89: {  	_ = 	snop  }
0x8a: {  	[tilespmem:s25], [sflag:$0x1] =	stream.indirect_vreg.gather [hbm4b:s5+s2], $0x80, v3, vm0, $0xb8;
	[tilespmem:$0x10080] =	vst v63  }
0x8b: {  	_ = 	snop  }
0x8c: {  	[tilespmem:s26], [sflag:$0x1] =	stream.indirect_vreg.gather [hbm4b:s6+s2], $0x80, v3, vm0, $0xb8;
	[tilespmem:$0x10080] =	vst v63  }
0x8d: {  	v3 =	vld [tilespmem:$0x10010];
	_ =	sdelay $0x4  }
0x8e: {  	v61 =	vshll.u32 v3, $0x3  }
0x8f: {  	v3 =	vand.u32 $0x7, v3;
	v4 =	vand.u32 $0xFFFFFFC0, v61  }
0x90: {  	v3 =	vor.u32 v3, v4  }
0x91: {  	v4 =	vperm.xlane v3, v0;
	_ =	sdelay $0x1  }
0x92: {  	v4 =	vadd.s32 v1, v4;
	_ =	sdelay $0x4  }
0x93: {  	[tilespmem:s28], [sflag:$0x1] =	stream.indirect_vreg.gather [hbm4b:s3+s2], $0x80, v4, vm0, $0xb8;
	[tilespmem:$0x10080] =	vst v63  }
0x94: {  	v3 =	vperm.xlane v3, v2  }
0x95: {  	[tilespmem:s29], [sflag:$0x1] =	stream.indirect_vreg.gather [hbm4b:s4+s2], $0x80, v4, vm0, $0xb8;
	[tilespmem:$0x10080] =	vst v63  }
0x96: {  	v3 =	vadd.s32 v1, v3  }
0x97: {  	[tilespmem:s30], [sflag:$0x1] =	stream.indirect_vreg.gather [hbm4b:s5+s2], $0x80, v4, vm0, $0xb8;
	[tilespmem:$0x10080] =	vst v63  }
0x98: {  	_ = 	snop  }
0x99: {  	[tilespmem:s31], [sflag:$0x1] =	stream.indirect_vreg.gather [hbm4b:s6+s2], $0x80, v4, vm0, $0xb8;
	[tilespmem:$0x10080] =	vst v63  }
0x9a: {  	_ = 	snop  }
0x9b: {  	[tilespmem:s0], [sflag:$0x1] =	stream.indirect_vreg.gather [hbm4b:s3+s2], $0x80, v3, vm0, $0xb8;
	[tilespmem:$0x10080] =	vst v63  }
0x9c: {  	_ = 	snop  }
0x9d: {  	[tilespmem:s1], [sflag:$0x1] =	stream.indirect_vreg.gather [hbm4b:s4+s2], $0x80, v3, vm0, $0xb8;
	[tilespmem:$0x10080] =	vst v63  }
0x9e: {  	_ = 	snop  }
0x9f: {  	[tilespmem:s8], [sflag:$0x1] =	stream.indirect_vreg.gather [hbm4b:s5+s2], $0x80, v3, vm0, $0xb8;
	[tilespmem:$0x10080] =	vst v63  }
0xa0: {  	_ = 	snop  }
0xa1: {  	[tilespmem:s10], [sflag:$0x1] =	stream.indirect_vreg.gather [hbm4b:s6+s2], $0x80, v3, vm0, $0xb8;
	[tilespmem:$0x10080] =	vst v63  }
0xa2: {  	v3 =	vld [tilespmem:$0x10020];
	_ =	sdelay $0x4  }
0xa3: {  	v62 =	vshll.u32 v3, $0x3  }
0xa4: {  	v3 =	vand.u32 $0x7, v3;
	v4 =	vand.u32 $0xFFFFFFC0, v62  }
0xa5: {  	v3 =	vor.u32 v3, v4  }
0xa6: {  	v4 =	vperm.xlane v3, v0;
	_ =	sdelay $0x1  }
0xa7: {  	v4 =	vadd.s32 v1, v4;
	_ =	sdelay $0x4  }
0xa8: {  	[tilespmem:s11], [sflag:$0x1] =	stream.indirect_vreg.gather [hbm4b:s3+s2], $0x80, v4, vm0, $0xb8;
	[tilespmem:$0x10080] =	vst v63  }
0xa9: {  	v3 =	vperm.xlane v3, v2  }
0xaa: {  	[tilespmem:s12], [sflag:$0x1] =	stream.indirect_vreg.gather [hbm4b:s4+s2], $0x80, v4, vm0, $0xb8;
	[tilespmem:$0x10080] =	vst v63  }
0xab: {  	v3 =	vadd.s32 v1, v3  }
0xac: {  	[tilespmem:s13], [sflag:$0x1] =	stream.indirect_vreg.gather [hbm4b:s5+s2], $0x80, v4, vm0, $0xb8;
	[tilespmem:$0x10080] =	vst v63  }
0xad: {  	_ = 	snop  }
0xae: {  	[tilespmem:s14], [sflag:$0x1] =	stream.indirect_vreg.gather [hbm4b:s6+s2], $0x80, v4, vm0, $0xb8;
	[tilespmem:$0x10080] =	vst v63  }
0xaf: {  	_ = 	snop  }
0xb0: {  	[tilespmem:s15], [sflag:$0x1] =	stream.indirect_vreg.gather [hbm4b:s3+s2], $0x80, v3, vm0, $0xb8;
	[tilespmem:$0x10080] =	vst v63  }
0xb1: {  	_ = 	snop  }
0xb2: {  	[tilespmem:s16], [sflag:$0x1] =	stream.indirect_vreg.gather [hbm4b:s4+s2], $0x80, v3, vm0, $0xb8;
	[tilespmem:$0x10080] =	vst v63  }
0xb3: {  	s18 =	simm.s32 $0xB000  }
0xb4: {  	[tilespmem:s18], [sflag:$0x1] =	stream.indirect_vreg.gather [hbm4b:s5+s2], $0x80, v3, vm0, $0xb8;
	[tilespmem:$0x10080] =	vst v63  }
0xb5: {  	s18 =	simm.s32 $0xB800  }
0xb6: {  	[tilespmem:s18], [sflag:$0x1] =	stream.indirect_vreg.gather [hbm4b:s6+s2], $0x80, v3, vm0, $0xb8;
	[tilespmem:$0x10080] =	vst v63  }
0xb7: {  	v3 =	vld [tilespmem:$0x10030];
	_ =	sdelay $0x4  }
0xb8: {  	v63 =	vshll.u32 v3, $0x3  }
0xb9: {  	v3 =	vand.u32 $0x7, v3;
	v4 =	vand.u32 $0xFFFFFFC0, v63  }
0xba: {  	v3 =	vor.u32 v3, v4  }
0xbb: {  	v4 =	vperm.xlane v3, v0;
	_ =	sdelay $0x1  }
0xbc: {  	v4 =	vadd.s32 v1, v4;
	_ =	sdelay $0x3  }
0xbd: {  	s18 =	simm.s32 $0xC000  }
0xbe: {  	[tilespmem:s18], [sflag:$0x1] =	stream.indirect_vreg.gather [hbm4b:s3+s2], $0x80, v4, vm0, $0xb8;
	[tilespmem:$0x10080] =	vst v63  }
0xbf: {  	v3 =	vperm.xlane v3, v2;
	s18 =	simm.s32 $0xC800  }
0xc0: {  	[tilespmem:s18], [sflag:$0x1] =	stream.indirect_vreg.gather [hbm4b:s4+s2], $0x80, v4, vm0, $0xb8;
	[tilespmem:$0x10080] =	vst v63  }
0xc1: {  	v3 =	vadd.s32 v1, v3;
	s18 =	simm.s32 $0xD000  }
0xc2: {  	[tilespmem:s18], [sflag:$0x1] =	stream.indirect_vreg.gather [hbm4b:s5+s2], $0x80, v4, vm0, $0xb8;
	[tilespmem:$0x10080] =	vst v63  }
0xc3: {  	s18 =	simm.s32 $0xD800  }
0xc4: {  	[tilespmem:s18], [sflag:$0x1] =	stream.indirect_vreg.gather [hbm4b:s6+s2], $0x80, v4, vm0, $0xb8;
	[tilespmem:$0x10080] =	vst v63  }
0xc5: {  	s18 =	simm.s32 $0xE000  }
0xc6: {  	[tilespmem:s18], [sflag:$0x1] =	stream.indirect_vreg.gather [hbm4b:s3+s2], $0x80, v3, vm0, $0xb8;
	[tilespmem:$0x10080] =	vst v63  }
0xc7: {  	s18 =	simm.s32 $0xE800  }
0xc8: {  	[tilespmem:s18], [sflag:$0x1] =	stream.indirect_vreg.gather [hbm4b:s4+s2], $0x80, v3, vm0, $0xb8;
	[tilespmem:$0x10080] =	vst v63  }
0xc9: {  	s18 =	simm.s32 $0xF000  }
0xca: {  	[tilespmem:s18], [sflag:$0x1] =	stream.indirect_vreg.gather [hbm4b:s5+s2], $0x80, v3, vm0, $0xb8;
	[tilespmem:$0x10080] =	vst v63  }
0xcb: {  	s18 =	simm.s32 $0xF800  }
0xcc: {  	[tilespmem:s18], [sflag:$0x1] =	stream.indirect_vreg.gather [hbm4b:s6+s2], $0x80, v3, vm0, $0xb8;
	[tilespmem:$0x10080] =	vst v63  }
0xcd: {  	_ =	swait.ge [sflag:s17], $0x10000  }
0xce: {  	p0 =	sne.s32 s7, $0x1;
	[sflag:s17] =	ssyncset.done $0x0  }
.Ltmp0:
0xcf: {  	s0 =	rddreg [dreg:$0x5];
	[sflag:s17] =	ssyncadd.s32 $0xFFFF0000;
	(pc) =	sbr.rel @p0 .LBB2_1-.Ltmp0, $4  }
0xd0: {  	[hbm4b:s0+s2] =	stream.linear.scatter [tilespmem:s2], [sflag:$0x2], $0x10000, $0x38;
	[tilespmem:$0x10080] =	vst v63  }
0xd1: {  	_ =	swait.ge [sflag:s9], $0x10000  }
0xd2: {  	[sflag:s9] =	ssyncset.done $0x0  }
0xd3: {  	s7 =	sadd.s32 $0xFFFFFFFF, s7;
	[sflag:s9] =	ssyncadd.s32 $0xFFFF0000  }
0xd4: {  	_ =	sfence.sel $0x180000  }
0xd5: {  	[bflag:$0x0] =	sbarrier.arrive $0xFFFF  }
0xd6: {  	_ =	strace $0x9000004A  }
0xd7: {  	s0 =	stileid.u32;
	[bflag:$0x2] =	sbarrier.arrive $0xFFFF  }
0xd8: {  	p0 =	sne.s32 s0, $0x0;
	s0 =	rddreg [dreg:$0x1]  }
0xd9: {  	s0 =	sadd.s32 @!p0 $0x100000, s0  }
0xda: {  	[sflag:s0] =	ssyncadd.tile.s32 @!p0 $0x1;
	_ =	shalt  }
.Lfunc_end2:
_tile_overlayer_lowered:
.L_overlay_start_2:
0xdb: {  	(tag) =	ssettag $0x2  }
0xdc: {  	s0 =	rddreg [dreg:$0x0];
	s2 =	stileid.u32  }
0xdd: {  	s1 =	rddreg [dreg:$0x1];
	p0 =	sne.s32 s2, $0x0  }
0xde: {  	s3 =	rddreg [dreg:$0x2];
	[bflag:$0x3] =	sbarrier.arrive $0xFFFF;
	s2 =	simm.s32 @!p0 $0x1C02  }
0xdf: {  	[timem:s3], [sflag:s2] =	dma.local @!p0 [hbm:s0], s1  }
0xe0: {  	s0 =	simm.s32 @!p0 $0x2  }
0xe1: {  	_ =	swait.ge @!p0 [sflag:s0], s1  }
0xe2: {  	s1 =	ssub.s32 @!p0 $0x0, s1;
	[sflag:s0] =	ssyncset.done @!p0 $0x0  }
0xe3: {  	[sflag:s0] =	ssyncadd.s32 @!p0 s1  }
0xe4: {  	[bflag:$0x3] =	sbarrier.arrive $0xFFFF  }
0xe5: {  	_ =	shalt  }

</sc_bundles>
